<compile_context>
chip_gen: v7x
topology: tpu7x:2x2x1
jax: 0.10.2.dev20260603
libtpu: 0.0.44.dev20260713+nightly
codegen_flags: <defaults>
</compile_context>

<pallas_src>
import jax
import jax.numpy as jnp
from jax import lax
from jax.experimental import pallas as pl
from jax.experimental.pallas import tpu as pltpu
from jax.experimental.pallas import tpu_sc as plsc

_D = 128
_L = 16
_NCHUNK = _D // _L
_B = 16384
_NW = 32
_PER = _B // _NW
_CH = 128
_NCH = _PER // _CH


def _sc_body(tid_hbm, ratio_hbm, consts_hbm, out_hbm,
             tid_v, ratio_v, consts_v, buf_v, sem0, sem1):
    wid = lax.axis_index("s") * 2 + lax.axis_index("c")
    base = wid * _PER

    cps = [
        pltpu.make_async_copy(tid_hbm.at[pl.ds(base, _PER)], tid_v, sem0),
        pltpu.make_async_copy(ratio_hbm.at[pl.ds(base, _PER)], ratio_v, sem0),
        pltpu.make_async_copy(consts_hbm, consts_v, sem0),
    ]
    for cp in cps:
        cp.start()
    for cp in cps:
        cp.wait()

    row0p = []
    diff = []
    wk = []
    for k in range(_NCHUNK):
        sl = pl.ds(k * _L, _L)
        r0 = consts_v[0, sl]
        row0p.append(r0 + consts_v[3, sl])
        diff.append(consts_v[1, sl] - r0)
        wk.append(consts_v[2, sl])

    def chunk(c, _):
        def group(g, _):
            i0 = c * _CH + g * _L
            tf16 = tid_v[pl.ds(i0, _L)].astype(jnp.float32)
            r16 = ratio_v[pl.ds(i0, _L)]
            for j in range(_L):
                tf = tf16[j]
                r = r16[j]
                i = i0 + j
                for k in range(_NCHUNK):
                    buf_v[i, 0, pl.ds(k * _L, _L)] = (
                        row0p[k] + tf * diff[k] + r * wk[k])
            return _
        lax.fori_loop(0, _CH // _L, group, None)
        pltpu.make_async_copy(
            buf_v.at[pl.ds(c * _CH, _CH)],
            out_hbm.at[pl.ds(base + c * _CH, _CH)],
            sem1).start()
        return _

    lax.fori_loop(0, _NCH, chunk, None)

    def drain(c, _):
        pltpu.make_async_copy(
            buf_v.at[pl.ds(c * _CH, _CH)],
            out_hbm.at[pl.ds(base + c * _CH, _CH)],
            sem1).wait()
        return _

    lax.fori_loop(0, _NCH, drain, None)


@jax.jit
def _run(tid, ratio_flat, consts):
    mesh = plsc.VectorSubcoreMesh(core_axis_name="c", subcore_axis_name="s")
    fn = pl.kernel(
        _sc_body,
        out_type=jax.ShapeDtypeStruct((_B, 1, _D), jnp.float32),
        mesh=mesh,
        scratch_types=[
            pltpu.VMEM((_PER,), jnp.int32),
            pltpu.VMEM((_PER,), jnp.float32),
            pltpu.VMEM((4, _D), jnp.float32),
            pltpu.VMEM((_PER, 1, _D), jnp.float32),
            pltpu.SemaphoreType.DMA,
            pltpu.SemaphoreType.DMA,
        ],
    )
    return fn(tid, ratio_flat, consts)


def kernel(task_id, target_ratio_tensor, task_embed_table, ratio_proj_w, ratio_proj_b):
    tid = task_id.astype(jnp.int32)
    ratio_flat = target_ratio_tensor.reshape(_B)
    consts = jnp.concatenate(
        [task_embed_table,
         ratio_proj_w.reshape(1, _D),
         ratio_proj_b.reshape(1, _D)], axis=0)
    return _run(tid, ratio_flat, consts)

# --- scband reference (transcript-rebuilt; emitter-appended) ---
"""Pipeline reference for scband-condition-encoder-36223754174880 (READ-ONLY COPY).

The authoritative reference and input builder live on the scoring server;
editing this copy changes nothing except your own understanding.
"""

import jax, jax.numpy as jnp
import numpy as np

EMBED_DIM = 128
BATCH = 16384

def setup_inputs(seed: int = 0) -> dict:
    key = jax.random.key(seed)
    k1, k2, k3, k4, k5 = jax.random.split(key, 5)
    task_id = jax.random.randint(k1, (BATCH,), 0, 2, dtype=jnp.int64 if jax.config.jax_enable_x64 else jnp.int32)
    target_ratio_tensor = jax.random.uniform(k2, (BATCH, 1), dtype=jnp.float32)
    task_embed_table = jax.random.normal(k3, (2, EMBED_DIM), dtype=jnp.float32)
    ratio_proj_w = jax.random.normal(k4, (EMBED_DIM, 1), dtype=jnp.float32) * (1.0 / np.sqrt(1.0))
    ratio_proj_b = jax.random.normal(k5, (EMBED_DIM,), dtype=jnp.float32) * 0.01
    return {
        "task_id": task_id,
        "target_ratio_tensor": target_ratio_tensor,
        "task_embed_table": task_embed_table,
        "ratio_proj_w": ratio_proj_w,
        "ratio_proj_b": ratio_proj_b,
    }

def reference(task_id, target_ratio_tensor, task_embed_table, ratio_proj_w, ratio_proj_b):
    # t_emb = self.task_embed(task_id).unsqueeze(1)
    t_emb = jnp.take(task_embed_table, task_id, axis=0)[:, None, :]  # [B, 1, D]
    # r_emb = self.ratio_proj(target_ratio_tensor).unsqueeze(1)
    r_emb = (target_ratio_tensor @ ratio_proj_w.T + ratio_proj_b)[:, None, :]  # [B, 1, D]
    return t_emb + r_emb

if __name__ == "__main__":
    import jax
    _d = setup_inputs()
    print(jax.jit(kernel)(*tuple(_d.values())))

</pallas_src>

<mosaic_0001>
#map = affine_map<(d0, d1) -> (0)>
#map1 = affine_map<(d0, d1) -> (0, 0)>
#map2 = affine_map<(d0, d1) -> (0, 0, 0)>
module attributes {stable_mosaic.version = 14 : i64} {
  func.func @_sc_body(%arg0: i32, %arg1: i32, %arg2: memref<16384xi32, #tpu.memory_space<hbm>>, %arg3: memref<16384xf32, #tpu.memory_space<hbm>>, %arg4: memref<4x128xf32, #tpu.memory_space<hbm>>, %arg5: memref<16384x1x128xf32, #tpu.memory_space<hbm>>, %arg6: memref<512xi32, #tpu.memory_space<vmem>>, %arg7: memref<512xf32, #tpu.memory_space<vmem>>, %arg8: memref<4x128xf32, #tpu.memory_space<vmem>>, %arg9: memref<512x1x128xf32, #tpu.memory_space<vmem>>, %arg10: memref<!tpu.dma_semaphore, #tpu.memory_space<semaphore_mem>>, %arg11: memref<!tpu.dma_semaphore, #tpu.memory_space<semaphore_mem>>) attributes {dimension_semantics = [#tpu.dimension_semantics<core_parallel>, #tpu.dimension_semantics<subcore_parallel>], iteration_bounds = array<i64: 2, 16>, scalar_prefetch = 0 : i64, scratch_operands = 6 : i64, tpu.core_type = #tpu.core_type<sc_vector_subcore>, window_params = [{transform_indices = #map}, {transform_indices = #map}, {transform_indices = #map1}, {transform_indices = #map2}]} {
    %mul3A = arith.constant 2 : i32
    %mul3A_0 = arith.muli %arg1, %mul3A : i32
    %add3A = arith.addi %mul3A_0, %arg0 : i32
    %mul3A_1 = arith.constant 512 : i32
    %mul3A_2 = arith.muli %add3A, %mul3A_1 : i32
    %dma_start3A = tpu.memref_slice %arg2[%mul3A_2] : memref<16384xi32, #tpu.memory_space<hbm>> -> memref<512xi32, #tpu.memory_space<hbm>>
    %dma_start3A_3 = tpu.memref_slice %arg2[%mul3A_2] : memref<16384xi32, #tpu.memory_space<hbm>> -> memref<512xi32, #tpu.memory_space<hbm>>
    tpu.enqueue_dma source(%dma_start3A_3 : memref<512xi32, #tpu.memory_space<hbm>>) target(%arg6 : memref<512xi32, #tpu.memory_space<vmem>>) target_semaphore(%arg10 : memref<!tpu.dma_semaphore, #tpu.memory_space<semaphore_mem>>)
    %dma_start3A_4 = tpu.memref_slice %arg3[%mul3A_2] : memref<16384xf32, #tpu.memory_space<hbm>> -> memref<512xf32, #tpu.memory_space<hbm>>
    %dma_start3A_5 = tpu.memref_slice %arg3[%mul3A_2] : memref<16384xf32, #tpu.memory_space<hbm>> -> memref<512xf32, #tpu.memory_space<hbm>>
    tpu.enqueue_dma source(%dma_start3A_5 : memref<512xf32, #tpu.memory_space<hbm>>) target(%arg7 : memref<512xf32, #tpu.memory_space<vmem>>) target_semaphore(%arg10 : memref<!tpu.dma_semaphore, #tpu.memory_space<semaphore_mem>>)
    tpu.enqueue_dma source(%arg4 : memref<4x128xf32, #tpu.memory_space<hbm>>) target(%arg8 : memref<4x128xf32, #tpu.memory_space<vmem>>) target_semaphore(%arg10 : memref<!tpu.dma_semaphore, #tpu.memory_space<semaphore_mem>>)
    %dma_wait3A = tpu.memref_slice %arg2[%mul3A_2] : memref<16384xi32, #tpu.memory_space<hbm>> -> memref<512xi32, #tpu.memory_space<hbm>>
    %dma_wait3A_6 = tpu.memref_slice %arg2[%mul3A_2] : memref<16384xi32, #tpu.memory_space<hbm>> -> memref<512xi32, #tpu.memory_space<hbm>>
    tpu.wait_dma2 semaphore(%arg10 : memref<!tpu.dma_semaphore, #tpu.memory_space<semaphore_mem>>) src(%dma_wait3A_6 : memref<512xi32, #tpu.memory_space<hbm>>) dst(%arg6 : memref<512xi32, #tpu.memory_space<vmem>>)
    %dma_wait3A_7 = tpu.memref_slice %arg3[%mul3A_2] : memref<16384xf32, #tpu.memory_space<hbm>> -> memref<512xf32, #tpu.memory_space<hbm>>
    %dma_wait3A_8 = tpu.memref_slice %arg3[%mul3A_2] : memref<16384xf32, #tpu.memory_space<hbm>> -> memref<512xf32, #tpu.memory_space<hbm>>
    tpu.wait_dma2 semaphore(%arg10 : memref<!tpu.dma_semaphore, #tpu.memory_space<semaphore_mem>>) src(%dma_wait3A_8 : memref<512xf32, #tpu.memory_space<hbm>>) dst(%arg7 : memref<512xf32, #tpu.memory_space<vmem>>)
    tpu.wait_dma2 semaphore(%arg10 : memref<!tpu.dma_semaphore, #tpu.memory_space<semaphore_mem>>) src(%arg4 : memref<4x128xf32, #tpu.memory_space<hbm>>) dst(%arg8 : memref<4x128xf32, #tpu.memory_space<vmem>>)
    %get3A = arith.constant 0 : i32
    %get3A_9 = arith.index_cast %get3A : i32 to index
    %get3A_10 = arith.constant 0 : index
    %get3A_11 = tpu.vector_load %arg8[%get3A_9, %get3A_10] {strides = array<i32>} : memref<4x128xf32, #tpu.memory_space<vmem>>, vector<1x16xf32>,
    %get3A_12 = vector.shape_cast %get3A_11 : vector<1x16xf32> to vector<16xf32>
    %get3A_13 = arith.constant 3 : i32
    %get3A_14 = arith.index_cast %get3A_13 : i32 to index
    %get3A_15 = arith.constant 0 : index
    %get3A_16 = tpu.vector_load %arg8[%get3A_14, %get3A_15] {strides = array<i32>} : memref<4x128xf32, #tpu.memory_space<vmem>>, vector<1x16xf32>,
    %get3A_17 = vector.shape_cast %get3A_16 : vector<1x16xf32> to vector<16xf32>
    %add3A_18 = arith.addf %get3A_12, %get3A_17 : vector<16xf32>
    %get3A_19 = arith.constant 1 : i32
    %get3A_20 = arith.index_cast %get3A_19 : i32 to index
    %get3A_21 = arith.constant 0 : index
    %get3A_22 = tpu.vector_load %arg8[%get3A_20, %get3A_21] {strides = array<i32>} : memref<4x128xf32, #tpu.memory_space<vmem>>, vector<1x16xf32>,
    %get3A_23 = vector.shape_cast %get3A_22 : vector<1x16xf32> to vector<16xf32>
    %sub3A = arith.subf %get3A_23, %get3A_12 : vector<16xf32>
    %get3A_24 = arith.constant 2 : i32
    %get3A_25 = arith.index_cast %get3A_24 : i32 to index
    %get3A_26 = arith.constant 0 : index
    %get3A_27 = tpu.vector_load %arg8[%get3A_25, %get3A_26] {strides = array<i32>} : memref<4x128xf32, #tpu.memory_space<vmem>>, vector<1x16xf32>,
    %get3A_28 = vector.shape_cast %get3A_27 : vector<1x16xf32> to vector<16xf32>
    %get3A_29 = arith.constant 0 : i32
    %get3A_30 = arith.index_cast %get3A_29 : i32 to index
    %get3A_31 = arith.constant 16 : index
    %get3A_32 = tpu.vector_load %arg8[%get3A_30, %get3A_31] {strides = array<i32>} : memref<4x128xf32, #tpu.memory_space<vmem>>, vector<1x16xf32>,
    %get3A_33 = vector.shape_cast %get3A_32 : vector<1x16xf32> to vector<16xf32>
    %get3A_34 = arith.constant 3 : i32
    %get3A_35 = arith.index_cast %get3A_34 : i32 to index
    %get3A_36 = arith.constant 16 : index
    %get3A_37 = tpu.vector_load %arg8[%get3A_35, %get3A_36] {strides = array<i32>} : memref<4x128xf32, #tpu.memory_space<vmem>>, vector<1x16xf32>,
    %get3A_38 = vector.shape_cast %get3A_37 : vector<1x16xf32> to vector<16xf32>
    %add3A_39 = arith.addf %get3A_33, %get3A_38 : vector<16xf32>
    %get3A_40 = arith.constant 1 : i32
    %get3A_41 = arith.index_cast %get3A_40 : i32 to index
    %get3A_42 = arith.constant 16 : index
    %get3A_43 = tpu.vector_load %arg8[%get3A_41, %get3A_42] {strides = array<i32>} : memref<4x128xf32, #tpu.memory_space<vmem>>, vector<1x16xf32>,
    %get3A_44 = vector.shape_cast %get3A_43 : vector<1x16xf32> to vector<16xf32>
    %sub3A_45 = arith.subf %get3A_44, %get3A_33 : vector<16xf32>
    %get3A_46 = arith.constant 2 : i32
    %get3A_47 = arith.index_cast %get3A_46 : i32 to index
    %get3A_48 = arith.constant 16 : index
    %get3A_49 = tpu.vector_load %arg8[%get3A_47, %get3A_48] {strides = array<i32>} : memref<4x128xf32, #tpu.memory_space<vmem>>, vector<1x16xf32>,
    %get3A_50 = vector.shape_cast %get3A_49 : vector<1x16xf32> to vector<16xf32>
    %get3A_51 = arith.constant 0 : i32
    %get3A_52 = arith.index_cast %get3A_51 : i32 to index
    %get3A_53 = arith.constant 32 : index
    %get3A_54 = tpu.vector_load %arg8[%get3A_52, %get3A_53] {strides = array<i32>} : memref<4x128xf32, #tpu.memory_space<vmem>>, vector<1x16xf32>,
    %get3A_55 = vector.shape_cast %get3A_54 : vector<1x16xf32> to vector<16xf32>
    %get3A_56 = arith.constant 3 : i32
    %get3A_57 = arith.index_cast %get3A_56 : i32 to index
    %get3A_58 = arith.constant 32 : index
    %get3A_59 = tpu.vector_load %arg8[%get3A_57, %get3A_58] {strides = array<i32>} : memref<4x128xf32, #tpu.memory_space<vmem>>, vector<1x16xf32>,
    %get3A_60 = vector.shape_cast %get3A_59 : vector<1x16xf32> to vector<16xf32>
    %add3A_61 = arith.addf %get3A_55, %get3A_60 : vector<16xf32>
    %get3A_62 = arith.constant 1 : i32
    %get3A_63 = arith.index_cast %get3A_62 : i32 to index
    %get3A_64 = arith.constant 32 : index
    %get3A_65 = tpu.vector_load %arg8[%get3A_63, %get3A_64] {strides = array<i32>} : memref<4x128xf32, #tpu.memory_space<vmem>>, vector<1x16xf32>,
    %get3A_66 = vector.shape_cast %get3A_65 : vector<1x16xf32> to vector<16xf32>
    %sub3A_67 = arith.subf %get3A_66, %get3A_55 : vector<16xf32>
    %get3A_68 = arith.constant 2 : i32
    %get3A_69 = arith.index_cast %get3A_68 : i32 to index
    %get3A_70 = arith.constant 32 : index
    %get3A_71 = tpu.vector_load %arg8[%get3A_69, %get3A_70] {strides = array<i32>} : memref<4x128xf32, #tpu.memory_space<vmem>>, vector<1x16xf32>,
    %get3A_72 = vector.shape_cast %get3A_71 : vector<1x16xf32> to vector<16xf32>
    %get3A_73 = arith.constant 0 : i32
    %get3A_74 = arith.index_cast %get3A_73 : i32 to index
    %get3A_75 = arith.constant 48 : index
    %get3A_76 = tpu.vector_load %arg8[%get3A_74, %get3A_75] {strides = array<i32>} : memref<4x128xf32, #tpu.memory_space<vmem>>, vector<1x16xf32>,
    %get3A_77 = vector.shape_cast %get3A_76 : vector<1x16xf32> to vector<16xf32>
    %get3A_78 = arith.constant 3 : i32
    %get3A_79 = arith.index_cast %get3A_78 : i32 to index
    %get3A_80 = arith.constant 48 : index
    %get3A_81 = tpu.vector_load %arg8[%get3A_79, %get3A_80] {strides = array<i32>} : memref<4x128xf32, #tpu.memory_space<vmem>>, vector<1x16xf32>,
    %get3A_82 = vector.shape_cast %get3A_81 : vector<1x16xf32> to vector<16xf32>
    %add3A_83 = arith.addf %get3A_77, %get3A_82 : vector<16xf32>
    %get3A_84 = arith.constant 1 : i32
    %get3A_85 = arith.index_cast %get3A_84 : i32 to index
    %get3A_86 = arith.constant 48 : index
    %get3A_87 = tpu.vector_load %arg8[%get3A_85, %get3A_86] {strides = array<i32>} : memref<4x128xf32, #tpu.memory_space<vmem>>, vector<1x16xf32>,
    %get3A_88 = vector.shape_cast %get3A_87 : vector<1x16xf32> to vector<16xf32>
    %sub3A_89 = arith.subf %get3A_88, %get3A_77 : vector<16xf32>
    %get3A_90 = arith.constant 2 : i32
    %get3A_91 = arith.index_cast %get3A_90 : i32 to index
    %get3A_92 = arith.constant 48 : index
    %get3A_93 = tpu.vector_load %arg8[%get3A_91, %get3A_92] {strides = array<i32>} : memref<4x128xf32, #tpu.memory_space<vmem>>, vector<1x16xf32>,
    %get3A_94 = vector.shape_cast %get3A_93 : vector<1x16xf32> to vector<16xf32>
    %get3A_95 = arith.constant 0 : i32
    %get3A_96 = arith.index_cast %get3A_95 : i32 to index
    %get3A_97 = arith.constant 64 : index
    %get3A_98 = tpu.vector_load %arg8[%get3A_96, %get3A_97] {strides = array<i32>} : memref<4x128xf32, #tpu.memory_space<vmem>>, vector<1x16xf32>,
    %get3A_99 = vector.shape_cast %get3A_98 : vector<1x16xf32> to vector<16xf32>
    %get3A_100 = arith.constant 3 : i32
    %get3A_101 = arith.index_cast %get3A_100 : i32 to index
    %get3A_102 = arith.constant 64 : index
    %get3A_103 = tpu.vector_load %arg8[%get3A_101, %get3A_102] {strides = array<i32>} : memref<4x128xf32, #tpu.memory_space<vmem>>, vector<1x16xf32>,
    %get3A_104 = vector.shape_cast %get3A_103 : vector<1x16xf32> to vector<16xf32>
    %add3A_105 = arith.addf %get3A_99, %get3A_104 : vector<16xf32>
    %get3A_106 = arith.constant 1 : i32
    %get3A_107 = arith.index_cast %get3A_106 : i32 to index
    %get3A_108 = arith.constant 64 : index
    %get3A_109 = tpu.vector_load %arg8[%get3A_107, %get3A_108] {strides = array<i32>} : memref<4x128xf32, #tpu.memory_space<vmem>>, vector<1x16xf32>,
    %get3A_110 = vector.shape_cast %get3A_109 : vector<1x16xf32> to vector<16xf32>
    %sub3A_111 = arith.subf %get3A_110, %get3A_99 : vector<16xf32>
    %get3A_112 = arith.constant 2 : i32
    %get3A_113 = arith.index_cast %get3A_112 : i32 to index
    %get3A_114 = arith.constant 64 : index
    %get3A_115 = tpu.vector_load %arg8[%get3A_113, %get3A_114] {strides = array<i32>} : memref<4x128xf32, #tpu.memory_space<vmem>>, vector<1x16xf32>,
    %get3A_116 = vector.shape_cast %get3A_115 : vector<1x16xf32> to vector<16xf32>
    %get3A_117 = arith.constant 0 : i32
    %get3A_118 = arith.index_cast %get3A_117 : i32 to index
    %get3A_119 = arith.constant 80 : index
    %get3A_120 = tpu.vector_load %arg8[%get3A_118, %get3A_119] {strides = array<i32>} : memref<4x128xf32, #tpu.memory_space<vmem>>, vector<1x16xf32>,
    %get3A_121 = vector.shape_cast %get3A_120 : vector<1x16xf32> to vector<16xf32>
    %get3A_122 = arith.constant 3 : i32
    %get3A_123 = arith.index_cast %get3A_122 : i32 to index
    %get3A_124 = arith.constant 80 : index
    %get3A_125 = tpu.vector_load %arg8[%get3A_123, %get3A_124] {strides = array<i32>} : memref<4x128xf32, #tpu.memory_space<vmem>>, vector<1x16xf32>,
    %get3A_126 = vector.shape_cast %get3A_125 : vector<1x16xf32> to vector<16xf32>
    %add3A_127 = arith.addf %get3A_121, %get3A_126 : vector<16xf32>
    %get3A_128 = arith.constant 1 : i32
    %get3A_129 = arith.index_cast %get3A_128 : i32 to index
    %get3A_130 = arith.constant 80 : index
    %get3A_131 = tpu.vector_load %arg8[%get3A_129, %get3A_130] {strides = array<i32>} : memref<4x128xf32, #tpu.memory_space<vmem>>, vector<1x16xf32>,
    %get3A_132 = vector.shape_cast %get3A_131 : vector<1x16xf32> to vector<16xf32>
    %sub3A_133 = arith.subf %get3A_132, %get3A_121 : vector<16xf32>
    %get3A_134 = arith.constant 2 : i32
    %get3A_135 = arith.index_cast %get3A_134 : i32 to index
    %get3A_136 = arith.constant 80 : index
    %get3A_137 = tpu.vector_load %arg8[%get3A_135, %get3A_136] {strides = array<i32>} : memref<4x128xf32, #tpu.memory_space<vmem>>, vector<1x16xf32>,
    %get3A_138 = vector.shape_cast %get3A_137 : vector<1x16xf32> to vector<16xf32>
    %get3A_139 = arith.constant 0 : i32
    %get3A_140 = arith.index_cast %get3A_139 : i32 to index
    %get3A_141 = arith.constant 96 : index
    %get3A_142 = tpu.vector_load %arg8[%get3A_140, %get3A_141] {strides = array<i32>} : memref<4x128xf32, #tpu.memory_space<vmem>>, vector<1x16xf32>,
    %get3A_143 = vector.shape_cast %get3A_142 : vector<1x16xf32> to vector<16xf32>
    %get3A_144 = arith.constant 3 : i32
    %get3A_145 = arith.index_cast %get3A_144 : i32 to index
    %get3A_146 = arith.constant 96 : index
    %get3A_147 = tpu.vector_load %arg8[%get3A_145, %get3A_146] {strides = array<i32>} : memref<4x128xf32, #tpu.memory_space<vmem>>, vector<1x16xf32>,
    %get3A_148 = vector.shape_cast %get3A_147 : vector<1x16xf32> to vector<16xf32>
    %add3A_149 = arith.addf %get3A_143, %get3A_148 : vector<16xf32>
    %get3A_150 = arith.constant 1 : i32
    %get3A_151 = arith.index_cast %get3A_150 : i32 to index
    %get3A_152 = arith.constant 96 : index
    %get3A_153 = tpu.vector_load %arg8[%get3A_151, %get3A_152] {strides = array<i32>} : memref<4x128xf32, #tpu.memory_space<vmem>>, vector<1x16xf32>,
    %get3A_154 = vector.shape_cast %get3A_153 : vector<1x16xf32> to vector<16xf32>
    %sub3A_155 = arith.subf %get3A_154, %get3A_143 : vector<16xf32>
    %get3A_156 = arith.constant 2 : i32
    %get3A_157 = arith.index_cast %get3A_156 : i32 to index
    %get3A_158 = arith.constant 96 : index
    %get3A_159 = tpu.vector_load %arg8[%get3A_157, %get3A_158] {strides = array<i32>} : memref<4x128xf32, #tpu.memory_space<vmem>>, vector<1x16xf32>,
    %get3A_160 = vector.shape_cast %get3A_159 : vector<1x16xf32> to vector<16xf32>
    %get3A_161 = arith.constant 0 : i32
    %get3A_162 = arith.index_cast %get3A_161 : i32 to index
    %get3A_163 = arith.constant 112 : index
    %get3A_164 = tpu.vector_load %arg8[%get3A_162, %get3A_163] {strides = array<i32>} : memref<4x128xf32, #tpu.memory_space<vmem>>, vector<1x16xf32>,
    %get3A_165 = vector.shape_cast %get3A_164 : vector<1x16xf32> to vector<16xf32>
    %get3A_166 = arith.constant 3 : i32
    %get3A_167 = arith.index_cast %get3A_166 : i32 to index
    %get3A_168 = arith.constant 112 : index
    %get3A_169 = tpu.vector_load %arg8[%get3A_167, %get3A_168] {strides = array<i32>} : memref<4x128xf32, #tpu.memory_space<vmem>>, vector<1x16xf32>,
    %get3A_170 = vector.shape_cast %get3A_169 : vector<1x16xf32> to vector<16xf32>
    %add3A_171 = arith.addf %get3A_165, %get3A_170 : vector<16xf32>
    %get3A_172 = arith.constant 1 : i32
    %get3A_173 = arith.index_cast %get3A_172 : i32 to index
    %get3A_174 = arith.constant 112 : index
    %get3A_175 = tpu.vector_load %arg8[%get3A_173, %get3A_174] {strides = array<i32>} : memref<4x128xf32, #tpu.memory_space<vmem>>, vector<1x16xf32>,
    %get3A_176 = vector.shape_cast %get3A_175 : vector<1x16xf32> to vector<16xf32>
    %sub3A_177 = arith.subf %get3A_176, %get3A_165 : vector<16xf32>
    %get3A_178 = arith.constant 2 : i32
    %get3A_179 = arith.index_cast %get3A_178 : i32 to index
    %get3A_180 = arith.constant 112 : index
    %get3A_181 = tpu.vector_load %arg8[%get3A_179, %get3A_180] {strides = array<i32>} : memref<4x128xf32, #tpu.memory_space<vmem>>, vector<1x16xf32>,
    %get3A_182 = vector.shape_cast %get3A_181 : vector<1x16xf32> to vector<16xf32>
    %scan3A = arith.constant 0 : i32
    %scan3A_183 = arith.constant 4 : i32
    %scan3A_184 = arith.addi %scan3A, %scan3A_183 : i32
    %scan3A_185 = arith.constant 1 : i32
    scf.for %scan3A_192 = %scan3A to %scan3A_184 step %scan3A_185  : i32 {
      %scan3A_193 = arith.constant 0 : i32
      %scan3A_194 = arith.constant 8 : i32
      %scan3A_195 = arith.addi %scan3A_193, %scan3A_194 : i32
      %scan3A_196 = arith.constant 1 : i32
      scf.for %scan3A_215 = %scan3A_193 to %scan3A_195 step %scan3A_196  : i32 {
        %mul3A_216 = arith.constant 128 : i32
        %mul3A_217 = arith.muli %scan3A_192, %mul3A_216 : i32
        %mul3A_218 = arith.constant 16 : i32
        %mul3A_219 = arith.muli %scan3A_215, %mul3A_218 : i32
        %add3A_220 = arith.addi %mul3A_217, %mul3A_219 : i32
        %get3A_221 = arith.index_cast %add3A_220 : i32 to index
        %get3A_222 = tpu.vector_load %arg6[%get3A_221] {strides = array<i32>} : memref<512xi32, #tpu.memory_space<vmem>>, vector<16xi32>,
        %get3A_223 = vector.shape_cast %get3A_222 : vector<16xi32> to vector<16xi32>
        %convert_element_type3A = arith.sitofp %get3A_223 : vector<16xi32> to vector<16xf32>
        %get3A_224 = arith.index_cast %add3A_220 : i32 to index
        %get3A_225 = tpu.vector_load %arg7[%get3A_224] {strides = array<i32>} : memref<512xf32, #tpu.memory_space<vmem>>, vector<16xf32>,
        %get3A_226 = vector.shape_cast %get3A_225 : vector<16xf32> to vector<16xf32>
        %slice3A = vector.extract_strided_slice %convert_element_type3A {offsets = [0], sizes = [1], strides = [1]} : vector<16xf32> to vector<1xf32>
        %squeeze3A = vector.extract %slice3A[0] : f32 from vector<1xf32>
        %slice3A_227 = vector.extract_strided_slice %get3A_226 {offsets = [0], sizes = [1], strides = [1]} : vector<16xf32> to vector<1xf32>
        %squeeze3A_228 = vector.extract %slice3A_227[0] : f32 from vector<1xf32>
        %add3A_229 = arith.constant 0 : i32
        %add3A_230 = arith.addi %add3A_220, %add3A_229 : i32
        %mul3A_231 = vector.broadcast %squeeze3A : f32 to vector<16xf32>
        %mul3A_232 = arith.mulf %mul3A_231, %sub3A : vector<16xf32>
        %add3A_233 = arith.addf %add3A_18, %mul3A_232 : vector<16xf32>
        %mul3A_234 = vector.broadcast %squeeze3A_228 : f32 to vector<16xf32>
        %mul3A_235 = arith.mulf %mul3A_234, %get3A_28 : vector<16xf32>
        %add3A_236 = arith.addf %add3A_233, %mul3A_235 : vector<16xf32>
        %swap3A = arith.constant 0 : i32
        %swap3A_237 = arith.index_cast %add3A_230 : i32 to index
        %swap3A_238 = arith.index_cast %swap3A : i32 to index
        %swap3A_239 = arith.constant 0 : index
        %swap3A_240 = tpu.vector_load %arg9[%swap3A_237, %swap3A_238, %swap3A_239] {strides = array<i32>} : memref<512x1x128xf32, #tpu.memory_space<vmem>>, vector<1x1x16xf32>,
        %swap3A_241 = vector.shape_cast %swap3A_240 : vector<1x1x16xf32> to vector<16xf32>
        %swap3A_242 = vector.shape_cast %add3A_236 : vector<16xf32> to vector<1x1x16xf32>
        tpu.vector_store %arg9[%swap3A_237, %swap3A_238, %swap3A_239], %swap3A_242 {strides = array<i32>} : memref<512x1x128xf32, #tpu.memory_space<vmem>>, vector<1x1x16xf32>,
        %mul3A_243 = vector.broadcast %squeeze3A : f32 to vector<16xf32>
        %mul3A_244 = arith.mulf %mul3A_243, %sub3A_45 : vector<16xf32>
        %add3A_245 = arith.addf %add3A_39, %mul3A_244 : vector<16xf32>
        %mul3A_246 = vector.broadcast %squeeze3A_228 : f32 to vector<16xf32>
        %mul3A_247 = arith.mulf %mul3A_246, %get3A_50 : vector<16xf32>
        %add3A_248 = arith.addf %add3A_245, %mul3A_247 : vector<16xf32>
        %swap3A_249 = arith.constant 0 : i32
        %swap3A_250 = arith.index_cast %add3A_230 : i32 to index
        %swap3A_251 = arith.index_cast %swap3A_249 : i32 to index
        %swap3A_252 = arith.constant 16 : index
        %swap3A_253 = tpu.vector_load %arg9[%swap3A_250, %swap3A_251, %swap3A_252] {strides = array<i32>} : memref<512x1x128xf32, #tpu.memory_space<vmem>>, vector<1x1x16xf32>,
        %swap3A_254 = vector.shape_cast %swap3A_253 : vector<1x1x16xf32> to vector<16xf32>
        %swap3A_255 = vector.shape_cast %add3A_248 : vector<16xf32> to vector<1x1x16xf32>
        tpu.vector_store %arg9[%swap3A_250, %swap3A_251, %swap3A_252], %swap3A_255 {strides = array<i32>} : memref<512x1x128xf32, #tpu.memory_space<vmem>>, vector<1x1x16xf32>,
        %mul3A_256 = vector.broadcast %squeeze3A : f32 to vector<16xf32>
        %mul3A_257 = arith.mulf %mul3A_256, %sub3A_67 : vector<16xf32>
        %add3A_258 = arith.addf %add3A_61, %mul3A_257 : vector<16xf32>
        %mul3A_259 = vector.broadcast %squeeze3A_228 : f32 to vector<16xf32>
        %mul3A_260 = arith.mulf %mul3A_259, %get3A_72 : vector<16xf32>
        %add3A_261 = arith.addf %add3A_258, %mul3A_260 : vector<16xf32>
        %swap3A_262 = arith.constant 0 : i32
        %swap3A_263 = arith.index_cast %add3A_230 : i32 to index
        %swap3A_264 = arith.index_cast %swap3A_262 : i32 to index
        %swap3A_265 = arith.constant 32 : index
        %swap3A_266 = tpu.vector_load %arg9[%swap3A_263, %swap3A_264, %swap3A_265] {strides = array<i32>} : memref<512x1x128xf32, #tpu.memory_space<vmem>>, vector<1x1x16xf32>,
        %swap3A_267 = vector.shape_cast %swap3A_266 : vector<1x1x16xf32> to vector<16xf32>
        %swap3A_268 = vector.shape_cast %add3A_261 : vector<16xf32> to vector<1x1x16xf32>
        tpu.vector_store %arg9[%swap3A_263, %swap3A_264, %swap3A_265], %swap3A_268 {strides = array<i32>} : memref<512x1x128xf32, #tpu.memory_space<vmem>>, vector<1x1x16xf32>,
        %mul3A_269 = vector.broadcast %squeeze3A : f32 to vector<16xf32>
        %mul3A_270 = arith.mulf %mul3A_269, %sub3A_89 : vector<16xf32>
        %add3A_271 = arith.addf %add3A_83, %mul3A_270 : vector<16xf32>
        %mul3A_272 = vector.broadcast %squeeze3A_228 : f32 to vector<16xf32>
        %mul3A_273 = arith.mulf %mul3A_272, %get3A_94 : vector<16xf32>
        %add3A_274 = arith.addf %add3A_271, %mul3A_273 : vector<16xf32>
        %swap3A_275 = arith.constant 0 : i32
        %swap3A_276 = arith.index_cast %add3A_230 : i32 to index
        %swap3A_277 = arith.index_cast %swap3A_275 : i32 to index
        %swap3A_278 = arith.constant 48 : index
        %swap3A_279 = tpu.vector_load %arg9[%swap3A_276, %swap3A_277, %swap3A_278] {strides = array<i32>} : memref<512x1x128xf32, #tpu.memory_space<vmem>>, vector<1x1x16xf32>,
        %swap3A_280 = vector.shape_cast %swap3A_279 : vector<1x1x16xf32> to vector<16xf32>
        %swap3A_281 = vector.shape_cast %add3A_274 : vector<16xf32> to vector<1x1x16xf32>
        tpu.vector_store %arg9[%swap3A_276, %swap3A_277, %swap3A_278], %swap3A_281 {strides = array<i32>} : memref<512x1x128xf32, #tpu.memory_space<vmem>>, vector<1x1x16xf32>,
        %mul3A_282 = vector.broadcast %squeeze3A : f32 to vector<16xf32>
        %mul3A_283 = arith.mulf %mul3A_282, %sub3A_111 : vector<16xf32>
        %add3A_284 = arith.addf %add3A_105, %mul3A_283 : vector<16xf32>
        %mul3A_285 = vector.broadcast %squeeze3A_228 : f32 to vector<16xf32>
        %mul3A_286 = arith.mulf %mul3A_285, %get3A_116 : vector<16xf32>
        %add3A_287 = arith.addf %add3A_284, %mul3A_286 : vector<16xf32>
        %swap3A_288 = arith.constant 0 : i32
        %swap3A_289 = arith.index_cast %add3A_230 : i32 to index
        %swap3A_290 = arith.index_cast %swap3A_288 : i32 to index
        %swap3A_291 = arith.constant 64 : index
        %swap3A_292 = tpu.vector_load %arg9[%swap3A_289, %swap3A_290, %swap3A_291] {strides = array<i32>} : memref<512x1x128xf32, #tpu.memory_space<vmem>>, vector<1x1x16xf32>,
        %swap3A_293 = vector.shape_cast %swap3A_292 : vector<1x1x16xf32> to vector<16xf32>
        %swap3A_294 = vector.shape_cast %add3A_287 : vector<16xf32> to vector<1x1x16xf32>
        tpu.vector_store %arg9[%swap3A_289, %swap3A_290, %swap3A_291], %swap3A_294 {strides = array<i32>} : memref<512x1x128xf32, #tpu.memory_space<vmem>>, vector<1x1x16xf32>,
        %mul3A_295 = vector.broadcast %squeeze3A : f32 to vector<16xf32>
        %mul3A_296 = arith.mulf %mul3A_295, %sub3A_133 : vector<16xf32>
        %add3A_297 = arith.addf %add3A_127, %mul3A_296 : vector<16xf32>
        %mul3A_298 = vector.broadcast %squeeze3A_228 : f32 to vector<16xf32>
        %mul3A_299 = arith.mulf %mul3A_298, %get3A_138 : vector<16xf32>
        %add3A_300 = arith.addf %add3A_297, %mul3A_299 : vector<16xf32>
        %swap3A_301 = arith.constant 0 : i32
        %swap3A_302 = arith.index_cast %add3A_230 : i32 to index
        %swap3A_303 = arith.index_cast %swap3A_301 : i32 to index
        %swap3A_304 = arith.constant 80 : index
        %swap3A_305 = tpu.vector_load %arg9[%swap3A_302, %swap3A_303, %swap3A_304] {strides = array<i32>} : memref<512x1x128xf32, #tpu.memory_space<vmem>>, vector<1x1x16xf32>,
        %swap3A_306 = vector.shape_cast %swap3A_305 : vector<1x1x16xf32> to vector<16xf32>
        %swap3A_307 = vector.shape_cast %add3A_300 : vector<16xf32> to vector<1x1x16xf32>
        tpu.vector_store %arg9[%swap3A_302, %swap3A_303, %swap3A_304], %swap3A_307 {strides = array<i32>} : memref<512x1x128xf32, #tpu.memory_space<vmem>>, vector<1x1x16xf32>,
        %mul3A_308 = vector.broadcast %squeeze3A : f32 to vector<16xf32>
        %mul3A_309 = arith.mulf %mul3A_308, %sub3A_155 : vector<16xf32>
        %add3A_310 = arith.addf %add3A_149, %mul3A_309 : vector<16xf32>
        %mul3A_311 = vector.broadcast %squeeze3A_228 : f32 to vector<16xf32>
        %mul3A_312 = arith.mulf %mul3A_311, %get3A_160 : vector<16xf32>
        %add3A_313 = arith.addf %add3A_310, %mul3A_312 : vector<16xf32>
        %swap3A_314 = arith.constant 0 : i32
        %swap3A_315 = arith.index_cast %add3A_230 : i32 to index
        %swap3A_316 = arith.index_cast %swap3A_314 : i32 to index
        %swap3A_317 = arith.constant 96 : index
        %swap3A_318 = tpu.vector_load %arg9[%swap3A_315, %swap3A_316, %swap3A_317] {strides = array<i32>} : memref<512x1x128xf32, #tpu.memory_space<vmem>>, vector<1x1x16xf32>,
        %swap3A_319 = vector.shape_cast %swap3A_318 : vector<1x1x16xf32> to vector<16xf32>
        %swap3A_320 = vector.shape_cast %add3A_313 : vector<16xf32> to vector<1x1x16xf32>
        tpu.vector_store %arg9[%swap3A_315, %swap3A_316, %swap3A_317], %swap3A_320 {strides = array<i32>} : memref<512x1x128xf32, #tpu.memory_space<vmem>>, vector<1x1x16xf32>,
        %mul3A_321 = vector.broadcast %squeeze3A : f32 to vector<16xf32>
        %mul3A_322 = arith.mulf %mul3A_321, %sub3A_177 : vector<16xf32>
        %add3A_323 = arith.addf %add3A_171, %mul3A_322 : vector<16xf32>
        %mul3A_324 = vector.broadcast %squeeze3A_228 : f32 to vector<16xf32>
        %mul3A_325 = arith.mulf %mul3A_324, %get3A_182 : vector<16xf32>
        %add3A_326 = arith.addf %add3A_323, %mul3A_325 : vector<16xf32>
        %swap3A_327 = arith.constant 0 : i32
        %swap3A_328 = arith.index_cast %add3A_230 : i32 to index
        %swap3A_329 = arith.index_cast %swap3A_327 : i32 to index
        %swap3A_330 = arith.constant 112 : index
        %swap3A_331 = tpu.vector_load %arg9[%swap3A_328, %swap3A_329, %swap3A_330] {strides = array<i32>} : memref<512x1x128xf32, #tpu.memory_space<vmem>>, vector<1x1x16xf32>,
        %swap3A_332 = vector.shape_cast %swap3A_331 : vector<1x1x16xf32> to vector<16xf32>
        %swap3A_333 = vector.shape_cast %add3A_326 : vector<16xf32> to vector<1x1x16xf32>
        tpu.vector_store %arg9[%swap3A_328, %swap3A_329, %swap3A_330], %swap3A_333 {strides = array<i32>} : memref<512x1x128xf32, #tpu.memory_space<vmem>>, vector<1x1x16xf32>,
        %slice3A_334 = vector.extract_strided_slice %convert_element_type3A {offsets = [1], sizes = [1], strides = [1]} : vector<16xf32> to vector<1xf32>
        %squeeze3A_335 = vector.extract %slice3A_334[0] : f32 from vector<1xf32>
        %slice3A_336 = vector.extract_strided_slice %get3A_226 {offsets = [1], sizes = [1], strides = [1]} : vector<16xf32> to vector<1xf32>
        %squeeze3A_337 = vector.extract %slice3A_336[0] : f32 from vector<1xf32>
        %add3A_338 = arith.constant 1 : i32
        %add3A_339 = arith.addi %add3A_220, %add3A_338 : i32
        %mul3A_340 = vector.broadcast %squeeze3A_335 : f32 to vector<16xf32>
        %mul3A_341 = arith.mulf %mul3A_340, %sub3A : vector<16xf32>
        %add3A_342 = arith.addf %add3A_18, %mul3A_341 : vector<16xf32>
        %mul3A_343 = vector.broadcast %squeeze3A_337 : f32 to vector<16xf32>
        %mul3A_344 = arith.mulf %mul3A_343, %get3A_28 : vector<16xf32>
        %add3A_345 = arith.addf %add3A_342, %mul3A_344 : vector<16xf32>
        %swap3A_346 = arith.constant 0 : i32
        %swap3A_347 = arith.index_cast %add3A_339 : i32 to index
        %swap3A_348 = arith.index_cast %swap3A_346 : i32 to index
        %swap3A_349 = arith.constant 0 : index
        %swap3A_350 = tpu.vector_load %arg9[%swap3A_347, %swap3A_348, %swap3A_349] {strides = array<i32>} : memref<512x1x128xf32, #tpu.memory_space<vmem>>, vector<1x1x16xf32>,
        %swap3A_351 = vector.shape_cast %swap3A_350 : vector<1x1x16xf32> to vector<16xf32>
        %swap3A_352 = vector.shape_cast %add3A_345 : vector<16xf32> to vector<1x1x16xf32>
        tpu.vector_store %arg9[%swap3A_347, %swap3A_348, %swap3A_349], %swap3A_352 {strides = array<i32>} : memref<512x1x128xf32, #tpu.memory_space<vmem>>, vector<1x1x16xf32>,
        %mul3A_353 = vector.broadcast %squeeze3A_335 : f32 to vector<16xf32>
        %mul3A_354 = arith.mulf %mul3A_353, %sub3A_45 : vector<16xf32>
        %add3A_355 = arith.addf %add3A_39, %mul3A_354 : vector<16xf32>
        %mul3A_356 = vector.broadcast %squeeze3A_337 : f32 to vector<16xf32>
        %mul3A_357 = arith.mulf %mul3A_356, %get3A_50 : vector<16xf32>
        %add3A_358 = arith.addf %add3A_355, %mul3A_357 : vector<16xf32>
        %swap3A_359 = arith.constant 0 : i32
        %swap3A_360 = arith.index_cast %add3A_339 : i32 to index
        %swap3A_361 = arith.index_cast %swap3A_359 : i32 to index
        %swap3A_362 = arith.constant 16 : index
        %swap3A_363 = tpu.vector_load %arg9[%swap3A_360, %swap3A_361, %swap3A_362] {strides = array<i32>} : memref<512x1x128xf32, #tpu.memory_space<vmem>>, vector<1x1x16xf32>,
        %swap3A_364 = vector.shape_cast %swap3A_363 : vector<1x1x16xf32> to vector<16xf32>
        %swap3A_365 = vector.shape_cast %add3A_358 : vector<16xf32> to vector<1x1x16xf32>
        tpu.vector_store %arg9[%swap3A_360, %swap3A_361, %swap3A_362], %swap3A_365 {strides = array<i32>} : memref<512x1x128xf32, #tpu.memory_space<vmem>>, vector<1x1x16xf32>,
        %mul3A_366 = vector.broadcast %squeeze3A_335 : f32 to vector<16xf32>
        %mul3A_367 = arith.mulf %mul3A_366, %sub3A_67 : vector<16xf32>
        %add3A_368 = arith.addf %add3A_61, %mul3A_367 : vector<16xf32>
        %mul3A_369 = vector.broadcast %squeeze3A_337 : f32 to vector<16xf32>
        %mul3A_370 = arith.mulf %mul3A_369, %get3A_72 : vector<16xf32>
        %add3A_371 = arith.addf %add3A_368, %mul3A_370 : vector<16xf32>
        %swap3A_372 = arith.constant 0 : i32
        %swap3A_373 = arith.index_cast %add3A_339 : i32 to index
        %swap3A_374 = arith.index_cast %swap3A_372 : i32 to index
        %swap3A_375 = arith.constant 32 : index
        %swap3A_376 = tpu.vector_load %arg9[%swap3A_373, %swap3A_374, %swap3A_375] {strides = array<i32>} : memref<512x1x128xf32, #tpu.memory_space<vmem>>, vector<1x1x16xf32>,
        %swap3A_377 = vector.shape_cast %swap3A_376 : vector<1x1x16xf32> to vector<16xf32>
        %swap3A_378 = vector.shape_cast %add3A_371 : vector<16xf32> to vector<1x1x16xf32>
        tpu.vector_store %arg9[%swap3A_373, %swap3A_374, %swap3A_375], %swap3A_378 {strides = array<i32>} : memref<512x1x128xf32, #tpu.memory_space<vmem>>, vector<1x1x16xf32>,
        %mul3A_379 = vector.broadcast %squeeze3A_335 : f32 to vector<16xf32>
        %mul3A_380 = arith.mulf %mul3A_379, %sub3A_89 : vector<16xf32>
        %add3A_381 = arith.addf %add3A_83, %mul3A_380 : vector<16xf32>
        %mul3A_382 = vector.broadcast %squeeze3A_337 : f32 to vector<16xf32>
        %mul3A_383 = arith.mulf %mul3A_382, %get3A_94 : vector<16xf32>
        %add3A_384 = arith.addf %add3A_381, %mul3A_383 : vector<16xf32>
        %swap3A_385 = arith.constant 0 : i32
        %swap3A_386 = arith.index_cast %add3A_339 : i32 to index
        %swap3A_387 = arith.index_cast %swap3A_385 : i32 to index
        %swap3A_388 = arith.constant 48 : index
        %swap3A_389 = tpu.vector_load %arg9[%swap3A_386, %swap3A_387, %swap3A_388] {strides = array<i32>} : memref<512x1x128xf32, #tpu.memory_space<vmem>>, vector<1x1x16xf32>,
        %swap3A_390 = vector.shape_cast %swap3A_389 : vector<1x1x16xf32> to vector<16xf32>
        %swap3A_391 = vector.shape_cast %add3A_384 : vector<16xf32> to vector<1x1x16xf32>
        tpu.vector_store %arg9[%swap3A_386, %swap3A_387, %swap3A_388], %swap3A_391 {strides = array<i32>} : memref<512x1x128xf32, #tpu.memory_space<vmem>>, vector<1x1x16xf32>,
        %mul3A_392 = vector.broadcast %squeeze3A_335 : f32 to vector<16xf32>
        %mul3A_393 = arith.mulf %mul3A_392, %sub3A_111 : vector<16xf32>
        %add3A_394 = arith.addf %add3A_105, %mul3A_393 : vector<16xf32>
        %mul3A_395 = vector.broadcast %squeeze3A_337 : f32 to vector<16xf32>
        %mul3A_396 = arith.mulf %mul3A_395, %get3A_116 : vector<16xf32>
        %add3A_397 = arith.addf %add3A_394, %mul3A_396 : vector<16xf32>
        %swap3A_398 = arith.constant 0 : i32
        %swap3A_399 = arith.index_cast %add3A_339 : i32 to index
        %swap3A_400 = arith.index_cast %swap3A_398 : i32 to index
        %swap3A_401 = arith.constant 64 : index
        %swap3A_402 = tpu.vector_load %arg9[%swap3A_399, %swap3A_400, %swap3A_401] {strides = array<i32>} : memref<512x1x128xf32, #tpu.memory_space<vmem>>, vector<1x1x16xf32>,
        %swap3A_403 = vector.shape_cast %swap3A_402 : vector<1x1x16xf32> to vector<16xf32>
        %swap3A_404 = vector.shape_cast %add3A_397 : vector<16xf32> to vector<1x1x16xf32>
        tpu.vector_store %arg9[%swap3A_399, %swap3A_400, %swap3A_401], %swap3A_404 {strides = array<i32>} : memref<512x1x128xf32, #tpu.memory_space<vmem>>, vector<1x1x16xf32>,
        %mul3A_405 = vector.broadcast %squeeze3A_335 : f32 to vector<16xf32>
        %mul3A_406 = arith.mulf %mul3A_405, %sub3A_133 : vector<16xf32>
        %add3A_407 = arith.addf %add3A_127, %mul3A_406 : vector<16xf32>
        %mul3A_408 = vector.broadcast %squeeze3A_337 : f32 to vector<16xf32>
        %mul3A_409 = arith.mulf %mul3A_408, %get3A_138 : vector<16xf32>
        %add3A_410 = arith.addf %add3A_407, %mul3A_409 : vector<16xf32>
        %swap3A_411 = arith.constant 0 : i32
        %swap3A_412 = arith.index_cast %add3A_339 : i32 to index
        %swap3A_413 = arith.index_cast %swap3A_411 : i32 to index
        %swap3A_414 = arith.constant 80 : index
        %swap3A_415 = tpu.vector_load %arg9[%swap3A_412, %swap3A_413, %swap3A_414] {strides = array<i32>} : memref<512x1x128xf32, #tpu.memory_space<vmem>>, vector<1x1x16xf32>,
        %swap3A_416 = vector.shape_cast %swap3A_415 : vector<1x1x16xf32> to vector<16xf32>
        %swap3A_417 = vector.shape_cast %add3A_410 : vector<16xf32> to vector<1x1x16xf32>
        tpu.vector_store %arg9[%swap3A_412, %swap3A_413, %swap3A_414], %swap3A_417 {strides = array<i32>} : memref<512x1x128xf32, #tpu.memory_space<vmem>>, vector<1x1x16xf32>,
        %mul3A_418 = vector.broadcast %squeeze3A_335 : f32 to vector<16xf32>
        %mul3A_419 = arith.mulf %mul3A_418, %sub3A_155 : vector<16xf32>
        %add3A_420 = arith.addf %add3A_149, %mul3A_419 : vector<16xf32>
        %mul3A_421 = vector.broadcast %squeeze3A_337 : f32 to vector<16xf32>
        %mul3A_422 = arith.mulf %mul3A_421, %get3A_160 : vector<16xf32>
        %add3A_423 = arith.addf %add3A_420, %mul3A_422 : vector<16xf32>
        %swap3A_424 = arith.constant 0 : i32
        %swap3A_425 = arith.index_cast %add3A_339 : i32 to index
        %swap3A_426 = arith.index_cast %swap3A_424 : i32 to index
        %swap3A_427 = arith.constant 96 : index
        %swap3A_428 = tpu.vector_load %arg9[%swap3A_425, %swap3A_426, %swap3A_427] {strides = array<i32>} : memref<512x1x128xf32, #tpu.memory_space<vmem>>, vector<1x1x16xf32>,
        %swap3A_429 = vector.shape_cast %swap3A_428 : vector<1x1x16xf32> to vector<16xf32>
        %swap3A_430 = vector.shape_cast %add3A_423 : vector<16xf32> to vector<1x1x16xf32>
        tpu.vector_store %arg9[%swap3A_425, %swap3A_426, %swap3A_427], %swap3A_430 {strides = array<i32>} : memref<512x1x128xf32, #tpu.memory_space<vmem>>, vector<1x1x16xf32>,
        %mul3A_431 = vector.broadcast %squeeze3A_335 : f32 to vector<16xf32>
        %mul3A_432 = arith.mulf %mul3A_431, %sub3A_177 : vector<16xf32>
        %add3A_433 = arith.addf %add3A_171, %mul3A_432 : vector<16xf32>
        %mul3A_434 = vector.broadcast %squeeze3A_337 : f32 to vector<16xf32>
        %mul3A_435 = arith.mulf %mul3A_434, %get3A_182 : vector<16xf32>
        %add3A_436 = arith.addf %add3A_433, %mul3A_435 : vector<16xf32>
        %swap3A_437 = arith.constant 0 : i32
        %swap3A_438 = arith.index_cast %add3A_339 : i32 to index
        %swap3A_439 = arith.index_cast %swap3A_437 : i32 to index
        %swap3A_440 = arith.constant 112 : index
        %swap3A_441 = tpu.vector_load %arg9[%swap3A_438, %swap3A_439, %swap3A_440] {strides = array<i32>} : memref<512x1x128xf32, #tpu.memory_space<vmem>>, vector<1x1x16xf32>,
        %swap3A_442 = vector.shape_cast %swap3A_441 : vector<1x1x16xf32> to vector<16xf32>
        %swap3A_443 = vector.shape_cast %add3A_436 : vector<16xf32> to vector<1x1x16xf32>
        tpu.vector_store %arg9[%swap3A_438, %swap3A_439, %swap3A_440], %swap3A_443 {strides = array<i32>} : memref<512x1x128xf32, #tpu.memory_space<vmem>>, vector<1x1x16xf32>,
        %slice3A_444 = vector.extract_strided_slice %convert_element_type3A {offsets = [2], sizes = [1], strides = [1]} : vector<16xf32> to vector<1xf32>
        %squeeze3A_445 = vector.extract %slice3A_444[0] : f32 from vector<1xf32>
        %slice3A_446 = vector.extract_strided_slice %get3A_226 {offsets = [2], sizes = [1], strides = [1]} : vector<16xf32> to vector<1xf32>
        %squeeze3A_447 = vector.extract %slice3A_446[0] : f32 from vector<1xf32>
        %add3A_448 = arith.constant 2 : i32
        %add3A_449 = arith.addi %add3A_220, %add3A_448 : i32
        %mul3A_450 = vector.broadcast %squeeze3A_445 : f32 to vector<16xf32>
        %mul3A_451 = arith.mulf %mul3A_450, %sub3A : vector<16xf32>
        %add3A_452 = arith.addf %add3A_18, %mul3A_451 : vector<16xf32>
        %mul3A_453 = vector.broadcast %squeeze3A_447 : f32 to vector<16xf32>
        %mul3A_454 = arith.mulf %mul3A_453, %get3A_28 : vector<16xf32>
        %add3A_455 = arith.addf %add3A_452, %mul3A_454 : vector<16xf32>
        %swap3A_456 = arith.constant 0 : i32
        %swap3A_457 = arith.index_cast %add3A_449 : i32 to index
        %swap3A_458 = arith.index_cast %swap3A_456 : i32 to index
        %swap3A_459 = arith.constant 0 : index
        %swap3A_460 = tpu.vector_load %arg9[%swap3A_457, %swap3A_458, %swap3A_459] {strides = array<i32>} : memref<512x1x128xf32, #tpu.memory_space<vmem>>, vector<1x1x16xf32>,
        %swap3A_461 = vector.shape_cast %swap3A_460 : vector<1x1x16xf32> to vector<16xf32>
        %swap3A_462 = vector.shape_cast %add3A_455 : vector<16xf32> to vector<1x1x16xf32>
        tpu.vector_store %arg9[%swap3A_457, %swap3A_458, %swap3A_459], %swap3A_462 {strides = array<i32>} : memref<512x1x128xf32, #tpu.memory_space<vmem>>, vector<1x1x16xf32>,
        %mul3A_463 = vector.broadcast %squeeze3A_445 : f32 to vector<16xf32>
        %mul3A_464 = arith.mulf %mul3A_463, %sub3A_45 : vector<16xf32>
        %add3A_465 = arith.addf %add3A_39, %mul3A_464 : vector<16xf32>
        %mul3A_466 = vector.broadcast %squeeze3A_447 : f32 to vector<16xf32>
        %mul3A_467 = arith.mulf %mul3A_466, %get3A_50 : vector<16xf32>
        %add3A_468 = arith.addf %add3A_465, %mul3A_467 : vector<16xf32>
        %swap3A_469 = arith.constant 0 : i32
        %swap3A_470 = arith.index_cast %add3A_449 : i32 to index
        %swap3A_471 = arith.index_cast %swap3A_469 : i32 to index
        %swap3A_472 = arith.constant 16 : index
        %swap3A_473 = tpu.vector_load %arg9[%swap3A_470, %swap3A_471, %swap3A_472] {strides = array<i32>} : memref<512x1x128xf32, #tpu.memory_space<vmem>>, vector<1x1x16xf32>,
        %swap3A_474 = vector.shape_cast %swap3A_473 : vector<1x1x16xf32> to vector<16xf32>
        %swap3A_475 = vector.shape_cast %add3A_468 : vector<16xf32> to vector<1x1x16xf32>
        tpu.vector_store %arg9[%swap3A_470, %swap3A_471, %swap3A_472], %swap3A_475 {strides = array<i32>} : memref<512x1x128xf32, #tpu.memory_space<vmem>>, vector<1x1x16xf32>,
        %mul3A_476 = vector.broadcast %squeeze3A_445 : f32 to vector<16xf32>
        %mul3A_477 = arith.mulf %mul3A_476, %sub3A_67 : vector<16xf32>
        %add3A_478 = arith.addf %add3A_61, %mul3A_477 : vector<16xf32>
        %mul3A_479 = vector.broadcast %squeeze3A_447 : f32 to vector<16xf32>
        %mul3A_480 = arith.mulf %mul3A_479, %get3A_72 : vector<16xf32>
        %add3A_481 = arith.addf %add3A_478, %mul3A_480 : vector<16xf32>
        %swap3A_482 = arith.constant 0 : i32
        %swap3A_483 = arith.index_cast %add3A_449 : i32 to index
        %swap3A_484 = arith.index_cast %swap3A_482 : i32 to index
        %swap3A_485 = arith.constant 32 : index
        %swap3A_486 = tpu.vector_load %arg9[%swap3A_483, %swap3A_484, %swap3A_485] {strides = array<i32>} : memref<512x1x128xf32, #tpu.memory_space<vmem>>, vector<1x1x16xf32>,
        %swap3A_487 = vector.shape_cast %swap3A_486 : vector<1x1x16xf32> to vector<16xf32>
        %swap3A_488 = vector.shape_cast %add3A_481 : vector<16xf32> to vector<1x1x16xf32>
        tpu.vector_store %arg9[%swap3A_483, %swap3A_484, %swap3A_485], %swap3A_488 {strides = array<i32>} : memref<512x1x128xf32, #tpu.memory_space<vmem>>, vector<1x1x16xf32>,
        %mul3A_489 = vector.broadcast %squeeze3A_445 : f32 to vector<16xf32>
        %mul3A_490 = arith.mulf %mul3A_489, %sub3A_89 : vector<16xf32>
        %add3A_491 = arith.addf %add3A_83, %mul3A_490 : vector<16xf32>
        %mul3A_492 = vector.broadcast %squeeze3A_447 : f32 to vector<16xf32>
        %mul3A_493 = arith.mulf %mul3A_492, %get3A_94 : vector<16xf32>
        %add3A_494 = arith.addf %add3A_491, %mul3A_493 : vector<16xf32>
        %swap3A_495 = arith.constant 0 : i32
        %swap3A_496 = arith.index_cast %add3A_449 : i32 to index
        %swap3A_497 = arith.index_cast %swap3A_495 : i32 to index
        %swap3A_498 = arith.constant 48 : index
        %swap3A_499 = tpu.vector_load %arg9[%swap3A_496, %swap3A_497, %swap3A_498] {strides = array<i32>} : memref<512x1x128xf32, #tpu.memory_space<vmem>>, vector<1x1x16xf32>,
        %swap3A_500 = vector.shape_cast %swap3A_499 : vector<1x1x16xf32> to vector<16xf32>
        %swap3A_501 = vector.shape_cast %add3A_494 : vector<16xf32> to vector<1x1x16xf32>
        tpu.vector_store %arg9[%swap3A_496, %swap3A_497, %swap3A_498], %swap3A_501 {strides = array<i32>} : memref<512x1x128xf32, #tpu.memory_space<vmem>>, vector<1x1x16xf32>,
        %mul3A_502 = vector.broadcast %squeeze3A_445 : f32 to vector<16xf32>
        %mul3A_503 = arith.mulf %mul3A_502, %sub3A_111 : vector<16xf32>
        %add3A_504 = arith.addf %add3A_105, %mul3A_503 : vector<16xf32>
        %mul3A_505 = vector.broadcast %squeeze3A_447 : f32 to vector<16xf32>
        %mul3A_506 = arith.mulf %mul3A_505, %get3A_116 : vector<16xf32>
        %add3A_507 = arith.addf %add3A_504, %mul3A_506 : vector<16xf32>
        %swap3A_508 = arith.constant 0 : i32
        %swap3A_509 = arith.index_cast %add3A_449 : i32 to index
        %swap3A_510 = arith.index_cast %swap3A_508 : i32 to index
        %swap3A_511 = arith.constant 64 : index
        %swap3A_512 = tpu.vector_load %arg9[%swap3A_509, %swap3A_510, %swap3A_511] {strides = array<i32>} : memref<512x1x128xf32, #tpu.memory_space<vmem>>, vector<1x1x16xf32>,
        %swap3A_513 = vector.shape_cast %swap3A_512 : vector<1x1x16xf32> to vector<16xf32>
        %swap3A_514 = vector.shape_cast %add3A_507 : vector<16xf32> to vector<1x1x16xf32>
        tpu.vector_store %arg9[%swap3A_509, %swap3A_510, %swap3A_511], %swap3A_514 {strides = array<i32>} : memref<512x1x128xf32, #tpu.memory_space<vmem>>, vector<1x1x16xf32>,
        %mul3A_515 = vector.broadcast %squeeze3A_445 : f32 to vector<16xf32>
        %mul3A_516 = arith.mulf %mul3A_515, %sub3A_133 : vector<16xf32>
        %add3A_517 = arith.addf %add3A_127, %mul3A_516 : vector<16xf32>
        %mul3A_518 = vector.broadcast %squeeze3A_447 : f32 to vector<16xf32>
        %mul3A_519 = arith.mulf %mul3A_518, %get3A_138 : vector<16xf32>
        %add3A_520 = arith.addf %add3A_517, %mul3A_519 : vector<16xf32>
        %swap3A_521 = arith.constant 0 : i32
        %swap3A_522 = arith.index_cast %add3A_449 : i32 to index
        %swap3A_523 = arith.index_cast %swap3A_521 : i32 to index
        %swap3A_524 = arith.constant 80 : index
        %swap3A_525 = tpu.vector_load %arg9[%swap3A_522, %swap3A_523, %swap3A_524] {strides = array<i32>} : memref<512x1x128xf32, #tpu.memory_space<vmem>>, vector<1x1x16xf32>,
        %swap3A_526 = vector.shape_cast %swap3A_525 : vector<1x1x16xf32> to vector<16xf32>
        %swap3A_527 = vector.shape_cast %add3A_520 : vector<16xf32> to vector<1x1x16xf32>
        tpu.vector_store %arg9[%swap3A_522, %swap3A_523, %swap3A_524], %swap3A_527 {strides = array<i32>} : memref<512x1x128xf32, #tpu.memory_space<vmem>>, vector<1x1x16xf32>,
        %mul3A_528 = vector.broadcast %squeeze3A_445 : f32 to vector<16xf32>
        %mul3A_529 = arith.mulf %mul3A_528, %sub3A_155 : vector<16xf32>
        %add3A_530 = arith.addf %add3A_149, %mul3A_529 : vector<16xf32>
        %mul3A_531 = vector.broadcast %squeeze3A_447 : f32 to vector<16xf32>
        %mul3A_532 = arith.mulf %mul3A_531, %get3A_160 : vector<16xf32>
        %add3A_533 = arith.addf %add3A_530, %mul3A_532 : vector<16xf32>
        %swap3A_534 = arith.constant 0 : i32
        %swap3A_535 = arith.index_cast %add3A_449 : i32 to index
        %swap3A_536 = arith.index_cast %swap3A_534 : i32 to index
        %swap3A_537 = arith.constant 96 : index
        %swap3A_538 = tpu.vector_load %arg9[%swap3A_535, %swap3A_536, %swap3A_537] {strides = array<i32>} : memref<512x1x128xf32, #tpu.memory_space<vmem>>, vector<1x1x16xf32>,
        %swap3A_539 = vector.shape_cast %swap3A_538 : vector<1x1x16xf32> to vector<16xf32>
        %swap3A_540 = vector.shape_cast %add3A_533 : vector<16xf32> to vector<1x1x16xf32>
        tpu.vector_store %arg9[%swap3A_535, %swap3A_536, %swap3A_537], %swap3A_540 {strides = array<i32>} : memref<512x1x128xf32, #tpu.memory_space<vmem>>, vector<1x1x16xf32>,
        %mul3A_541 = vector.broadcast %squeeze3A_445 : f32 to vector<16xf32>
        %mul3A_542 = arith.mulf %mul3A_541, %sub3A_177 : vector<16xf32>
        %add3A_543 = arith.addf %add3A_171, %mul3A_542 : vector<16xf32>
        %mul3A_544 = vector.broadcast %squeeze3A_447 : f32 to vector<16xf32>
        %mul3A_545 = arith.mulf %mul3A_544, %get3A_182 : vector<16xf32>
        %add3A_546 = arith.addf %add3A_543, %mul3A_545 : vector<16xf32>
        %swap3A_547 = arith.constant 0 : i32
        %swap3A_548 = arith.index_cast %add3A_449 : i32 to index
        %swap3A_549 = arith.index_cast %swap3A_547 : i32 to index
        %swap3A_550 = arith.constant 112 : index
        %swap3A_551 = tpu.vector_load %arg9[%swap3A_548, %swap3A_549, %swap3A_550] {strides = array<i32>} : memref<512x1x128xf32, #tpu.memory_space<vmem>>, vector<1x1x16xf32>,
        %swap3A_552 = vector.shape_cast %swap3A_551 : vector<1x1x16xf32> to vector<16xf32>
        %swap3A_553 = vector.shape_cast %add3A_546 : vector<16xf32> to vector<1x1x16xf32>
        tpu.vector_store %arg9[%swap3A_548, %swap3A_549, %swap3A_550], %swap3A_553 {strides = array<i32>} : memref<512x1x128xf32, #tpu.memory_space<vmem>>, vector<1x1x16xf32>,
        %slice3A_554 = vector.extract_strided_slice %convert_element_type3A {offsets = [3], sizes = [1], strides = [1]} : vector<16xf32> to vector<1xf32>
        %squeeze3A_555 = vector.extract %slice3A_554[0] : f32 from vector<1xf32>
        %slice3A_556 = vector.extract_strided_slice %get3A_226 {offsets = [3], sizes = [1], strides = [1]} : vector<16xf32> to vector<1xf32>
        %squeeze3A_557 = vector.extract %slice3A_556[0] : f32 from vector<1xf32>
        %add3A_558 = arith.constant 3 : i32
        %add3A_559 = arith.addi %add3A_220, %add3A_558 : i32
        %mul3A_560 = vector.broadcast %squeeze3A_555 : f32 to vector<16xf32>
        %mul3A_561 = arith.mulf %mul3A_560, %sub3A : vector<16xf32>
        %add3A_562 = arith.addf %add3A_18, %mul3A_561 : vector<16xf32>
        %mul3A_563 = vector.broadcast %squeeze3A_557 : f32 to vector<16xf32>
        %mul3A_564 = arith.mulf %mul3A_563, %get3A_28 : vector<16xf32>
        %add3A_565 = arith.addf %add3A_562, %mul3A_564 : vector<16xf32>
        %swap3A_566 = arith.constant 0 : i32
        %swap3A_567 = arith.index_cast %add3A_559 : i32 to index
        %swap3A_568 = arith.index_cast %swap3A_566 : i32 to index
        %swap3A_569 = arith.constant 0 : index
        %swap3A_570 = tpu.vector_load %arg9[%swap3A_567, %swap3A_568, %swap3A_569] {strides = array<i32>} : memref<512x1x128xf32, #tpu.memory_space<vmem>>, vector<1x1x16xf32>,
        %swap3A_571 = vector.shape_cast %swap3A_570 : vector<1x1x16xf32> to vector<16xf32>
        %swap3A_572 = vector.shape_cast %add3A_565 : vector<16xf32> to vector<1x1x16xf32>
        tpu.vector_store %arg9[%swap3A_567, %swap3A_568, %swap3A_569], %swap3A_572 {strides = array<i32>} : memref<512x1x128xf32, #tpu.memory_space<vmem>>, vector<1x1x16xf32>,
        %mul3A_573 = vector.broadcast %squeeze3A_555 : f32 to vector<16xf32>
        %mul3A_574 = arith.mulf %mul3A_573, %sub3A_45 : vector<16xf32>
        %add3A_575 = arith.addf %add3A_39, %mul3A_574 : vector<16xf32>
        %mul3A_576 = vector.broadcast %squeeze3A_557 : f32 to vector<16xf32>
        %mul3A_577 = arith.mulf %mul3A_576, %get3A_50 : vector<16xf32>
        %add3A_578 = arith.addf %add3A_575, %mul3A_577 : vector<16xf32>
        %swap3A_579 = arith.constant 0 : i32
        %swap3A_580 = arith.index_cast %add3A_559 : i32 to index
        %swap3A_581 = arith.index_cast %swap3A_579 : i32 to index
        %swap3A_582 = arith.constant 16 : index
        %swap3A_583 = tpu.vector_load %arg9[%swap3A_580, %swap3A_581, %swap3A_582] {strides = array<i32>} : memref<512x1x128xf32, #tpu.memory_space<vmem>>, vector<1x1x16xf32>,
        %swap3A_584 = vector.shape_cast %swap3A_583 : vector<1x1x16xf32> to vector<16xf32>
        %swap3A_585 = vector.shape_cast %add3A_578 : vector<16xf32> to vector<1x1x16xf32>
        tpu.vector_store %arg9[%swap3A_580, %swap3A_581, %swap3A_582], %swap3A_585 {strides = array<i32>} : memref<512x1x128xf32, #tpu.memory_space<vmem>>, vector<1x1x16xf32>,
        %mul3A_586 = vector.broadcast %squeeze3A_555 : f32 to vector<16xf32>
        %mul3A_587 = arith.mulf %mul3A_586, %sub3A_67 : vector<16xf32>
        %add3A_588 = arith.addf %add3A_61, %mul3A_587 : vector<16xf32>
        %mul3A_589 = vector.broadcast %squeeze3A_557 : f32 to vector<16xf32>
        %mul3A_590 = arith.mulf %mul3A_589, %get3A_72 : vector<16xf32>
        %add3A_591 = arith.addf %add3A_588, %mul3A_590 : vector<16xf32>
        %swap3A_592 = arith.constant 0 : i32
        %swap3A_593 = arith.index_cast %add3A_559 : i32 to index
        %swap3A_594 = arith.index_cast %swap3A_592 : i32 to index
        %swap3A_595 = arith.constant 32 : index
        %swap3A_596 = tpu.vector_load %arg9[%swap3A_593, %swap3A_594, %swap3A_595] {strides = array<i32>} : memref<512x1x128xf32, #tpu.memory_space<vmem>>, vector<1x1x16xf32>,
        %swap3A_597 = vector.shape_cast %swap3A_596 : vector<1x1x16xf32> to vector<16xf32>
        %swap3A_598 = vector.shape_cast %add3A_591 : vector<16xf32> to vector<1x1x16xf32>
        tpu.vector_store %arg9[%swap3A_593, %swap3A_594, %swap3A_595], %swap3A_598 {strides = array<i32>} : memref<512x1x128xf32, #tpu.memory_space<vmem>>, vector<1x1x16xf32>,
        %mul3A_599 = vector.broadcast %squeeze3A_555 : f32 to vector<16xf32>
        %mul3A_600 = arith.mulf %mul3A_599, %sub3A_89 : vector<16xf32>
        %add3A_601 = arith.addf %add3A_83, %mul3A_600 : vector<16xf32>
        %mul3A_602 = vector.broadcast %squeeze3A_557 : f32 to vector<16xf32>
        %mul3A_603 = arith.mulf %mul3A_602, %get3A_94 : vector<16xf32>
        %add3A_604 = arith.addf %add3A_601, %mul3A_603 : vector<16xf32>
        %swap3A_605 = arith.constant 0 : i32
        %swap3A_606 = arith.index_cast %add3A_559 : i32 to index
        %swap3A_607 = arith.index_cast %swap3A_605 : i32 to index
        %swap3A_608 = arith.constant 48 : index
        %swap3A_609 = tpu.vector_load %arg9[%swap3A_606, %swap3A_607, %swap3A_608] {strides = array<i32>} : memref<512x1x128xf32, #tpu.memory_space<vmem>>, vector<1x1x16xf32>,
        %swap3A_610 = vector.shape_cast %swap3A_609 : vector<1x1x16xf32> to vector<16xf32>
        %swap3A_611 = vector.shape_cast %add3A_604 : vector<16xf32> to vector<1x1x16xf32>
        tpu.vector_store %arg9[%swap3A_606, %swap3A_607, %swap3A_608], %swap3A_611 {strides = array<i32>} : memref<512x1x128xf32, #tpu.memory_space<vmem>>, vector<1x1x16xf32>,
        %mul3A_612 = vector.broadcast %squeeze3A_555 : f32 to vector<16xf32>
        %mul3A_613 = arith.mulf %mul3A_612, %sub3A_111 : vector<16xf32>
        %add3A_614 = arith.addf %add3A_105, %mul3A_613 : vector<16xf32>
        %mul3A_615 = vector.broadcast %squeeze3A_557 : f32 to vector<16xf32>
        %mul3A_616 = arith.mulf %mul3A_615, %get3A_116 : vector<16xf32>
        %add3A_617 = arith.addf %add3A_614, %mul3A_616 : vector<16xf32>
        %swap3A_618 = arith.constant 0 : i32
        %swap3A_619 = arith.index_cast %add3A_559 : i32 to index
        %swap3A_620 = arith.index_cast %swap3A_618 : i32 to index
        %swap3A_621 = arith.constant 64 : index
        %swap3A_622 = tpu.vector_load %arg9[%swap3A_619, %swap3A_620, %swap3A_621] {strides = array<i32>} : memref<512x1x128xf32, #tpu.memory_space<vmem>>, vector<1x1x16xf32>,
        %swap3A_623 = vector.shape_cast %swap3A_622 : vector<1x1x16xf32> to vector<16xf32>
        %swap3A_624 = vector.shape_cast %add3A_617 : vector<16xf32> to vector<1x1x16xf32>
        tpu.vector_store %arg9[%swap3A_619, %swap3A_620, %swap3A_621], %swap3A_624 {strides = array<i32>} : memref<512x1x128xf32, #tpu.memory_space<vmem>>, vector<1x1x16xf32>,
        %mul3A_625 = vector.broadcast %squeeze3A_555 : f32 to vector<16xf32>
        %mul3A_626 = arith.mulf %mul3A_625, %sub3A_133 : vector<16xf32>
        %add3A_627 = arith.addf %add3A_127, %mul3A_626 : vector<16xf32>
        %mul3A_628 = vector.broadcast %squeeze3A_557 : f32 to vector<16xf32>
        %mul3A_629 = arith.mulf %mul3A_628, %get3A_138 : vector<16xf32>
        %add3A_630 = arith.addf %add3A_627, %mul3A_629 : vector<16xf32>
        %swap3A_631 = arith.constant 0 : i32
        %swap3A_632 = arith.index_cast %add3A_559 : i32 to index
        %swap3A_633 = arith.index_cast %swap3A_631 : i32 to index
        %swap3A_634 = arith.constant 80 : index
        %swap3A_635 = tpu.vector_load %arg9[%swap3A_632, %swap3A_633, %swap3A_634] {strides = array<i32>} : memref<512x1x128xf32, #tpu.memory_space<vmem>>, vector<1x1x16xf32>,
        %swap3A_636 = vector.shape_cast %swap3A_635 : vector<1x1x16xf32> to vector<16xf32>
        %swap3A_637 = vector.shape_cast %add3A_630 : vector<16xf32> to vector<1x1x16xf32>
        tpu.vector_store %arg9[%swap3A_632, %swap3A_633, %swap3A_634], %swap3A_637 {strides = array<i32>} : memref<512x1x128xf32, #tpu.memory_space<vmem>>, vector<1x1x16xf32>,
        %mul3A_638 = vector.broadcast %squeeze3A_555 : f32 to vector<16xf32>
        %mul3A_639 = arith.mulf %mul3A_638, %sub3A_155 : vector<16xf32>
        %add3A_640 = arith.addf %add3A_149, %mul3A_639 : vector<16xf32>
        %mul3A_641 = vector.broadcast %squeeze3A_557 : f32 to vector<16xf32>
        %mul3A_642 = arith.mulf %mul3A_641, %get3A_160 : vector<16xf32>
        %add3A_643 = arith.addf %add3A_640, %mul3A_642 : vector<16xf32>
        %swap3A_644 = arith.constant 0 : i32
        %swap3A_645 = arith.index_cast %add3A_559 : i32 to index
        %swap3A_646 = arith.index_cast %swap3A_644 : i32 to index
        %swap3A_647 = arith.constant 96 : index
        %swap3A_648 = tpu.vector_load %arg9[%swap3A_645, %swap3A_646, %swap3A_647] {strides = array<i32>} : memref<512x1x128xf32, #tpu.memory_space<vmem>>, vector<1x1x16xf32>,
        %swap3A_649 = vector.shape_cast %swap3A_648 : vector<1x1x16xf32> to vector<16xf32>
        %swap3A_650 = vector.shape_cast %add3A_643 : vector<16xf32> to vector<1x1x16xf32>
        tpu.vector_store %arg9[%swap3A_645, %swap3A_646, %swap3A_647], %swap3A_650 {strides = array<i32>} : memref<512x1x128xf32, #tpu.memory_space<vmem>>, vector<1x1x16xf32>,
        %mul3A_651 = vector.broadcast %squeeze3A_555 : f32 to vector<16xf32>
        %mul3A_652 = arith.mulf %mul3A_651, %sub3A_177 : vector<16xf32>
        %add3A_653 = arith.addf %add3A_171, %mul3A_652 : vector<16xf32>
        %mul3A_654 = vector.broadcast %squeeze3A_557 : f32 to vector<16xf32>
        %mul3A_655 = arith.mulf %mul3A_654, %get3A_182 : vector<16xf32>
        %add3A_656 = arith.addf %add3A_653, %mul3A_655 : vector<16xf32>
        %swap3A_657 = arith.constant 0 : i32
        %swap3A_658 = arith.index_cast %add3A_559 : i32 to index
        %swap3A_659 = arith.index_cast %swap3A_657 : i32 to index
        %swap3A_660 = arith.constant 112 : index
        %swap3A_661 = tpu.vector_load %arg9[%swap3A_658, %swap3A_659, %swap3A_660] {strides = array<i32>} : memref<512x1x128xf32, #tpu.memory_space<vmem>>, vector<1x1x16xf32>,
        %swap3A_662 = vector.shape_cast %swap3A_661 : vector<1x1x16xf32> to vector<16xf32>
        %swap3A_663 = vector.shape_cast %add3A_656 : vector<16xf32> to vector<1x1x16xf32>
        tpu.vector_store %arg9[%swap3A_658, %swap3A_659, %swap3A_660], %swap3A_663 {strides = array<i32>} : memref<512x1x128xf32, #tpu.memory_space<vmem>>, vector<1x1x16xf32>,
        %slice3A_664 = vector.extract_strided_slice %convert_element_type3A {offsets = [4], sizes = [1], strides = [1]} : vector<16xf32> to vector<1xf32>
        %squeeze3A_665 = vector.extract %slice3A_664[0] : f32 from vector<1xf32>
        %slice3A_666 = vector.extract_strided_slice %get3A_226 {offsets = [4], sizes = [1], strides = [1]} : vector<16xf32> to vector<1xf32>
        %squeeze3A_667 = vector.extract %slice3A_666[0] : f32 from vector<1xf32>
        %add3A_668 = arith.constant 4 : i32
        %add3A_669 = arith.addi %add3A_220, %add3A_668 : i32
        %mul3A_670 = vector.broadcast %squeeze3A_665 : f32 to vector<16xf32>
        %mul3A_671 = arith.mulf %mul3A_670, %sub3A : vector<16xf32>
        %add3A_672 = arith.addf %add3A_18, %mul3A_671 : vector<16xf32>
        %mul3A_673 = vector.broadcast %squeeze3A_667 : f32 to vector<16xf32>
        %mul3A_674 = arith.mulf %mul3A_673, %get3A_28 : vector<16xf32>
        %add3A_675 = arith.addf %add3A_672, %mul3A_674 : vector<16xf32>
        %swap3A_676 = arith.constant 0 : i32
        %swap3A_677 = arith.index_cast %add3A_669 : i32 to index
        %swap3A_678 = arith.index_cast %swap3A_676 : i32 to index
        %swap3A_679 = arith.constant 0 : index
        %swap3A_680 = tpu.vector_load %arg9[%swap3A_677, %swap3A_678, %swap3A_679] {strides = array<i32>} : memref<512x1x128xf32, #tpu.memory_space<vmem>>, vector<1x1x16xf32>,
        %swap3A_681 = vector.shape_cast %swap3A_680 : vector<1x1x16xf32> to vector<16xf32>
        %swap3A_682 = vector.shape_cast %add3A_675 : vector<16xf32> to vector<1x1x16xf32>
        tpu.vector_store %arg9[%swap3A_677, %swap3A_678, %swap3A_679], %swap3A_682 {strides = array<i32>} : memref<512x1x128xf32, #tpu.memory_space<vmem>>, vector<1x1x16xf32>,
        %mul3A_683 = vector.broadcast %squeeze3A_665 : f32 to vector<16xf32>
        %mul3A_684 = arith.mulf %mul3A_683, %sub3A_45 : vector<16xf32>
        %add3A_685 = arith.addf %add3A_39, %mul3A_684 : vector<16xf32>
        %mul3A_686 = vector.broadcast %squeeze3A_667 : f32 to vector<16xf32>
        %mul3A_687 = arith.mulf %mul3A_686, %get3A_50 : vector<16xf32>
        %add3A_688 = arith.addf %add3A_685, %mul3A_687 : vector<16xf32>
        %swap3A_689 = arith.constant 0 : i32
        %swap3A_690 = arith.index_cast %add3A_669 : i32 to index
        %swap3A_691 = arith.index_cast %swap3A_689 : i32 to index
        %swap3A_692 = arith.constant 16 : index
        %swap3A_693 = tpu.vector_load %arg9[%swap3A_690, %swap3A_691, %swap3A_692] {strides = array<i32>} : memref<512x1x128xf32, #tpu.memory_space<vmem>>, vector<1x1x16xf32>,
        %swap3A_694 = vector.shape_cast %swap3A_693 : vector<1x1x16xf32> to vector<16xf32>
        %swap3A_695 = vector.shape_cast %add3A_688 : vector<16xf32> to vector<1x1x16xf32>
        tpu.vector_store %arg9[%swap3A_690, %swap3A_691, %swap3A_692], %swap3A_695 {strides = array<i32>} : memref<512x1x128xf32, #tpu.memory_space<vmem>>, vector<1x1x16xf32>,
        %mul3A_696 = vector.broadcast %squeeze3A_665 : f32 to vector<16xf32>
        %mul3A_697 = arith.mulf %mul3A_696, %sub3A_67 : vector<16xf32>
        %add3A_698 = arith.addf %add3A_61, %mul3A_697 : vector<16xf32>
        %mul3A_699 = vector.broadcast %squeeze3A_667 : f32 to vector<16xf32>
        %mul3A_700 = arith.mulf %mul3A_699, %get3A_72 : vector<16xf32>
        %add3A_701 = arith.addf %add3A_698, %mul3A_700 : vector<16xf32>
        %swap3A_702 = arith.constant 0 : i32
        %swap3A_703 = arith.index_cast %add3A_669 : i32 to index
        %swap3A_704 = arith.index_cast %swap3A_702 : i32 to index
        %swap3A_705 = arith.constant 32 : index
        %swap3A_706 = tpu.vector_load %arg9[%swap3A_703, %swap3A_704, %swap3A_705] {strides = array<i32>} : memref<512x1x128xf32, #tpu.memory_space<vmem>>, vector<1x1x16xf32>,
        %swap3A_707 = vector.shape_cast %swap3A_706 : vector<1x1x16xf32> to vector<16xf32>
        %swap3A_708 = vector.shape_cast %add3A_701 : vector<16xf32> to vector<1x1x16xf32>
        tpu.vector_store %arg9[%swap3A_703, %swap3A_704, %swap3A_705], %swap3A_708 {strides = array<i32>} : memref<512x1x128xf32, #tpu.memory_space<vmem>>, vector<1x1x16xf32>,
        %mul3A_709 = vector.broadcast %squeeze3A_665 : f32 to vector<16xf32>
        %mul3A_710 = arith.mulf %mul3A_709, %sub3A_89 : vector<16xf32>
        %add3A_711 = arith.addf %add3A_83, %mul3A_710 : vector<16xf32>
        %mul3A_712 = vector.broadcast %squeeze3A_667 : f32 to vector<16xf32>
        %mul3A_713 = arith.mulf %mul3A_712, %get3A_94 : vector<16xf32>
        %add3A_714 = arith.addf %add3A_711, %mul3A_713 : vector<16xf32>
        %swap3A_715 = arith.constant 0 : i32
        %swap3A_716 = arith.index_cast %add3A_669 : i32 to index
        %swap3A_717 = arith.index_cast %swap3A_715 : i32 to index
        %swap3A_718 = arith.constant 48 : index
        %swap3A_719 = tpu.vector_load %arg9[%swap3A_716, %swap3A_717, %swap3A_718] {strides = array<i32>} : memref<512x1x128xf32, #tpu.memory_space<vmem>>, vector<1x1x16xf32>,
        %swap3A_720 = vector.shape_cast %swap3A_719 : vector<1x1x16xf32> to vector<16xf32>
        %swap3A_721 = vector.shape_cast %add3A_714 : vector<16xf32> to vector<1x1x16xf32>
        tpu.vector_store %arg9[%swap3A_716, %swap3A_717, %swap3A_718], %swap3A_721 {strides = array<i32>} : memref<512x1x128xf32, #tpu.memory_space<vmem>>, vector<1x1x16xf32>,
        %mul3A_722 = vector.broadcast %squeeze3A_665 : f32 to vector<16xf32>
        %mul3A_723 = arith.mulf %mul3A_722, %sub3A_111 : vector<16xf32>
        %add3A_724 = arith.addf %add3A_105, %mul3A_723 : vector<16xf32>
        %mul3A_725 = vector.broadcast %squeeze3A_667 : f32 to vector<16xf32>
        %mul3A_726 = arith.mulf %mul3A_725, %get3A_116 : vector<16xf32>
        %add3A_727 = arith.addf %add3A_724, %mul3A_726 : vector<16xf32>
        %swap3A_728 = arith.constant 0 : i32
        %swap3A_729 = arith.index_cast %add3A_669 : i32 to index
        %swap3A_730 = arith.index_cast %swap3A_728 : i32 to index
        %swap3A_731 = arith.constant 64 : index
        %swap3A_732 = tpu.vector_load %arg9[%swap3A_729, %swap3A_730, %swap3A_731] {strides = array<i32>} : memref<512x1x128xf32, #tpu.memory_space<vmem>>, vector<1x1x16xf32>,
        %swap3A_733 = vector.shape_cast %swap3A_732 : vector<1x1x16xf32> to vector<16xf32>
        %swap3A_734 = vector.shape_cast %add3A_727 : vector<16xf32> to vector<1x1x16xf32>
        tpu.vector_store %arg9[%swap3A_729, %swap3A_730, %swap3A_731], %swap3A_734 {strides = array<i32>} : memref<512x1x128xf32, #tpu.memory_space<vmem>>, vector<1x1x16xf32>,
        %mul3A_735 = vector.broadcast %squeeze3A_665 : f32 to vector<16xf32>
        %mul3A_736 = arith.mulf %mul3A_735, %sub3A_133 : vector<16xf32>
        %add3A_737 = arith.addf %add3A_127, %mul3A_736 : vector<16xf32>
        %mul3A_738 = vector.broadcast %squeeze3A_667 : f32 to vector<16xf32>
        %mul3A_739 = arith.mulf %mul3A_738, %get3A_138 : vector<16xf32>
        %add3A_740 = arith.addf %add3A_737, %mul3A_739 : vector<16xf32>
        %swap3A_741 = arith.constant 0 : i32
        %swap3A_742 = arith.index_cast %add3A_669 : i32 to index
        %swap3A_743 = arith.index_cast %swap3A_741 : i32 to index
        %swap3A_744 = arith.constant 80 : index
        %swap3A_745 = tpu.vector_load %arg9[%swap3A_742, %swap3A_743, %swap3A_744] {strides = array<i32>} : memref<512x1x128xf32, #tpu.memory_space<vmem>>, vector<1x1x16xf32>,
        %swap3A_746 = vector.shape_cast %swap3A_745 : vector<1x1x16xf32> to vector<16xf32>
        %swap3A_747 = vector.shape_cast %add3A_740 : vector<16xf32> to vector<1x1x16xf32>
        tpu.vector_store %arg9[%swap3A_742, %swap3A_743, %swap3A_744], %swap3A_747 {strides = array<i32>} : memref<512x1x128xf32, #tpu.memory_space<vmem>>, vector<1x1x16xf32>,
        %mul3A_748 = vector.broadcast %squeeze3A_665 : f32 to vector<16xf32>
        %mul3A_749 = arith.mulf %mul3A_748, %sub3A_155 : vector<16xf32>
        %add3A_750 = arith.addf %add3A_149, %mul3A_749 : vector<16xf32>
        %mul3A_751 = vector.broadcast %squeeze3A_667 : f32 to vector<16xf32>
        %mul3A_752 = arith.mulf %mul3A_751, %get3A_160 : vector<16xf32>
        %add3A_753 = arith.addf %add3A_750, %mul3A_752 : vector<16xf32>
        %swap3A_754 = arith.constant 0 : i32
        %swap3A_755 = arith.index_cast %add3A_669 : i32 to index
        %swap3A_756 = arith.index_cast %swap3A_754 : i32 to index
        %swap3A_757 = arith.constant 96 : index
        %swap3A_758 = tpu.vector_load %arg9[%swap3A_755, %swap3A_756, %swap3A_757] {strides = array<i32>} : memref<512x1x128xf32, #tpu.memory_space<vmem>>, vector<1x1x16xf32>,
        %swap3A_759 = vector.shape_cast %swap3A_758 : vector<1x1x16xf32> to vector<16xf32>
        %swap3A_760 = vector.shape_cast %add3A_753 : vector<16xf32> to vector<1x1x16xf32>
        tpu.vector_store %arg9[%swap3A_755, %swap3A_756, %swap3A_757], %swap3A_760 {strides = array<i32>} : memref<512x1x128xf32, #tpu.memory_space<vmem>>, vector<1x1x16xf32>,
        %mul3A_761 = vector.broadcast %squeeze3A_665 : f32 to vector<16xf32>
        %mul3A_762 = arith.mulf %mul3A_761, %sub3A_177 : vector<16xf32>
        %add3A_763 = arith.addf %add3A_171, %mul3A_762 : vector<16xf32>
        %mul3A_764 = vector.broadcast %squeeze3A_667 : f32 to vector<16xf32>
        %mul3A_765 = arith.mulf %mul3A_764, %get3A_182 : vector<16xf32>
        %add3A_766 = arith.addf %add3A_763, %mul3A_765 : vector<16xf32>
        %swap3A_767 = arith.constant 0 : i32
        %swap3A_768 = arith.index_cast %add3A_669 : i32 to index
        %swap3A_769 = arith.index_cast %swap3A_767 : i32 to index
        %swap3A_770 = arith.constant 112 : index
        %swap3A_771 = tpu.vector_load %arg9[%swap3A_768, %swap3A_769, %swap3A_770] {strides = array<i32>} : memref<512x1x128xf32, #tpu.memory_space<vmem>>, vector<1x1x16xf32>,
        %swap3A_772 = vector.shape_cast %swap3A_771 : vector<1x1x16xf32> to vector<16xf32>
        %swap3A_773 = vector.shape_cast %add3A_766 : vector<16xf32> to vector<1x1x16xf32>
        tpu.vector_store %arg9[%swap3A_768, %swap3A_769, %swap3A_770], %swap3A_773 {strides = array<i32>} : memref<512x1x128xf32, #tpu.memory_space<vmem>>, vector<1x1x16xf32>,
        %slice3A_774 = vector.extract_strided_slice %convert_element_type3A {offsets = [5], sizes = [1], strides = [1]} : vector<16xf32> to vector<1xf32>
        %squeeze3A_775 = vector.extract %slice3A_774[0] : f32 from vector<1xf32>
        %slice3A_776 = vector.extract_strided_slice %get3A_226 {offsets = [5], sizes = [1], strides = [1]} : vector<16xf32> to vector<1xf32>
        %squeeze3A_777 = vector.extract %slice3A_776[0] : f32 from vector<1xf32>
        %add3A_778 = arith.constant 5 : i32
        %add3A_779 = arith.addi %add3A_220, %add3A_778 : i32
        %mul3A_780 = vector.broadcast %squeeze3A_775 : f32 to vector<16xf32>
        %mul3A_781 = arith.mulf %mul3A_780, %sub3A : vector<16xf32>
        %add3A_782 = arith.addf %add3A_18, %mul3A_781 : vector<16xf32>
        %mul3A_783 = vector.broadcast %squeeze3A_777 : f32 to vector<16xf32>
        %mul3A_784 = arith.mulf %mul3A_783, %get3A_28 : vector<16xf32>
        %add3A_785 = arith.addf %add3A_782, %mul3A_784 : vector<16xf32>
        %swap3A_786 = arith.constant 0 : i32
        %swap3A_787 = arith.index_cast %add3A_779 : i32 to index
        %swap3A_788 = arith.index_cast %swap3A_786 : i32 to index
        %swap3A_789 = arith.constant 0 : index
        %swap3A_790 = tpu.vector_load %arg9[%swap3A_787, %swap3A_788, %swap3A_789] {strides = array<i32>} : memref<512x1x128xf32, #tpu.memory_space<vmem>>, vector<1x1x16xf32>,
        %swap3A_791 = vector.shape_cast %swap3A_790 : vector<1x1x16xf32> to vector<16xf32>
        %swap3A_792 = vector.shape_cast %add3A_785 : vector<16xf32> to vector<1x1x16xf32>
        tpu.vector_store %arg9[%swap3A_787, %swap3A_788, %swap3A_789], %swap3A_792 {strides = array<i32>} : memref<512x1x128xf32, #tpu.memory_space<vmem>>, vector<1x1x16xf32>,
        %mul3A_793 = vector.broadcast %squeeze3A_775 : f32 to vector<16xf32>
        %mul3A_794 = arith.mulf %mul3A_793, %sub3A_45 : vector<16xf32>
        %add3A_795 = arith.addf %add3A_39, %mul3A_794 : vector<16xf32>
        %mul3A_796 = vector.broadcast %squeeze3A_777 : f32 to vector<16xf32>
        %mul3A_797 = arith.mulf %mul3A_796, %get3A_50 : vector<16xf32>
        %add3A_798 = arith.addf %add3A_795, %mul3A_797 : vector<16xf32>
        %swap3A_799 = arith.constant 0 : i32
        %swap3A_800 = arith.index_cast %add3A_779 : i32 to index
        %swap3A_801 = arith.index_cast %swap3A_799 : i32 to index
        %swap3A_802 = arith.constant 16 : index
        %swap3A_803 = tpu.vector_load %arg9[%swap3A_800, %swap3A_801, %swap3A_802] {strides = array<i32>} : memref<512x1x128xf32, #tpu.memory_space<vmem>>, vector<1x1x16xf32>,
        %swap3A_804 = vector.shape_cast %swap3A_803 : vector<1x1x16xf32> to vector<16xf32>
        %swap3A_805 = vector.shape_cast %add3A_798 : vector<16xf32> to vector<1x1x16xf32>
        tpu.vector_store %arg9[%swap3A_800, %swap3A_801, %swap3A_802], %swap3A_805 {strides = array<i32>} : memref<512x1x128xf32, #tpu.memory_space<vmem>>, vector<1x1x16xf32>,
        %mul3A_806 = vector.broadcast %squeeze3A_775 : f32 to vector<16xf32>
        %mul3A_807 = arith.mulf %mul3A_806, %sub3A_67 : vector<16xf32>
        %add3A_808 = arith.addf %add3A_61, %mul3A_807 : vector<16xf32>
        %mul3A_809 = vector.broadcast %squeeze3A_777 : f32 to vector<16xf32>
        %mul3A_810 = arith.mulf %mul3A_809, %get3A_72 : vector<16xf32>
        %add3A_811 = arith.addf %add3A_808, %mul3A_810 : vector<16xf32>
        %swap3A_812 = arith.constant 0 : i32
        %swap3A_813 = arith.index_cast %add3A_779 : i32 to index
        %swap3A_814 = arith.index_cast %swap3A_812 : i32 to index
        %swap3A_815 = arith.constant 32 : index
        %swap3A_816 = tpu.vector_load %arg9[%swap3A_813, %swap3A_814, %swap3A_815] {strides = array<i32>} : memref<512x1x128xf32, #tpu.memory_space<vmem>>, vector<1x1x16xf32>,
        %swap3A_817 = vector.shape_cast %swap3A_816 : vector<1x1x16xf32> to vector<16xf32>
        %swap3A_818 = vector.shape_cast %add3A_811 : vector<16xf32> to vector<1x1x16xf32>
        tpu.vector_store %arg9[%swap3A_813, %swap3A_814, %swap3A_815], %swap3A_818 {strides = array<i32>} : memref<512x1x128xf32, #tpu.memory_space<vmem>>, vector<1x1x16xf32>,
        %mul3A_819 = vector.broadcast %squeeze3A_775 : f32 to vector<16xf32>
        %mul3A_820 = arith.mulf %mul3A_819, %sub3A_89 : vector<16xf32>
        %add3A_821 = arith.addf %add3A_83, %mul3A_820 : vector<16xf32>
        %mul3A_822 = vector.broadcast %squeeze3A_777 : f32 to vector<16xf32>
        %mul3A_823 = arith.mulf %mul3A_822, %get3A_94 : vector<16xf32>
        %add3A_824 = arith.addf %add3A_821, %mul3A_823 : vector<16xf32>
        %swap3A_825 = arith.constant 0 : i32
        %swap3A_826 = arith.index_cast %add3A_779 : i32 to index
        %swap3A_827 = arith.index_cast %swap3A_825 : i32 to index
        %swap3A_828 = arith.constant 48 : index
        %swap3A_829 = tpu.vector_load %arg9[%swap3A_826, %swap3A_827, %swap3A_828] {strides = array<i32>} : memref<512x1x128xf32, #tpu.memory_space<vmem>>, vector<1x1x16xf32>,
        %swap3A_830 = vector.shape_cast %swap3A_829 : vector<1x1x16xf32> to vector<16xf32>
        %swap3A_831 = vector.shape_cast %add3A_824 : vector<16xf32> to vector<1x1x16xf32>
        tpu.vector_store %arg9[%swap3A_826, %swap3A_827, %swap3A_828], %swap3A_831 {strides = array<i32>} : memref<512x1x128xf32, #tpu.memory_space<vmem>>, vector<1x1x16xf32>,
        %mul3A_832 = vector.broadcast %squeeze3A_775 : f32 to vector<16xf32>
        %mul3A_833 = arith.mulf %mul3A_832, %sub3A_111 : vector<16xf32>
        %add3A_834 = arith.addf %add3A_105, %mul3A_833 : vector<16xf32>
        %mul3A_835 = vector.broadcast %squeeze3A_777 : f32 to vector<16xf32>
        %mul3A_836 = arith.mulf %mul3A_835, %get3A_116 : vector<16xf32>
        %add3A_837 = arith.addf %add3A_834, %mul3A_836 : vector<16xf32>
        %swap3A_838 = arith.constant 0 : i32
        %swap3A_839 = arith.index_cast %add3A_779 : i32 to index
        %swap3A_840 = arith.index_cast %swap3A_838 : i32 to index
        %swap3A_841 = arith.constant 64 : index
        %swap3A_842 = tpu.vector_load %arg9[%swap3A_839, %swap3A_840, %swap3A_841] {strides = array<i32>} : memref<512x1x128xf32, #tpu.memory_space<vmem>>, vector<1x1x16xf32>,
        %swap3A_843 = vector.shape_cast %swap3A_842 : vector<1x1x16xf32> to vector<16xf32>
        %swap3A_844 = vector.shape_cast %add3A_837 : vector<16xf32> to vector<1x1x16xf32>
        tpu.vector_store %arg9[%swap3A_839, %swap3A_840, %swap3A_841], %swap3A_844 {strides = array<i32>} : memref<512x1x128xf32, #tpu.memory_space<vmem>>, vector<1x1x16xf32>,
        %mul3A_845 = vector.broadcast %squeeze3A_775 : f32 to vector<16xf32>
        %mul3A_846 = arith.mulf %mul3A_845, %sub3A_133 : vector<16xf32>
        %add3A_847 = arith.addf %add3A_127, %mul3A_846 : vector<16xf32>
        %mul3A_848 = vector.broadcast %squeeze3A_777 : f32 to vector<16xf32>
        %mul3A_849 = arith.mulf %mul3A_848, %get3A_138 : vector<16xf32>
        %add3A_850 = arith.addf %add3A_847, %mul3A_849 : vector<16xf32>
        %swap3A_851 = arith.constant 0 : i32
        %swap3A_852 = arith.index_cast %add3A_779 : i32 to index
        %swap3A_853 = arith.index_cast %swap3A_851 : i32 to index
        %swap3A_854 = arith.constant 80 : index
        %swap3A_855 = tpu.vector_load %arg9[%swap3A_852, %swap3A_853, %swap3A_854] {strides = array<i32>} : memref<512x1x128xf32, #tpu.memory_space<vmem>>, vector<1x1x16xf32>,
        %swap3A_856 = vector.shape_cast %swap3A_855 : vector<1x1x16xf32> to vector<16xf32>
        %swap3A_857 = vector.shape_cast %add3A_850 : vector<16xf32> to vector<1x1x16xf32>
        tpu.vector_store %arg9[%swap3A_852, %swap3A_853, %swap3A_854], %swap3A_857 {strides = array<i32>} : memref<512x1x128xf32, #tpu.memory_space<vmem>>, vector<1x1x16xf32>,
        %mul3A_858 = vector.broadcast %squeeze3A_775 : f32 to vector<16xf32>
        %mul3A_859 = arith.mulf %mul3A_858, %sub3A_155 : vector<16xf32>
        %add3A_860 = arith.addf %add3A_149, %mul3A_859 : vector<16xf32>
        %mul3A_861 = vector.broadcast %squeeze3A_777 : f32 to vector<16xf32>
        %mul3A_862 = arith.mulf %mul3A_861, %get3A_160 : vector<16xf32>
        %add3A_863 = arith.addf %add3A_860, %mul3A_862 : vector<16xf32>
        %swap3A_864 = arith.constant 0 : i32
        %swap3A_865 = arith.index_cast %add3A_779 : i32 to index
        %swap3A_866 = arith.index_cast %swap3A_864 : i32 to index
        %swap3A_867 = arith.constant 96 : index
        %swap3A_868 = tpu.vector_load %arg9[%swap3A_865, %swap3A_866, %swap3A_867] {strides = array<i32>} : memref<512x1x128xf32, #tpu.memory_space<vmem>>, vector<1x1x16xf32>,
        %swap3A_869 = vector.shape_cast %swap3A_868 : vector<1x1x16xf32> to vector<16xf32>
        %swap3A_870 = vector.shape_cast %add3A_863 : vector<16xf32> to vector<1x1x16xf32>
        tpu.vector_store %arg9[%swap3A_865, %swap3A_866, %swap3A_867], %swap3A_870 {strides = array<i32>} : memref<512x1x128xf32, #tpu.memory_space<vmem>>, vector<1x1x16xf32>,
        %mul3A_871 = vector.broadcast %squeeze3A_775 : f32 to vector<16xf32>
        %mul3A_872 = arith.mulf %mul3A_871, %sub3A_177 : vector<16xf32>
        %add3A_873 = arith.addf %add3A_171, %mul3A_872 : vector<16xf32>
        %mul3A_874 = vector.broadcast %squeeze3A_777 : f32 to vector<16xf32>
        %mul3A_875 = arith.mulf %mul3A_874, %get3A_182 : vector<16xf32>
        %add3A_876 = arith.addf %add3A_873, %mul3A_875 : vector<16xf32>
        %swap3A_877 = arith.constant 0 : i32
        %swap3A_878 = arith.index_cast %add3A_779 : i32 to index
        %swap3A_879 = arith.index_cast %swap3A_877 : i32 to index
        %swap3A_880 = arith.constant 112 : index
        %swap3A_881 = tpu.vector_load %arg9[%swap3A_878, %swap3A_879, %swap3A_880] {strides = array<i32>} : memref<512x1x128xf32, #tpu.memory_space<vmem>>, vector<1x1x16xf32>,
        %swap3A_882 = vector.shape_cast %swap3A_881 : vector<1x1x16xf32> to vector<16xf32>
        %swap3A_883 = vector.shape_cast %add3A_876 : vector<16xf32> to vector<1x1x16xf32>
        tpu.vector_store %arg9[%swap3A_878, %swap3A_879, %swap3A_880], %swap3A_883 {strides = array<i32>} : memref<512x1x128xf32, #tpu.memory_space<vmem>>, vector<1x1x16xf32>,
        %slice3A_884 = vector.extract_strided_slice %convert_element_type3A {offsets = [6], sizes = [1], strides = [1]} : vector<16xf32> to vector<1xf32>
        %squeeze3A_885 = vector.extract %slice3A_884[0] : f32 from vector<1xf32>
        %slice3A_886 = vector.extract_strided_slice %get3A_226 {offsets = [6], sizes = [1], strides = [1]} : vector<16xf32> to vector<1xf32>
        %squeeze3A_887 = vector.extract %slice3A_886[0] : f32 from vector<1xf32>
        %add3A_888 = arith.constant 6 : i32
        %add3A_889 = arith.addi %add3A_220, %add3A_888 : i32
        %mul3A_890 = vector.broadcast %squeeze3A_885 : f32 to vector<16xf32>
        %mul3A_891 = arith.mulf %mul3A_890, %sub3A : vector<16xf32>
        %add3A_892 = arith.addf %add3A_18, %mul3A_891 : vector<16xf32>
        %mul3A_893 = vector.broadcast %squeeze3A_887 : f32 to vector<16xf32>
        %mul3A_894 = arith.mulf %mul3A_893, %get3A_28 : vector<16xf32>
        %add3A_895 = arith.addf %add3A_892, %mul3A_894 : vector<16xf32>
        %swap3A_896 = arith.constant 0 : i32
        %swap3A_897 = arith.index_cast %add3A_889 : i32 to index
        %swap3A_898 = arith.index_cast %swap3A_896 : i32 to index
        %swap3A_899 = arith.constant 0 : index
        %swap3A_900 = tpu.vector_load %arg9[%swap3A_897, %swap3A_898, %swap3A_899] {strides = array<i32>} : memref<512x1x128xf32, #tpu.memory_space<vmem>>, vector<1x1x16xf32>,
        %swap3A_901 = vector.shape_cast %swap3A_900 : vector<1x1x16xf32> to vector<16xf32>
        %swap3A_902 = vector.shape_cast %add3A_895 : vector<16xf32> to vector<1x1x16xf32>
        tpu.vector_store %arg9[%swap3A_897, %swap3A_898, %swap3A_899], %swap3A_902 {strides = array<i32>} : memref<512x1x128xf32, #tpu.memory_space<vmem>>, vector<1x1x16xf32>,
        %mul3A_903 = vector.broadcast %squeeze3A_885 : f32 to vector<16xf32>
        %mul3A_904 = arith.mulf %mul3A_903, %sub3A_45 : vector<16xf32>
        %add3A_905 = arith.addf %add3A_39, %mul3A_904 : vector<16xf32>
        %mul3A_906 = vector.broadcast %squeeze3A_887 : f32 to vector<16xf32>
        %mul3A_907 = arith.mulf %mul3A_906, %get3A_50 : vector<16xf32>
        %add3A_908 = arith.addf %add3A_905, %mul3A_907 : vector<16xf32>
        %swap3A_909 = arith.constant 0 : i32
        %swap3A_910 = arith.index_cast %add3A_889 : i32 to index
        %swap3A_911 = arith.index_cast %swap3A_909 : i32 to index
        %swap3A_912 = arith.constant 16 : index
        %swap3A_913 = tpu.vector_load %arg9[%swap3A_910, %swap3A_911, %swap3A_912] {strides = array<i32>} : memref<512x1x128xf32, #tpu.memory_space<vmem>>, vector<1x1x16xf32>,
        %swap3A_914 = vector.shape_cast %swap3A_913 : vector<1x1x16xf32> to vector<16xf32>
        %swap3A_915 = vector.shape_cast %add3A_908 : vector<16xf32> to vector<1x1x16xf32>
        tpu.vector_store %arg9[%swap3A_910, %swap3A_911, %swap3A_912], %swap3A_915 {strides = array<i32>} : memref<512x1x128xf32, #tpu.memory_space<vmem>>, vector<1x1x16xf32>,
        %mul3A_916 = vector.broadcast %squeeze3A_885 : f32 to vector<16xf32>
        %mul3A_917 = arith.mulf %mul3A_916, %sub3A_67 : vector<16xf32>
        %add3A_918 = arith.addf %add3A_61, %mul3A_917 : vector<16xf32>
        %mul3A_919 = vector.broadcast %squeeze3A_887 : f32 to vector<16xf32>
        %mul3A_920 = arith.mulf %mul3A_919, %get3A_72 : vector<16xf32>
        %add3A_921 = arith.addf %add3A_918, %mul3A_920 : vector<16xf32>
        %swap3A_922 = arith.constant 0 : i32
        %swap3A_923 = arith.index_cast %add3A_889 : i32 to index
        %swap3A_924 = arith.index_cast %swap3A_922 : i32 to index
        %swap3A_925 = arith.constant 32 : index
        %swap3A_926 = tpu.vector_load %arg9[%swap3A_923, %swap3A_924, %swap3A_925] {strides = array<i32>} : memref<512x1x128xf32, #tpu.memory_space<vmem>>, vector<1x1x16xf32>,
        %swap3A_927 = vector.shape_cast %swap3A_926 : vector<1x1x16xf32> to vector<16xf32>
        %swap3A_928 = vector.shape_cast %add3A_921 : vector<16xf32> to vector<1x1x16xf32>
        tpu.vector_store %arg9[%swap3A_923, %swap3A_924, %swap3A_925], %swap3A_928 {strides = array<i32>} : memref<512x1x128xf32, #tpu.memory_space<vmem>>, vector<1x1x16xf32>,
        %mul3A_929 = vector.broadcast %squeeze3A_885 : f32 to vector<16xf32>
        %mul3A_930 = arith.mulf %mul3A_929, %sub3A_89 : vector<16xf32>
        %add3A_931 = arith.addf %add3A_83, %mul3A_930 : vector<16xf32>
        %mul3A_932 = vector.broadcast %squeeze3A_887 : f32 to vector<16xf32>
        %mul3A_933 = arith.mulf %mul3A_932, %get3A_94 : vector<16xf32>
        %add3A_934 = arith.addf %add3A_931, %mul3A_933 : vector<16xf32>
        %swap3A_935 = arith.constant 0 : i32
        %swap3A_936 = arith.index_cast %add3A_889 : i32 to index
        %swap3A_937 = arith.index_cast %swap3A_935 : i32 to index
        %swap3A_938 = arith.constant 48 : index
        %swap3A_939 = tpu.vector_load %arg9[%swap3A_936, %swap3A_937, %swap3A_938] {strides = array<i32>} : memref<512x1x128xf32, #tpu.memory_space<vmem>>, vector<1x1x16xf32>,
        %swap3A_940 = vector.shape_cast %swap3A_939 : vector<1x1x16xf32> to vector<16xf32>
        %swap3A_941 = vector.shape_cast %add3A_934 : vector<16xf32> to vector<1x1x16xf32>
        tpu.vector_store %arg9[%swap3A_936, %swap3A_937, %swap3A_938], %swap3A_941 {strides = array<i32>} : memref<512x1x128xf32, #tpu.memory_space<vmem>>, vector<1x1x16xf32>,
        %mul3A_942 = vector.broadcast %squeeze3A_885 : f32 to vector<16xf32>
        %mul3A_943 = arith.mulf %mul3A_942, %sub3A_111 : vector<16xf32>
        %add3A_944 = arith.addf %add3A_105, %mul3A_943 : vector<16xf32>
        %mul3A_945 = vector.broadcast %squeeze3A_887 : f32 to vector<16xf32>
        %mul3A_946 = arith.mulf %mul3A_945, %get3A_116 : vector<16xf32>
        %add3A_947 = arith.addf %add3A_944, %mul3A_946 : vector<16xf32>
        %swap3A_948 = arith.constant 0 : i32
        %swap3A_949 = arith.index_cast %add3A_889 : i32 to index
        %swap3A_950 = arith.index_cast %swap3A_948 : i32 to index
        %swap3A_951 = arith.constant 64 : index
        %swap3A_952 = tpu.vector_load %arg9[%swap3A_949, %swap3A_950, %swap3A_951] {strides = array<i32>} : memref<512x1x128xf32, #tpu.memory_space<vmem>>, vector<1x1x16xf32>,
        %swap3A_953 = vector.shape_cast %swap3A_952 : vector<1x1x16xf32> to vector<16xf32>
        %swap3A_954 = vector.shape_cast %add3A_947 : vector<16xf32> to vector<1x1x16xf32>
        tpu.vector_store %arg9[%swap3A_949, %swap3A_950, %swap3A_951], %swap3A_954 {strides = array<i32>} : memref<512x1x128xf32, #tpu.memory_space<vmem>>, vector<1x1x16xf32>,
        %mul3A_955 = vector.broadcast %squeeze3A_885 : f32 to vector<16xf32>
        %mul3A_956 = arith.mulf %mul3A_955, %sub3A_133 : vector<16xf32>
        %add3A_957 = arith.addf %add3A_127, %mul3A_956 : vector<16xf32>
        %mul3A_958 = vector.broadcast %squeeze3A_887 : f32 to vector<16xf32>
        %mul3A_959 = arith.mulf %mul3A_958, %get3A_138 : vector<16xf32>
        %add3A_960 = arith.addf %add3A_957, %mul3A_959 : vector<16xf32>
        %swap3A_961 = arith.constant 0 : i32
        %swap3A_962 = arith.index_cast %add3A_889 : i32 to index
        %swap3A_963 = arith.index_cast %swap3A_961 : i32 to index
        %swap3A_964 = arith.constant 80 : index
        %swap3A_965 = tpu.vector_load %arg9[%swap3A_962, %swap3A_963, %swap3A_964] {strides = array<i32>} : memref<512x1x128xf32, #tpu.memory_space<vmem>>, vector<1x1x16xf32>,
        %swap3A_966 = vector.shape_cast %swap3A_965 : vector<1x1x16xf32> to vector<16xf32>
        %swap3A_967 = vector.shape_cast %add3A_960 : vector<16xf32> to vector<1x1x16xf32>
        tpu.vector_store %arg9[%swap3A_962, %swap3A_963, %swap3A_964], %swap3A_967 {strides = array<i32>} : memref<512x1x128xf32, #tpu.memory_space<vmem>>, vector<1x1x16xf32>,
        %mul3A_968 = vector.broadcast %squeeze3A_885 : f32 to vector<16xf32>
        %mul3A_969 = arith.mulf %mul3A_968, %sub3A_155 : vector<16xf32>
        %add3A_970 = arith.addf %add3A_149, %mul3A_969 : vector<16xf32>
        %mul3A_971 = vector.broadcast %squeeze3A_887 : f32 to vector<16xf32>
        %mul3A_972 = arith.mulf %mul3A_971, %get3A_160 : vector<16xf32>
        %add3A_973 = arith.addf %add3A_970, %mul3A_972 : vector<16xf32>
        %swap3A_974 = arith.constant 0 : i32
        %swap3A_975 = arith.index_cast %add3A_889 : i32 to index
        %swap3A_976 = arith.index_cast %swap3A_974 : i32 to index
        %swap3A_977 = arith.constant 96 : index
        %swap3A_978 = tpu.vector_load %arg9[%swap3A_975, %swap3A_976, %swap3A_977] {strides = array<i32>} : memref<512x1x128xf32, #tpu.memory_space<vmem>>, vector<1x1x16xf32>,
        %swap3A_979 = vector.shape_cast %swap3A_978 : vector<1x1x16xf32> to vector<16xf32>
        %swap3A_980 = vector.shape_cast %add3A_973 : vector<16xf32> to vector<1x1x16xf32>
        tpu.vector_store %arg9[%swap3A_975, %swap3A_976, %swap3A_977], %swap3A_980 {strides = array<i32>} : memref<512x1x128xf32, #tpu.memory_space<vmem>>, vector<1x1x16xf32>,
        %mul3A_981 = vector.broadcast %squeeze3A_885 : f32 to vector<16xf32>
        %mul3A_982 = arith.mulf %mul3A_981, %sub3A_177 : vector<16xf32>
        %add3A_983 = arith.addf %add3A_171, %mul3A_982 : vector<16xf32>
        %mul3A_984 = vector.broadcast %squeeze3A_887 : f32 to vector<16xf32>
        %mul3A_985 = arith.mulf %mul3A_984, %get3A_182 : vector<16xf32>
        %add3A_986 = arith.addf %add3A_983, %mul3A_985 : vector<16xf32>
        %swap3A_987 = arith.constant 0 : i32
        %swap3A_988 = arith.index_cast %add3A_889 : i32 to index
        %swap3A_989 = arith.index_cast %swap3A_987 : i32 to index
        %swap3A_990 = arith.constant 112 : index
        %swap3A_991 = tpu.vector_load %arg9[%swap3A_988, %swap3A_989, %swap3A_990] {strides = array<i32>} : memref<512x1x128xf32, #tpu.memory_space<vmem>>, vector<1x1x16xf32>,
        %swap3A_992 = vector.shape_cast %swap3A_991 : vector<1x1x16xf32> to vector<16xf32>
        %swap3A_993 = vector.shape_cast %add3A_986 : vector<16xf32> to vector<1x1x16xf32>
        tpu.vector_store %arg9[%swap3A_988, %swap3A_989, %swap3A_990], %swap3A_993 {strides = array<i32>} : memref<512x1x128xf32, #tpu.memory_space<vmem>>, vector<1x1x16xf32>,
        %slice3A_994 = vector.extract_strided_slice %convert_element_type3A {offsets = [7], sizes = [1], strides = [1]} : vector<16xf32> to vector<1xf32>
        %squeeze3A_995 = vector.extract %slice3A_994[0] : f32 from vector<1xf32>
        %slice3A_996 = vector.extract_strided_slice %get3A_226 {offsets = [7], sizes = [1], strides = [1]} : vector<16xf32> to vector<1xf32>
        %squeeze3A_997 = vector.extract %slice3A_996[0] : f32 from vector<1xf32>
        %add3A_998 = arith.constant 7 : i32
        %add3A_999 = arith.addi %add3A_220, %add3A_998 : i32
        %mul3A_1000 = vector.broadcast %squeeze3A_995 : f32 to vector<16xf32>
        %mul3A_1001 = arith.mulf %mul3A_1000, %sub3A : vector<16xf32>
        %add3A_1002 = arith.addf %add3A_18, %mul3A_1001 : vector<16xf32>
        %mul3A_1003 = vector.broadcast %squeeze3A_997 : f32 to vector<16xf32>
        %mul3A_1004 = arith.mulf %mul3A_1003, %get3A_28 : vector<16xf32>
        %add3A_1005 = arith.addf %add3A_1002, %mul3A_1004 : vector<16xf32>
        %swap3A_1006 = arith.constant 0 : i32
        %swap3A_1007 = arith.index_cast %add3A_999 : i32 to index
        %swap3A_1008 = arith.index_cast %swap3A_1006 : i32 to index
        %swap3A_1009 = arith.constant 0 : index
        %swap3A_1010 = tpu.vector_load %arg9[%swap3A_1007, %swap3A_1008, %swap3A_1009] {strides = array<i32>} : memref<512x1x128xf32, #tpu.memory_space<vmem>>, vector<1x1x16xf32>,
        %swap3A_1011 = vector.shape_cast %swap3A_1010 : vector<1x1x16xf32> to vector<16xf32>
        %swap3A_1012 = vector.shape_cast %add3A_1005 : vector<16xf32> to vector<1x1x16xf32>
        tpu.vector_store %arg9[%swap3A_1007, %swap3A_1008, %swap3A_1009], %swap3A_1012 {strides = array<i32>} : memref<512x1x128xf32, #tpu.memory_space<vmem>>, vector<1x1x16xf32>,
        %mul3A_1013 = vector.broadcast %squeeze3A_995 : f32 to vector<16xf32>
        %mul3A_1014 = arith.mulf %mul3A_1013, %sub3A_45 : vector<16xf32>
        %add3A_1015 = arith.addf %add3A_39, %mul3A_1014 : vector<16xf32>
        %mul3A_1016 = vector.broadcast %squeeze3A_997 : f32 to vector<16xf32>
        %mul3A_1017 = arith.mulf %mul3A_1016, %get3A_50 : vector<16xf32>
        %add3A_1018 = arith.addf %add3A_1015, %mul3A_1017 : vector<16xf32>
        %swap3A_1019 = arith.constant 0 : i32
        %swap3A_1020 = arith.index_cast %add3A_999 : i32 to index
        %swap3A_1021 = arith.index_cast %swap3A_1019 : i32 to index
        %swap3A_1022 = arith.constant 16 : index
        %swap3A_1023 = tpu.vector_load %arg9[%swap3A_1020, %swap3A_1021, %swap3A_1022] {strides = array<i32>} : memref<512x1x128xf32, #tpu.memory_space<vmem>>, vector<1x1x16xf32>,
        %swap3A_1024 = vector.shape_cast %swap3A_1023 : vector<1x1x16xf32> to vector<16xf32>
        %swap3A_1025 = vector.shape_cast %add3A_1018 : vector<16xf32> to vector<1x1x16xf32>
        tpu.vector_store %arg9[%swap3A_1020, %swap3A_1021, %swap3A_1022], %swap3A_1025 {strides = array<i32>} : memref<512x1x128xf32, #tpu.memory_space<vmem>>, vector<1x1x16xf32>,
        %mul3A_1026 = vector.broadcast %squeeze3A_995 : f32 to vector<16xf32>
        %mul3A_1027 = arith.mulf %mul3A_1026, %sub3A_67 : vector<16xf32>
        %add3A_1028 = arith.addf %add3A_61, %mul3A_1027 : vector<16xf32>
        %mul3A_1029 = vector.broadcast %squeeze3A_997 : f32 to vector<16xf32>
        %mul3A_1030 = arith.mulf %mul3A_1029, %get3A_72 : vector<16xf32>
        %add3A_1031 = arith.addf %add3A_1028, %mul3A_1030 : vector<16xf32>
        %swap3A_1032 = arith.constant 0 : i32
        %swap3A_1033 = arith.index_cast %add3A_999 : i32 to index
        %swap3A_1034 = arith.index_cast %swap3A_1032 : i32 to index
        %swap3A_1035 = arith.constant 32 : index
        %swap3A_1036 = tpu.vector_load %arg9[%swap3A_1033, %swap3A_1034, %swap3A_1035] {strides = array<i32>} : memref<512x1x128xf32, #tpu.memory_space<vmem>>, vector<1x1x16xf32>,
        %swap3A_1037 = vector.shape_cast %swap3A_1036 : vector<1x1x16xf32> to vector<16xf32>
        %swap3A_1038 = vector.shape_cast %add3A_1031 : vector<16xf32> to vector<1x1x16xf32>
        tpu.vector_store %arg9[%swap3A_1033, %swap3A_1034, %swap3A_1035], %swap3A_1038 {strides = array<i32>} : memref<512x1x128xf32, #tpu.memory_space<vmem>>, vector<1x1x16xf32>,
        %mul3A_1039 = vector.broadcast %squeeze3A_995 : f32 to vector<16xf32>
        %mul3A_1040 = arith.mulf %mul3A_1039, %sub3A_89 : vector<16xf32>
        %add3A_1041 = arith.addf %add3A_83, %mul3A_1040 : vector<16xf32>
        %mul3A_1042 = vector.broadcast %squeeze3A_997 : f32 to vector<16xf32>
        %mul3A_1043 = arith.mulf %mul3A_1042, %get3A_94 : vector<16xf32>
        %add3A_1044 = arith.addf %add3A_1041, %mul3A_1043 : vector<16xf32>
        %swap3A_1045 = arith.constant 0 : i32
        %swap3A_1046 = arith.index_cast %add3A_999 : i32 to index
        %swap3A_1047 = arith.index_cast %swap3A_1045 : i32 to index
        %swap3A_1048 = arith.constant 48 : index
        %swap3A_1049 = tpu.vector_load %arg9[%swap3A_1046, %swap3A_1047, %swap3A_1048] {strides = array<i32>} : memref<512x1x128xf32, #tpu.memory_space<vmem>>, vector<1x1x16xf32>,
        %swap3A_1050 = vector.shape_cast %swap3A_1049 : vector<1x1x16xf32> to vector<16xf32>
        %swap3A_1051 = vector.shape_cast %add3A_1044 : vector<16xf32> to vector<1x1x16xf32>
        tpu.vector_store %arg9[%swap3A_1046, %swap3A_1047, %swap3A_1048], %swap3A_1051 {strides = array<i32>} : memref<512x1x128xf32, #tpu.memory_space<vmem>>, vector<1x1x16xf32>,
        %mul3A_1052 = vector.broadcast %squeeze3A_995 : f32 to vector<16xf32>
        %mul3A_1053 = arith.mulf %mul3A_1052, %sub3A_111 : vector<16xf32>
        %add3A_1054 = arith.addf %add3A_105, %mul3A_1053 : vector<16xf32>
        %mul3A_1055 = vector.broadcast %squeeze3A_997 : f32 to vector<16xf32>
        %mul3A_1056 = arith.mulf %mul3A_1055, %get3A_116 : vector<16xf32>
        %add3A_1057 = arith.addf %add3A_1054, %mul3A_1056 : vector<16xf32>
        %swap3A_1058 = arith.constant 0 : i32
        %swap3A_1059 = arith.index_cast %add3A_999 : i32 to index
        %swap3A_1060 = arith.index_cast %swap3A_1058 : i32 to index
        %swap3A_1061 = arith.constant 64 : index
        %swap3A_1062 = tpu.vector_load %arg9[%swap3A_1059, %swap3A_1060, %swap3A_1061] {strides = array<i32>} : memref<512x1x128xf32, #tpu.memory_space<vmem>>, vector<1x1x16xf32>,
        %swap3A_1063 = vector.shape_cast %swap3A_1062 : vector<1x1x16xf32> to vector<16xf32>
        %swap3A_1064 = vector.shape_cast %add3A_1057 : vector<16xf32> to vector<1x1x16xf32>
        tpu.vector_store %arg9[%swap3A_1059, %swap3A_1060, %swap3A_1061], %swap3A_1064 {strides = array<i32>} : memref<512x1x128xf32, #tpu.memory_space<vmem>>, vector<1x1x16xf32>,
        %mul3A_1065 = vector.broadcast %squeeze3A_995 : f32 to vector<16xf32>
        %mul3A_1066 = arith.mulf %mul3A_1065, %sub3A_133 : vector<16xf32>
        %add3A_1067 = arith.addf %add3A_127, %mul3A_1066 : vector<16xf32>
        %mul3A_1068 = vector.broadcast %squeeze3A_997 : f32 to vector<16xf32>
        %mul3A_1069 = arith.mulf %mul3A_1068, %get3A_138 : vector<16xf32>
        %add3A_1070 = arith.addf %add3A_1067, %mul3A_1069 : vector<16xf32>
        %swap3A_1071 = arith.constant 0 : i32
        %swap3A_1072 = arith.index_cast %add3A_999 : i32 to index
        %swap3A_1073 = arith.index_cast %swap3A_1071 : i32 to index
        %swap3A_1074 = arith.constant 80 : index
        %swap3A_1075 = tpu.vector_load %arg9[%swap3A_1072, %swap3A_1073, %swap3A_1074] {strides = array<i32>} : memref<512x1x128xf32, #tpu.memory_space<vmem>>, vector<1x1x16xf32>,
        %swap3A_1076 = vector.shape_cast %swap3A_1075 : vector<1x1x16xf32> to vector<16xf32>
        %swap3A_1077 = vector.shape_cast %add3A_1070 : vector<16xf32> to vector<1x1x16xf32>
        tpu.vector_store %arg9[%swap3A_1072, %swap3A_1073, %swap3A_1074], %swap3A_1077 {strides = array<i32>} : memref<512x1x128xf32, #tpu.memory_space<vmem>>, vector<1x1x16xf32>,
        %mul3A_1078 = vector.broadcast %squeeze3A_995 : f32 to vector<16xf32>
        %mul3A_1079 = arith.mulf %mul3A_1078, %sub3A_155 : vector<16xf32>
        %add3A_1080 = arith.addf %add3A_149, %mul3A_1079 : vector<16xf32>
        %mul3A_1081 = vector.broadcast %squeeze3A_997 : f32 to vector<16xf32>
        %mul3A_1082 = arith.mulf %mul3A_1081, %get3A_160 : vector<16xf32>
        %add3A_1083 = arith.addf %add3A_1080, %mul3A_1082 : vector<16xf32>
        %swap3A_1084 = arith.constant 0 : i32
        %swap3A_1085 = arith.index_cast %add3A_999 : i32 to index
        %swap3A_1086 = arith.index_cast %swap3A_1084 : i32 to index
        %swap3A_1087 = arith.constant 96 : index
        %swap3A_1088 = tpu.vector_load %arg9[%swap3A_1085, %swap3A_1086, %swap3A_1087] {strides = array<i32>} : memref<512x1x128xf32, #tpu.memory_space<vmem>>, vector<1x1x16xf32>,
        %swap3A_1089 = vector.shape_cast %swap3A_1088 : vector<1x1x16xf32> to vector<16xf32>
        %swap3A_1090 = vector.shape_cast %add3A_1083 : vector<16xf32> to vector<1x1x16xf32>
        tpu.vector_store %arg9[%swap3A_1085, %swap3A_1086, %swap3A_1087], %swap3A_1090 {strides = array<i32>} : memref<512x1x128xf32, #tpu.memory_space<vmem>>, vector<1x1x16xf32>,
        %mul3A_1091 = vector.broadcast %squeeze3A_995 : f32 to vector<16xf32>
        %mul3A_1092 = arith.mulf %mul3A_1091, %sub3A_177 : vector<16xf32>
        %add3A_1093 = arith.addf %add3A_171, %mul3A_1092 : vector<16xf32>
        %mul3A_1094 = vector.broadcast %squeeze3A_997 : f32 to vector<16xf32>
        %mul3A_1095 = arith.mulf %mul3A_1094, %get3A_182 : vector<16xf32>
        %add3A_1096 = arith.addf %add3A_1093, %mul3A_1095 : vector<16xf32>
        %swap3A_1097 = arith.constant 0 : i32
        %swap3A_1098 = arith.index_cast %add3A_999 : i32 to index
        %swap3A_1099 = arith.index_cast %swap3A_1097 : i32 to index
        %swap3A_1100 = arith.constant 112 : index
        %swap3A_1101 = tpu.vector_load %arg9[%swap3A_1098, %swap3A_1099, %swap3A_1100] {strides = array<i32>} : memref<512x1x128xf32, #tpu.memory_space<vmem>>, vector<1x1x16xf32>,
        %swap3A_1102 = vector.shape_cast %swap3A_1101 : vector<1x1x16xf32> to vector<16xf32>
        %swap3A_1103 = vector.shape_cast %add3A_1096 : vector<16xf32> to vector<1x1x16xf32>
        tpu.vector_store %arg9[%swap3A_1098, %swap3A_1099, %swap3A_1100], %swap3A_1103 {strides = array<i32>} : memref<512x1x128xf32, #tpu.memory_space<vmem>>, vector<1x1x16xf32>,
        %slice3A_1104 = vector.extract_strided_slice %convert_element_type3A {offsets = [8], sizes = [1], strides = [1]} : vector<16xf32> to vector<1xf32>
        %squeeze3A_1105 = vector.extract %slice3A_1104[0] : f32 from vector<1xf32>
        %slice3A_1106 = vector.extract_strided_slice %get3A_226 {offsets = [8], sizes = [1], strides = [1]} : vector<16xf32> to vector<1xf32>
        %squeeze3A_1107 = vector.extract %slice3A_1106[0] : f32 from vector<1xf32>
        %add3A_1108 = arith.constant 8 : i32
        %add3A_1109 = arith.addi %add3A_220, %add3A_1108 : i32
        %mul3A_1110 = vector.broadcast %squeeze3A_1105 : f32 to vector<16xf32>
        %mul3A_1111 = arith.mulf %mul3A_1110, %sub3A : vector<16xf32>
        %add3A_1112 = arith.addf %add3A_18, %mul3A_1111 : vector<16xf32>
        %mul3A_1113 = vector.broadcast %squeeze3A_1107 : f32 to vector<16xf32>
        %mul3A_1114 = arith.mulf %mul3A_1113, %get3A_28 : vector<16xf32>
        %add3A_1115 = arith.addf %add3A_1112, %mul3A_1114 : vector<16xf32>
        %swap3A_1116 = arith.constant 0 : i32
        %swap3A_1117 = arith.index_cast %add3A_1109 : i32 to index
        %swap3A_1118 = arith.index_cast %swap3A_1116 : i32 to index
        %swap3A_1119 = arith.constant 0 : index
        %swap3A_1120 = tpu.vector_load %arg9[%swap3A_1117, %swap3A_1118, %swap3A_1119] {strides = array<i32>} : memref<512x1x128xf32, #tpu.memory_space<vmem>>, vector<1x1x16xf32>,
        %swap3A_1121 = vector.shape_cast %swap3A_1120 : vector<1x1x16xf32> to vector<16xf32>
        %swap3A_1122 = vector.shape_cast %add3A_1115 : vector<16xf32> to vector<1x1x16xf32>
        tpu.vector_store %arg9[%swap3A_1117, %swap3A_1118, %swap3A_1119], %swap3A_1122 {strides = array<i32>} : memref<512x1x128xf32, #tpu.memory_space<vmem>>, vector<1x1x16xf32>,
        %mul3A_1123 = vector.broadcast %squeeze3A_1105 : f32 to vector<16xf32>
        %mul3A_1124 = arith.mulf %mul3A_1123, %sub3A_45 : vector<16xf32>
        %add3A_1125 = arith.addf %add3A_39, %mul3A_1124 : vector<16xf32>
        %mul3A_1126 = vector.broadcast %squeeze3A_1107 : f32 to vector<16xf32>
        %mul3A_1127 = arith.mulf %mul3A_1126, %get3A_50 : vector<16xf32>
        %add3A_1128 = arith.addf %add3A_1125, %mul3A_1127 : vector<16xf32>
        %swap3A_1129 = arith.constant 0 : i32
        %swap3A_1130 = arith.index_cast %add3A_1109 : i32 to index
        %swap3A_1131 = arith.index_cast %swap3A_1129 : i32 to index
        %swap3A_1132 = arith.constant 16 : index
        %swap3A_1133 = tpu.vector_load %arg9[%swap3A_1130, %swap3A_1131, %swap3A_1132] {strides = array<i32>} : memref<512x1x128xf32, #tpu.memory_space<vmem>>, vector<1x1x16xf32>,
        %swap3A_1134 = vector.shape_cast %swap3A_1133 : vector<1x1x16xf32> to vector<16xf32>
        %swap3A_1135 = vector.shape_cast %add3A_1128 : vector<16xf32> to vector<1x1x16xf32>
        tpu.vector_store %arg9[%swap3A_1130, %swap3A_1131, %swap3A_1132], %swap3A_1135 {strides = array<i32>} : memref<512x1x128xf32, #tpu.memory_space<vmem>>, vector<1x1x16xf32>,
        %mul3A_1136 = vector.broadcast %squeeze3A_1105 : f32 to vector<16xf32>
        %mul3A_1137 = arith.mulf %mul3A_1136, %sub3A_67 : vector<16xf32>
        %add3A_1138 = arith.addf %add3A_61, %mul3A_1137 : vector<16xf32>
        %mul3A_1139 = vector.broadcast %squeeze3A_1107 : f32 to vector<16xf32>
        %mul3A_1140 = arith.mulf %mul3A_1139, %get3A_72 : vector<16xf32>
        %add3A_1141 = arith.addf %add3A_1138, %mul3A_1140 : vector<16xf32>
        %swap3A_1142 = arith.constant 0 : i32
        %swap3A_1143 = arith.index_cast %add3A_1109 : i32 to index
        %swap3A_1144 = arith.index_cast %swap3A_1142 : i32 to index
        %swap3A_1145 = arith.constant 32 : index
        %swap3A_1146 = tpu.vector_load %arg9[%swap3A_1143, %swap3A_1144, %swap3A_1145] {strides = array<i32>} : memref<512x1x128xf32, #tpu.memory_space<vmem>>, vector<1x1x16xf32>,
        %swap3A_1147 = vector.shape_cast %swap3A_1146 : vector<1x1x16xf32> to vector<16xf32>
        %swap3A_1148 = vector.shape_cast %add3A_1141 : vector<16xf32> to vector<1x1x16xf32>
        tpu.vector_store %arg9[%swap3A_1143, %swap3A_1144, %swap3A_1145], %swap3A_1148 {strides = array<i32>} : memref<512x1x128xf32, #tpu.memory_space<vmem>>, vector<1x1x16xf32>,
        %mul3A_1149 = vector.broadcast %squeeze3A_1105 : f32 to vector<16xf32>
        %mul3A_1150 = arith.mulf %mul3A_1149, %sub3A_89 : vector<16xf32>
        %add3A_1151 = arith.addf %add3A_83, %mul3A_1150 : vector<16xf32>
        %mul3A_1152 = vector.broadcast %squeeze3A_1107 : f32 to vector<16xf32>
        %mul3A_1153 = arith.mulf %mul3A_1152, %get3A_94 : vector<16xf32>
        %add3A_1154 = arith.addf %add3A_1151, %mul3A_1153 : vector<16xf32>
        %swap3A_1155 = arith.constant 0 : i32
        %swap3A_1156 = arith.index_cast %add3A_1109 : i32 to index
        %swap3A_1157 = arith.index_cast %swap3A_1155 : i32 to index
        %swap3A_1158 = arith.constant 48 : index
        %swap3A_1159 = tpu.vector_load %arg9[%swap3A_1156, %swap3A_1157, %swap3A_1158] {strides = array<i32>} : memref<512x1x128xf32, #tpu.memory_space<vmem>>, vector<1x1x16xf32>,
        %swap3A_1160 = vector.shape_cast %swap3A_1159 : vector<1x1x16xf32> to vector<16xf32>
        %swap3A_1161 = vector.shape_cast %add3A_1154 : vector<16xf32> to vector<1x1x16xf32>
        tpu.vector_store %arg9[%swap3A_1156, %swap3A_1157, %swap3A_1158], %swap3A_1161 {strides = array<i32>} : memref<512x1x128xf32, #tpu.memory_space<vmem>>, vector<1x1x16xf32>,
        %mul3A_1162 = vector.broadcast %squeeze3A_1105 : f32 to vector<16xf32>
        %mul3A_1163 = arith.mulf %mul3A_1162, %sub3A_111 : vector<16xf32>
        %add3A_1164 = arith.addf %add3A_105, %mul3A_1163 : vector<16xf32>
        %mul3A_1165 = vector.broadcast %squeeze3A_1107 : f32 to vector<16xf32>
        %mul3A_1166 = arith.mulf %mul3A_1165, %get3A_116 : vector<16xf32>
        %add3A_1167 = arith.addf %add3A_1164, %mul3A_1166 : vector<16xf32>
        %swap3A_1168 = arith.constant 0 : i32
        %swap3A_1169 = arith.index_cast %add3A_1109 : i32 to index
        %swap3A_1170 = arith.index_cast %swap3A_1168 : i32 to index
        %swap3A_1171 = arith.constant 64 : index
        %swap3A_1172 = tpu.vector_load %arg9[%swap3A_1169, %swap3A_1170, %swap3A_1171] {strides = array<i32>} : memref<512x1x128xf32, #tpu.memory_space<vmem>>, vector<1x1x16xf32>,
        %swap3A_1173 = vector.shape_cast %swap3A_1172 : vector<1x1x16xf32> to vector<16xf32>
        %swap3A_1174 = vector.shape_cast %add3A_1167 : vector<16xf32> to vector<1x1x16xf32>
        tpu.vector_store %arg9[%swap3A_1169, %swap3A_1170, %swap3A_1171], %swap3A_1174 {strides = array<i32>} : memref<512x1x128xf32, #tpu.memory_space<vmem>>, vector<1x1x16xf32>,
        %mul3A_1175 = vector.broadcast %squeeze3A_1105 : f32 to vector<16xf32>
        %mul3A_1176 = arith.mulf %mul3A_1175, %sub3A_133 : vector<16xf32>
        %add3A_1177 = arith.addf %add3A_127, %mul3A_1176 : vector<16xf32>
        %mul3A_1178 = vector.broadcast %squeeze3A_1107 : f32 to vector<16xf32>
        %mul3A_1179 = arith.mulf %mul3A_1178, %get3A_138 : vector<16xf32>
        %add3A_1180 = arith.addf %add3A_1177, %mul3A_1179 : vector<16xf32>
        %swap3A_1181 = arith.constant 0 : i32
        %swap3A_1182 = arith.index_cast %add3A_1109 : i32 to index
        %swap3A_1183 = arith.index_cast %swap3A_1181 : i32 to index
        %swap3A_1184 = arith.constant 80 : index
        %swap3A_1185 = tpu.vector_load %arg9[%swap3A_1182, %swap3A_1183, %swap3A_1184] {strides = array<i32>} : memref<512x1x128xf32, #tpu.memory_space<vmem>>, vector<1x1x16xf32>,
        %swap3A_1186 = vector.shape_cast %swap3A_1185 : vector<1x1x16xf32> to vector<16xf32>
        %swap3A_1187 = vector.shape_cast %add3A_1180 : vector<16xf32> to vector<1x1x16xf32>
        tpu.vector_store %arg9[%swap3A_1182, %swap3A_1183, %swap3A_1184], %swap3A_1187 {strides = array<i32>} : memref<512x1x128xf32, #tpu.memory_space<vmem>>, vector<1x1x16xf32>,
        %mul3A_1188 = vector.broadcast %squeeze3A_1105 : f32 to vector<16xf32>
        %mul3A_1189 = arith.mulf %mul3A_1188, %sub3A_155 : vector<16xf32>
        %add3A_1190 = arith.addf %add3A_149, %mul3A_1189 : vector<16xf32>
        %mul3A_1191 = vector.broadcast %squeeze3A_1107 : f32 to vector<16xf32>
        %mul3A_1192 = arith.mulf %mul3A_1191, %get3A_160 : vector<16xf32>
        %add3A_1193 = arith.addf %add3A_1190, %mul3A_1192 : vector<16xf32>
        %swap3A_1194 = arith.constant 0 : i32
        %swap3A_1195 = arith.index_cast %add3A_1109 : i32 to index
        %swap3A_1196 = arith.index_cast %swap3A_1194 : i32 to index
        %swap3A_1197 = arith.constant 96 : index
        %swap3A_1198 = tpu.vector_load %arg9[%swap3A_1195, %swap3A_1196, %swap3A_1197] {strides = array<i32>} : memref<512x1x128xf32, #tpu.memory_space<vmem>>, vector<1x1x16xf32>,
        %swap3A_1199 = vector.shape_cast %swap3A_1198 : vector<1x1x16xf32> to vector<16xf32>
        %swap3A_1200 = vector.shape_cast %add3A_1193 : vector<16xf32> to vector<1x1x16xf32>
        tpu.vector_store %arg9[%swap3A_1195, %swap3A_1196, %swap3A_1197], %swap3A_1200 {strides = array<i32>} : memref<512x1x128xf32, #tpu.memory_space<vmem>>, vector<1x1x16xf32>,
        %mul3A_1201 = vector.broadcast %squeeze3A_1105 : f32 to vector<16xf32>
        %mul3A_1202 = arith.mulf %mul3A_1201, %sub3A_177 : vector<16xf32>
        %add3A_1203 = arith.addf %add3A_171, %mul3A_1202 : vector<16xf32>
        %mul3A_1204 = vector.broadcast %squeeze3A_1107 : f32 to vector<16xf32>
        %mul3A_1205 = arith.mulf %mul3A_1204, %get3A_182 : vector<16xf32>
        %add3A_1206 = arith.addf %add3A_1203, %mul3A_1205 : vector<16xf32>
        %swap3A_1207 = arith.constant 0 : i32
        %swap3A_1208 = arith.index_cast %add3A_1109 : i32 to index
        %swap3A_1209 = arith.index_cast %swap3A_1207 : i32 to index
        %swap3A_1210 = arith.constant 112 : index
        %swap3A_1211 = tpu.vector_load %arg9[%swap3A_1208, %swap3A_1209, %swap3A_1210] {strides = array<i32>} : memref<512x1x128xf32, #tpu.memory_space<vmem>>, vector<1x1x16xf32>,
        %swap3A_1212 = vector.shape_cast %swap3A_1211 : vector<1x1x16xf32> to vector<16xf32>
        %swap3A_1213 = vector.shape_cast %add3A_1206 : vector<16xf32> to vector<1x1x16xf32>
        tpu.vector_store %arg9[%swap3A_1208, %swap3A_1209, %swap3A_1210], %swap3A_1213 {strides = array<i32>} : memref<512x1x128xf32, #tpu.memory_space<vmem>>, vector<1x1x16xf32>,
        %slice3A_1214 = vector.extract_strided_slice %convert_element_type3A {offsets = [9], sizes = [1], strides = [1]} : vector<16xf32> to vector<1xf32>
        %squeeze3A_1215 = vector.extract %slice3A_1214[0] : f32 from vector<1xf32>
        %slice3A_1216 = vector.extract_strided_slice %get3A_226 {offsets = [9], sizes = [1], strides = [1]} : vector<16xf32> to vector<1xf32>
        %squeeze3A_1217 = vector.extract %slice3A_1216[0] : f32 from vector<1xf32>
        %add3A_1218 = arith.constant 9 : i32
        %add3A_1219 = arith.addi %add3A_220, %add3A_1218 : i32
        %mul3A_1220 = vector.broadcast %squeeze3A_1215 : f32 to vector<16xf32>
        %mul3A_1221 = arith.mulf %mul3A_1220, %sub3A : vector<16xf32>
        %add3A_1222 = arith.addf %add3A_18, %mul3A_1221 : vector<16xf32>
        %mul3A_1223 = vector.broadcast %squeeze3A_1217 : f32 to vector<16xf32>
        %mul3A_1224 = arith.mulf %mul3A_1223, %get3A_28 : vector<16xf32>
        %add3A_1225 = arith.addf %add3A_1222, %mul3A_1224 : vector<16xf32>
        %swap3A_1226 = arith.constant 0 : i32
        %swap3A_1227 = arith.index_cast %add3A_1219 : i32 to index
        %swap3A_1228 = arith.index_cast %swap3A_1226 : i32 to index
        %swap3A_1229 = arith.constant 0 : index
        %swap3A_1230 = tpu.vector_load %arg9[%swap3A_1227, %swap3A_1228, %swap3A_1229] {strides = array<i32>} : memref<512x1x128xf32, #tpu.memory_space<vmem>>, vector<1x1x16xf32>,
        %swap3A_1231 = vector.shape_cast %swap3A_1230 : vector<1x1x16xf32> to vector<16xf32>
        %swap3A_1232 = vector.shape_cast %add3A_1225 : vector<16xf32> to vector<1x1x16xf32>
        tpu.vector_store %arg9[%swap3A_1227, %swap3A_1228, %swap3A_1229], %swap3A_1232 {strides = array<i32>} : memref<512x1x128xf32, #tpu.memory_space<vmem>>, vector<1x1x16xf32>,
        %mul3A_1233 = vector.broadcast %squeeze3A_1215 : f32 to vector<16xf32>
        %mul3A_1234 = arith.mulf %mul3A_1233, %sub3A_45 : vector<16xf32>
        %add3A_1235 = arith.addf %add3A_39, %mul3A_1234 : vector<16xf32>
        %mul3A_1236 = vector.broadcast %squeeze3A_1217 : f32 to vector<16xf32>
        %mul3A_1237 = arith.mulf %mul3A_1236, %get3A_50 : vector<16xf32>
        %add3A_1238 = arith.addf %add3A_1235, %mul3A_1237 : vector<16xf32>
        %swap3A_1239 = arith.constant 0 : i32
        %swap3A_1240 = arith.index_cast %add3A_1219 : i32 to index
        %swap3A_1241 = arith.index_cast %swap3A_1239 : i32 to index
        %swap3A_1242 = arith.constant 16 : index
        %swap3A_1243 = tpu.vector_load %arg9[%swap3A_1240, %swap3A_1241, %swap3A_1242] {strides = array<i32>} : memref<512x1x128xf32, #tpu.memory_space<vmem>>, vector<1x1x16xf32>,
        %swap3A_1244 = vector.shape_cast %swap3A_1243 : vector<1x1x16xf32> to vector<16xf32>
        %swap3A_1245 = vector.shape_cast %add3A_1238 : vector<16xf32> to vector<1x1x16xf32>
        tpu.vector_store %arg9[%swap3A_1240, %swap3A_1241, %swap3A_1242], %swap3A_1245 {strides = array<i32>} : memref<512x1x128xf32, #tpu.memory_space<vmem>>, vector<1x1x16xf32>,
        %mul3A_1246 = vector.broadcast %squeeze3A_1215 : f32 to vector<16xf32>
        %mul3A_1247 = arith.mulf %mul3A_1246, %sub3A_67 : vector<16xf32>
        %add3A_1248 = arith.addf %add3A_61, %mul3A_1247 : vector<16xf32>
        %mul3A_1249 = vector.broadcast %squeeze3A_1217 : f32 to vector<16xf32>
        %mul3A_1250 = arith.mulf %mul3A_1249, %get3A_72 : vector<16xf32>
        %add3A_1251 = arith.addf %add3A_1248, %mul3A_1250 : vector<16xf32>
        %swap3A_1252 = arith.constant 0 : i32
        %swap3A_1253 = arith.index_cast %add3A_1219 : i32 to index
        %swap3A_1254 = arith.index_cast %swap3A_1252 : i32 to index
        %swap3A_1255 = arith.constant 32 : index
        %swap3A_1256 = tpu.vector_load %arg9[%swap3A_1253, %swap3A_1254, %swap3A_1255] {strides = array<i32>} : memref<512x1x128xf32, #tpu.memory_space<vmem>>, vector<1x1x16xf32>,
        %swap3A_1257 = vector.shape_cast %swap3A_1256 : vector<1x1x16xf32> to vector<16xf32>
        %swap3A_1258 = vector.shape_cast %add3A_1251 : vector<16xf32> to vector<1x1x16xf32>
        tpu.vector_store %arg9[%swap3A_1253, %swap3A_1254, %swap3A_1255], %swap3A_1258 {strides = array<i32>} : memref<512x1x128xf32, #tpu.memory_space<vmem>>, vector<1x1x16xf32>,
        %mul3A_1259 = vector.broadcast %squeeze3A_1215 : f32 to vector<16xf32>
        %mul3A_1260 = arith.mulf %mul3A_1259, %sub3A_89 : vector<16xf32>
        %add3A_1261 = arith.addf %add3A_83, %mul3A_1260 : vector<16xf32>
        %mul3A_1262 = vector.broadcast %squeeze3A_1217 : f32 to vector<16xf32>
        %mul3A_1263 = arith.mulf %mul3A_1262, %get3A_94 : vector<16xf32>
        %add3A_1264 = arith.addf %add3A_1261, %mul3A_1263 : vector<16xf32>
        %swap3A_1265 = arith.constant 0 : i32
        %swap3A_1266 = arith.index_cast %add3A_1219 : i32 to index
        %swap3A_1267 = arith.index_cast %swap3A_1265 : i32 to index
        %swap3A_1268 = arith.constant 48 : index
        %swap3A_1269 = tpu.vector_load %arg9[%swap3A_1266, %swap3A_1267, %swap3A_1268] {strides = array<i32>} : memref<512x1x128xf32, #tpu.memory_space<vmem>>, vector<1x1x16xf32>,
        %swap3A_1270 = vector.shape_cast %swap3A_1269 : vector<1x1x16xf32> to vector<16xf32>
        %swap3A_1271 = vector.shape_cast %add3A_1264 : vector<16xf32> to vector<1x1x16xf32>
        tpu.vector_store %arg9[%swap3A_1266, %swap3A_1267, %swap3A_1268], %swap3A_1271 {strides = array<i32>} : memref<512x1x128xf32, #tpu.memory_space<vmem>>, vector<1x1x16xf32>,
        %mul3A_1272 = vector.broadcast %squeeze3A_1215 : f32 to vector<16xf32>
        %mul3A_1273 = arith.mulf %mul3A_1272, %sub3A_111 : vector<16xf32>
        %add3A_1274 = arith.addf %add3A_105, %mul3A_1273 : vector<16xf32>
        %mul3A_1275 = vector.broadcast %squeeze3A_1217 : f32 to vector<16xf32>
        %mul3A_1276 = arith.mulf %mul3A_1275, %get3A_116 : vector<16xf32>
        %add3A_1277 = arith.addf %add3A_1274, %mul3A_1276 : vector<16xf32>
        %swap3A_1278 = arith.constant 0 : i32
        %swap3A_1279 = arith.index_cast %add3A_1219 : i32 to index
        %swap3A_1280 = arith.index_cast %swap3A_1278 : i32 to index
        %swap3A_1281 = arith.constant 64 : index
        %swap3A_1282 = tpu.vector_load %arg9[%swap3A_1279, %swap3A_1280, %swap3A_1281] {strides = array<i32>} : memref<512x1x128xf32, #tpu.memory_space<vmem>>, vector<1x1x16xf32>,
        %swap3A_1283 = vector.shape_cast %swap3A_1282 : vector<1x1x16xf32> to vector<16xf32>
        %swap3A_1284 = vector.shape_cast %add3A_1277 : vector<16xf32> to vector<1x1x16xf32>
        tpu.vector_store %arg9[%swap3A_1279, %swap3A_1280, %swap3A_1281], %swap3A_1284 {strides = array<i32>} : memref<512x1x128xf32, #tpu.memory_space<vmem>>, vector<1x1x16xf32>,
        %mul3A_1285 = vector.broadcast %squeeze3A_1215 : f32 to vector<16xf32>
        %mul3A_1286 = arith.mulf %mul3A_1285, %sub3A_133 : vector<16xf32>
        %add3A_1287 = arith.addf %add3A_127, %mul3A_1286 : vector<16xf32>
        %mul3A_1288 = vector.broadcast %squeeze3A_1217 : f32 to vector<16xf32>
        %mul3A_1289 = arith.mulf %mul3A_1288, %get3A_138 : vector<16xf32>
        %add3A_1290 = arith.addf %add3A_1287, %mul3A_1289 : vector<16xf32>
        %swap3A_1291 = arith.constant 0 : i32
        %swap3A_1292 = arith.index_cast %add3A_1219 : i32 to index
        %swap3A_1293 = arith.index_cast %swap3A_1291 : i32 to index
        %swap3A_1294 = arith.constant 80 : index
        %swap3A_1295 = tpu.vector_load %arg9[%swap3A_1292, %swap3A_1293, %swap3A_1294] {strides = array<i32>} : memref<512x1x128xf32, #tpu.memory_space<vmem>>, vector<1x1x16xf32>,
        %swap3A_1296 = vector.shape_cast %swap3A_1295 : vector<1x1x16xf32> to vector<16xf32>
        %swap3A_1297 = vector.shape_cast %add3A_1290 : vector<16xf32> to vector<1x1x16xf32>
        tpu.vector_store %arg9[%swap3A_1292, %swap3A_1293, %swap3A_1294], %swap3A_1297 {strides = array<i32>} : memref<512x1x128xf32, #tpu.memory_space<vmem>>, vector<1x1x16xf32>,
        %mul3A_1298 = vector.broadcast %squeeze3A_1215 : f32 to vector<16xf32>
        %mul3A_1299 = arith.mulf %mul3A_1298, %sub3A_155 : vector<16xf32>
        %add3A_1300 = arith.addf %add3A_149, %mul3A_1299 : vector<16xf32>
        %mul3A_1301 = vector.broadcast %squeeze3A_1217 : f32 to vector<16xf32>
        %mul3A_1302 = arith.mulf %mul3A_1301, %get3A_160 : vector<16xf32>
        %add3A_1303 = arith.addf %add3A_1300, %mul3A_1302 : vector<16xf32>
        %swap3A_1304 = arith.constant 0 : i32
        %swap3A_1305 = arith.index_cast %add3A_1219 : i32 to index
        %swap3A_1306 = arith.index_cast %swap3A_1304 : i32 to index
        %swap3A_1307 = arith.constant 96 : index
        %swap3A_1308 = tpu.vector_load %arg9[%swap3A_1305, %swap3A_1306, %swap3A_1307] {strides = array<i32>} : memref<512x1x128xf32, #tpu.memory_space<vmem>>, vector<1x1x16xf32>,
        %swap3A_1309 = vector.shape_cast %swap3A_1308 : vector<1x1x16xf32> to vector<16xf32>
        %swap3A_1310 = vector.shape_cast %add3A_1303 : vector<16xf32> to vector<1x1x16xf32>
        tpu.vector_store %arg9[%swap3A_1305, %swap3A_1306, %swap3A_1307], %swap3A_1310 {strides = array<i32>} : memref<512x1x128xf32, #tpu.memory_space<vmem>>, vector<1x1x16xf32>,
        %mul3A_1311 = vector.broadcast %squeeze3A_1215 : f32 to vector<16xf32>
        %mul3A_1312 = arith.mulf %mul3A_1311, %sub3A_177 : vector<16xf32>
        %add3A_1313 = arith.addf %add3A_171, %mul3A_1312 : vector<16xf32>
        %mul3A_1314 = vector.broadcast %squeeze3A_1217 : f32 to vector<16xf32>
        %mul3A_1315 = arith.mulf %mul3A_1314, %get3A_182 : vector<16xf32>
        %add3A_1316 = arith.addf %add3A_1313, %mul3A_1315 : vector<16xf32>
        %swap3A_1317 = arith.constant 0 : i32
        %swap3A_1318 = arith.index_cast %add3A_1219 : i32 to index
        %swap3A_1319 = arith.index_cast %swap3A_1317 : i32 to index
        %swap3A_1320 = arith.constant 112 : index
        %swap3A_1321 = tpu.vector_load %arg9[%swap3A_1318, %swap3A_1319, %swap3A_1320] {strides = array<i32>} : memref<512x1x128xf32, #tpu.memory_space<vmem>>, vector<1x1x16xf32>,
        %swap3A_1322 = vector.shape_cast %swap3A_1321 : vector<1x1x16xf32> to vector<16xf32>
        %swap3A_1323 = vector.shape_cast %add3A_1316 : vector<16xf32> to vector<1x1x16xf32>
        tpu.vector_store %arg9[%swap3A_1318, %swap3A_1319, %swap3A_1320], %swap3A_1323 {strides = array<i32>} : memref<512x1x128xf32, #tpu.memory_space<vmem>>, vector<1x1x16xf32>,
        %slice3A_1324 = vector.extract_strided_slice %convert_element_type3A {offsets = [10], sizes = [1], strides = [1]} : vector<16xf32> to vector<1xf32>
        %squeeze3A_1325 = vector.extract %slice3A_1324[0] : f32 from vector<1xf32>
        %slice3A_1326 = vector.extract_strided_slice %get3A_226 {offsets = [10], sizes = [1], strides = [1]} : vector<16xf32> to vector<1xf32>
        %squeeze3A_1327 = vector.extract %slice3A_1326[0] : f32 from vector<1xf32>
        %add3A_1328 = arith.constant 10 : i32
        %add3A_1329 = arith.addi %add3A_220, %add3A_1328 : i32
        %mul3A_1330 = vector.broadcast %squeeze3A_1325 : f32 to vector<16xf32>
        %mul3A_1331 = arith.mulf %mul3A_1330, %sub3A : vector<16xf32>
        %add3A_1332 = arith.addf %add3A_18, %mul3A_1331 : vector<16xf32>
        %mul3A_1333 = vector.broadcast %squeeze3A_1327 : f32 to vector<16xf32>
        %mul3A_1334 = arith.mulf %mul3A_1333, %get3A_28 : vector<16xf32>
        %add3A_1335 = arith.addf %add3A_1332, %mul3A_1334 : vector<16xf32>
        %swap3A_1336 = arith.constant 0 : i32
        %swap3A_1337 = arith.index_cast %add3A_1329 : i32 to index
        %swap3A_1338 = arith.index_cast %swap3A_1336 : i32 to index
        %swap3A_1339 = arith.constant 0 : index
        %swap3A_1340 = tpu.vector_load %arg9[%swap3A_1337, %swap3A_1338, %swap3A_1339] {strides = array<i32>} : memref<512x1x128xf32, #tpu.memory_space<vmem>>, vector<1x1x16xf32>,
        %swap3A_1341 = vector.shape_cast %swap3A_1340 : vector<1x1x16xf32> to vector<16xf32>
        %swap3A_1342 = vector.shape_cast %add3A_1335 : vector<16xf32> to vector<1x1x16xf32>
        tpu.vector_store %arg9[%swap3A_1337, %swap3A_1338, %swap3A_1339], %swap3A_1342 {strides = array<i32>} : memref<512x1x128xf32, #tpu.memory_space<vmem>>, vector<1x1x16xf32>,
        %mul3A_1343 = vector.broadcast %squeeze3A_1325 : f32 to vector<16xf32>
        %mul3A_1344 = arith.mulf %mul3A_1343, %sub3A_45 : vector<16xf32>
        %add3A_1345 = arith.addf %add3A_39, %mul3A_1344 : vector<16xf32>
        %mul3A_1346 = vector.broadcast %squeeze3A_1327 : f32 to vector<16xf32>
        %mul3A_1347 = arith.mulf %mul3A_1346, %get3A_50 : vector<16xf32>
        %add3A_1348 = arith.addf %add3A_1345, %mul3A_1347 : vector<16xf32>
        %swap3A_1349 = arith.constant 0 : i32
        %swap3A_1350 = arith.index_cast %add3A_1329 : i32 to index
        %swap3A_1351 = arith.index_cast %swap3A_1349 : i32 to index
        %swap3A_1352 = arith.constant 16 : index
        %swap3A_1353 = tpu.vector_load %arg9[%swap3A_1350, %swap3A_1351, %swap3A_1352] {strides = array<i32>} : memref<512x1x128xf32, #tpu.memory_space<vmem>>, vector<1x1x16xf32>,
        %swap3A_1354 = vector.shape_cast %swap3A_1353 : vector<1x1x16xf32> to vector<16xf32>
        %swap3A_1355 = vector.shape_cast %add3A_1348 : vector<16xf32> to vector<1x1x16xf32>
        tpu.vector_store %arg9[%swap3A_1350, %swap3A_1351, %swap3A_1352], %swap3A_1355 {strides = array<i32>} : memref<512x1x128xf32, #tpu.memory_space<vmem>>, vector<1x1x16xf32>,
        %mul3A_1356 = vector.broadcast %squeeze3A_1325 : f32 to vector<16xf32>
        %mul3A_1357 = arith.mulf %mul3A_1356, %sub3A_67 : vector<16xf32>
        %add3A_1358 = arith.addf %add3A_61, %mul3A_1357 : vector<16xf32>
        %mul3A_1359 = vector.broadcast %squeeze3A_1327 : f32 to vector<16xf32>
        %mul3A_1360 = arith.mulf %mul3A_1359, %get3A_72 : vector<16xf32>
        %add3A_1361 = arith.addf %add3A_1358, %mul3A_1360 : vector<16xf32>
        %swap3A_1362 = arith.constant 0 : i32
        %swap3A_1363 = arith.index_cast %add3A_1329 : i32 to index
        %swap3A_1364 = arith.index_cast %swap3A_1362 : i32 to index
        %swap3A_1365 = arith.constant 32 : index
        %swap3A_1366 = tpu.vector_load %arg9[%swap3A_1363, %swap3A_1364, %swap3A_1365] {strides = array<i32>} : memref<512x1x128xf32, #tpu.memory_space<vmem>>, vector<1x1x16xf32>,
        %swap3A_1367 = vector.shape_cast %swap3A_1366 : vector<1x1x16xf32> to vector<16xf32>
        %swap3A_1368 = vector.shape_cast %add3A_1361 : vector<16xf32> to vector<1x1x16xf32>
        tpu.vector_store %arg9[%swap3A_1363, %swap3A_1364, %swap3A_1365], %swap3A_1368 {strides = array<i32>} : memref<512x1x128xf32, #tpu.memory_space<vmem>>, vector<1x1x16xf32>,
        %mul3A_1369 = vector.broadcast %squeeze3A_1325 : f32 to vector<16xf32>
        %mul3A_1370 = arith.mulf %mul3A_1369, %sub3A_89 : vector<16xf32>
        %add3A_1371 = arith.addf %add3A_83, %mul3A_1370 : vector<16xf32>
        %mul3A_1372 = vector.broadcast %squeeze3A_1327 : f32 to vector<16xf32>
        %mul3A_1373 = arith.mulf %mul3A_1372, %get3A_94 : vector<16xf32>
        %add3A_1374 = arith.addf %add3A_1371, %mul3A_1373 : vector<16xf32>
        %swap3A_1375 = arith.constant 0 : i32
        %swap3A_1376 = arith.index_cast %add3A_1329 : i32 to index
        %swap3A_1377 = arith.index_cast %swap3A_1375 : i32 to index
        %swap3A_1378 = arith.constant 48 : index
        %swap3A_1379 = tpu.vector_load %arg9[%swap3A_1376, %swap3A_1377, %swap3A_1378] {strides = array<i32>} : memref<512x1x128xf32, #tpu.memory_space<vmem>>, vector<1x1x16xf32>,
        %swap3A_1380 = vector.shape_cast %swap3A_1379 : vector<1x1x16xf32> to vector<16xf32>
        %swap3A_1381 = vector.shape_cast %add3A_1374 : vector<16xf32> to vector<1x1x16xf32>
        tpu.vector_store %arg9[%swap3A_1376, %swap3A_1377, %swap3A_1378], %swap3A_1381 {strides = array<i32>} : memref<512x1x128xf32, #tpu.memory_space<vmem>>, vector<1x1x16xf32>,
        %mul3A_1382 = vector.broadcast %squeeze3A_1325 : f32 to vector<16xf32>
        %mul3A_1383 = arith.mulf %mul3A_1382, %sub3A_111 : vector<16xf32>
        %add3A_1384 = arith.addf %add3A_105, %mul3A_1383 : vector<16xf32>
        %mul3A_1385 = vector.broadcast %squeeze3A_1327 : f32 to vector<16xf32>
        %mul3A_1386 = arith.mulf %mul3A_1385, %get3A_116 : vector<16xf32>
        %add3A_1387 = arith.addf %add3A_1384, %mul3A_1386 : vector<16xf32>
        %swap3A_1388 = arith.constant 0 : i32
        %swap3A_1389 = arith.index_cast %add3A_1329 : i32 to index
        %swap3A_1390 = arith.index_cast %swap3A_1388 : i32 to index
        %swap3A_1391 = arith.constant 64 : index
        %swap3A_1392 = tpu.vector_load %arg9[%swap3A_1389, %swap3A_1390, %swap3A_1391] {strides = array<i32>} : memref<512x1x128xf32, #tpu.memory_space<vmem>>, vector<1x1x16xf32>,
        %swap3A_1393 = vector.shape_cast %swap3A_1392 : vector<1x1x16xf32> to vector<16xf32>
        %swap3A_1394 = vector.shape_cast %add3A_1387 : vector<16xf32> to vector<1x1x16xf32>
        tpu.vector_store %arg9[%swap3A_1389, %swap3A_1390, %swap3A_1391], %swap3A_1394 {strides = array<i32>} : memref<512x1x128xf32, #tpu.memory_space<vmem>>, vector<1x1x16xf32>,
        %mul3A_1395 = vector.broadcast %squeeze3A_1325 : f32 to vector<16xf32>
        %mul3A_1396 = arith.mulf %mul3A_1395, %sub3A_133 : vector<16xf32>
        %add3A_1397 = arith.addf %add3A_127, %mul3A_1396 : vector<16xf32>
        %mul3A_1398 = vector.broadcast %squeeze3A_1327 : f32 to vector<16xf32>
        %mul3A_1399 = arith.mulf %mul3A_1398, %get3A_138 : vector<16xf32>
        %add3A_1400 = arith.addf %add3A_1397, %mul3A_1399 : vector<16xf32>
        %swap3A_1401 = arith.constant 0 : i32
        %swap3A_1402 = arith.index_cast %add3A_1329 : i32 to index
        %swap3A_1403 = arith.index_cast %swap3A_1401 : i32 to index
        %swap3A_1404 = arith.constant 80 : index
        %swap3A_1405 = tpu.vector_load %arg9[%swap3A_1402, %swap3A_1403, %swap3A_1404] {strides = array<i32>} : memref<512x1x128xf32, #tpu.memory_space<vmem>>, vector<1x1x16xf32>,
        %swap3A_1406 = vector.shape_cast %swap3A_1405 : vector<1x1x16xf32> to vector<16xf32>
        %swap3A_1407 = vector.shape_cast %add3A_1400 : vector<16xf32> to vector<1x1x16xf32>
        tpu.vector_store %arg9[%swap3A_1402, %swap3A_1403, %swap3A_1404], %swap3A_1407 {strides = array<i32>} : memref<512x1x128xf32, #tpu.memory_space<vmem>>, vector<1x1x16xf32>,
        %mul3A_1408 = vector.broadcast %squeeze3A_1325 : f32 to vector<16xf32>
        %mul3A_1409 = arith.mulf %mul3A_1408, %sub3A_155 : vector<16xf32>
        %add3A_1410 = arith.addf %add3A_149, %mul3A_1409 : vector<16xf32>
        %mul3A_1411 = vector.broadcast %squeeze3A_1327 : f32 to vector<16xf32>
        %mul3A_1412 = arith.mulf %mul3A_1411, %get3A_160 : vector<16xf32>
        %add3A_1413 = arith.addf %add3A_1410, %mul3A_1412 : vector<16xf32>
        %swap3A_1414 = arith.constant 0 : i32
        %swap3A_1415 = arith.index_cast %add3A_1329 : i32 to index
        %swap3A_1416 = arith.index_cast %swap3A_1414 : i32 to index
        %swap3A_1417 = arith.constant 96 : index
        %swap3A_1418 = tpu.vector_load %arg9[%swap3A_1415, %swap3A_1416, %swap3A_1417] {strides = array<i32>} : memref<512x1x128xf32, #tpu.memory_space<vmem>>, vector<1x1x16xf32>,
        %swap3A_1419 = vector.shape_cast %swap3A_1418 : vector<1x1x16xf32> to vector<16xf32>
        %swap3A_1420 = vector.shape_cast %add3A_1413 : vector<16xf32> to vector<1x1x16xf32>
        tpu.vector_store %arg9[%swap3A_1415, %swap3A_1416, %swap3A_1417], %swap3A_1420 {strides = array<i32>} : memref<512x1x128xf32, #tpu.memory_space<vmem>>, vector<1x1x16xf32>,
        %mul3A_1421 = vector.broadcast %squeeze3A_1325 : f32 to vector<16xf32>
        %mul3A_1422 = arith.mulf %mul3A_1421, %sub3A_177 : vector<16xf32>
        %add3A_1423 = arith.addf %add3A_171, %mul3A_1422 : vector<16xf32>
        %mul3A_1424 = vector.broadcast %squeeze3A_1327 : f32 to vector<16xf32>
        %mul3A_1425 = arith.mulf %mul3A_1424, %get3A_182 : vector<16xf32>
        %add3A_1426 = arith.addf %add3A_1423, %mul3A_1425 : vector<16xf32>
        %swap3A_1427 = arith.constant 0 : i32
        %swap3A_1428 = arith.index_cast %add3A_1329 : i32 to index
        %swap3A_1429 = arith.index_cast %swap3A_1427 : i32 to index
        %swap3A_1430 = arith.constant 112 : index
        %swap3A_1431 = tpu.vector_load %arg9[%swap3A_1428, %swap3A_1429, %swap3A_1430] {strides = array<i32>} : memref<512x1x128xf32, #tpu.memory_space<vmem>>, vector<1x1x16xf32>,
        %swap3A_1432 = vector.shape_cast %swap3A_1431 : vector<1x1x16xf32> to vector<16xf32>
        %swap3A_1433 = vector.shape_cast %add3A_1426 : vector<16xf32> to vector<1x1x16xf32>
        tpu.vector_store %arg9[%swap3A_1428, %swap3A_1429, %swap3A_1430], %swap3A_1433 {strides = array<i32>} : memref<512x1x128xf32, #tpu.memory_space<vmem>>, vector<1x1x16xf32>,
        %slice3A_1434 = vector.extract_strided_slice %convert_element_type3A {offsets = [11], sizes = [1], strides = [1]} : vector<16xf32> to vector<1xf32>
        %squeeze3A_1435 = vector.extract %slice3A_1434[0] : f32 from vector<1xf32>
        %slice3A_1436 = vector.extract_strided_slice %get3A_226 {offsets = [11], sizes = [1], strides = [1]} : vector<16xf32> to vector<1xf32>
        %squeeze3A_1437 = vector.extract %slice3A_1436[0] : f32 from vector<1xf32>
        %add3A_1438 = arith.constant 11 : i32
        %add3A_1439 = arith.addi %add3A_220, %add3A_1438 : i32
        %mul3A_1440 = vector.broadcast %squeeze3A_1435 : f32 to vector<16xf32>
        %mul3A_1441 = arith.mulf %mul3A_1440, %sub3A : vector<16xf32>
        %add3A_1442 = arith.addf %add3A_18, %mul3A_1441 : vector<16xf32>
        %mul3A_1443 = vector.broadcast %squeeze3A_1437 : f32 to vector<16xf32>
        %mul3A_1444 = arith.mulf %mul3A_1443, %get3A_28 : vector<16xf32>
        %add3A_1445 = arith.addf %add3A_1442, %mul3A_1444 : vector<16xf32>
        %swap3A_1446 = arith.constant 0 : i32
        %swap3A_1447 = arith.index_cast %add3A_1439 : i32 to index
        %swap3A_1448 = arith.index_cast %swap3A_1446 : i32 to index
        %swap3A_1449 = arith.constant 0 : index
        %swap3A_1450 = tpu.vector_load %arg9[%swap3A_1447, %swap3A_1448, %swap3A_1449] {strides = array<i32>} : memref<512x1x128xf32, #tpu.memory_space<vmem>>, vector<1x1x16xf32>,
        %swap3A_1451 = vector.shape_cast %swap3A_1450 : vector<1x1x16xf32> to vector<16xf32>
        %swap3A_1452 = vector.shape_cast %add3A_1445 : vector<16xf32> to vector<1x1x16xf32>
        tpu.vector_store %arg9[%swap3A_1447, %swap3A_1448, %swap3A_1449], %swap3A_1452 {strides = array<i32>} : memref<512x1x128xf32, #tpu.memory_space<vmem>>, vector<1x1x16xf32>,
        %mul3A_1453 = vector.broadcast %squeeze3A_1435 : f32 to vector<16xf32>
        %mul3A_1454 = arith.mulf %mul3A_1453, %sub3A_45 : vector<16xf32>
        %add3A_1455 = arith.addf %add3A_39, %mul3A_1454 : vector<16xf32>
        %mul3A_1456 = vector.broadcast %squeeze3A_1437 : f32 to vector<16xf32>
        %mul3A_1457 = arith.mulf %mul3A_1456, %get3A_50 : vector<16xf32>
        %add3A_1458 = arith.addf %add3A_1455, %mul3A_1457 : vector<16xf32>
        %swap3A_1459 = arith.constant 0 : i32
        %swap3A_1460 = arith.index_cast %add3A_1439 : i32 to index
        %swap3A_1461 = arith.index_cast %swap3A_1459 : i32 to index
        %swap3A_1462 = arith.constant 16 : index
        %swap3A_1463 = tpu.vector_load %arg9[%swap3A_1460, %swap3A_1461, %swap3A_1462] {strides = array<i32>} : memref<512x1x128xf32, #tpu.memory_space<vmem>>, vector<1x1x16xf32>,
        %swap3A_1464 = vector.shape_cast %swap3A_1463 : vector<1x1x16xf32> to vector<16xf32>
        %swap3A_1465 = vector.shape_cast %add3A_1458 : vector<16xf32> to vector<1x1x16xf32>
        tpu.vector_store %arg9[%swap3A_1460, %swap3A_1461, %swap3A_1462], %swap3A_1465 {strides = array<i32>} : memref<512x1x128xf32, #tpu.memory_space<vmem>>, vector<1x1x16xf32>,
        %mul3A_1466 = vector.broadcast %squeeze3A_1435 : f32 to vector<16xf32>
        %mul3A_1467 = arith.mulf %mul3A_1466, %sub3A_67 : vector<16xf32>
        %add3A_1468 = arith.addf %add3A_61, %mul3A_1467 : vector<16xf32>
        %mul3A_1469 = vector.broadcast %squeeze3A_1437 : f32 to vector<16xf32>
        %mul3A_1470 = arith.mulf %mul3A_1469, %get3A_72 : vector<16xf32>
        %add3A_1471 = arith.addf %add3A_1468, %mul3A_1470 : vector<16xf32>
        %swap3A_1472 = arith.constant 0 : i32
        %swap3A_1473 = arith.index_cast %add3A_1439 : i32 to index
        %swap3A_1474 = arith.index_cast %swap3A_1472 : i32 to index
        %swap3A_1475 = arith.constant 32 : index
        %swap3A_1476 = tpu.vector_load %arg9[%swap3A_1473, %swap3A_1474, %swap3A_1475] {strides = array<i32>} : memref<512x1x128xf32, #tpu.memory_space<vmem>>, vector<1x1x16xf32>,
        %swap3A_1477 = vector.shape_cast %swap3A_1476 : vector<1x1x16xf32> to vector<16xf32>
        %swap3A_1478 = vector.shape_cast %add3A_1471 : vector<16xf32> to vector<1x1x16xf32>
        tpu.vector_store %arg9[%swap3A_1473, %swap3A_1474, %swap3A_1475], %swap3A_1478 {strides = array<i32>} : memref<512x1x128xf32, #tpu.memory_space<vmem>>, vector<1x1x16xf32>,
        %mul3A_1479 = vector.broadcast %squeeze3A_1435 : f32 to vector<16xf32>
        %mul3A_1480 = arith.mulf %mul3A_1479, %sub3A_89 : vector<16xf32>
        %add3A_1481 = arith.addf %add3A_83, %mul3A_1480 : vector<16xf32>
        %mul3A_1482 = vector.broadcast %squeeze3A_1437 : f32 to vector<16xf32>
        %mul3A_1483 = arith.mulf %mul3A_1482, %get3A_94 : vector<16xf32>
        %add3A_1484 = arith.addf %add3A_1481, %mul3A_1483 : vector<16xf32>
        %swap3A_1485 = arith.constant 0 : i32
        %swap3A_1486 = arith.index_cast %add3A_1439 : i32 to index
        %swap3A_1487 = arith.index_cast %swap3A_1485 : i32 to index
        %swap3A_1488 = arith.constant 48 : index
        %swap3A_1489 = tpu.vector_load %arg9[%swap3A_1486, %swap3A_1487, %swap3A_1488] {strides = array<i32>} : memref<512x1x128xf32, #tpu.memory_space<vmem>>, vector<1x1x16xf32>,
        %swap3A_1490 = vector.shape_cast %swap3A_1489 : vector<1x1x16xf32> to vector<16xf32>
        %swap3A_1491 = vector.shape_cast %add3A_1484 : vector<16xf32> to vector<1x1x16xf32>
        tpu.vector_store %arg9[%swap3A_1486, %swap3A_1487, %swap3A_1488], %swap3A_1491 {strides = array<i32>} : memref<512x1x128xf32, #tpu.memory_space<vmem>>, vector<1x1x16xf32>,
        %mul3A_1492 = vector.broadcast %squeeze3A_1435 : f32 to vector<16xf32>
        %mul3A_1493 = arith.mulf %mul3A_1492, %sub3A_111 : vector<16xf32>
        %add3A_1494 = arith.addf %add3A_105, %mul3A_1493 : vector<16xf32>
        %mul3A_1495 = vector.broadcast %squeeze3A_1437 : f32 to vector<16xf32>
        %mul3A_1496 = arith.mulf %mul3A_1495, %get3A_116 : vector<16xf32>
        %add3A_1497 = arith.addf %add3A_1494, %mul3A_1496 : vector<16xf32>
        %swap3A_1498 = arith.constant 0 : i32
        %swap3A_1499 = arith.index_cast %add3A_1439 : i32 to index
        %swap3A_1500 = arith.index_cast %swap3A_1498 : i32 to index
        %swap3A_1501 = arith.constant 64 : index
        %swap3A_1502 = tpu.vector_load %arg9[%swap3A_1499, %swap3A_1500, %swap3A_1501] {strides = array<i32>} : memref<512x1x128xf32, #tpu.memory_space<vmem>>, vector<1x1x16xf32>,
        %swap3A_1503 = vector.shape_cast %swap3A_1502 : vector<1x1x16xf32> to vector<16xf32>
        %swap3A_1504 = vector.shape_cast %add3A_1497 : vector<16xf32> to vector<1x1x16xf32>
        tpu.vector_store %arg9[%swap3A_1499, %swap3A_1500, %swap3A_1501], %swap3A_1504 {strides = array<i32>} : memref<512x1x128xf32, #tpu.memory_space<vmem>>, vector<1x1x16xf32>,
        %mul3A_1505 = vector.broadcast %squeeze3A_1435 : f32 to vector<16xf32>
        %mul3A_1506 = arith.mulf %mul3A_1505, %sub3A_133 : vector<16xf32>
        %add3A_1507 = arith.addf %add3A_127, %mul3A_1506 : vector<16xf32>
        %mul3A_1508 = vector.broadcast %squeeze3A_1437 : f32 to vector<16xf32>
        %mul3A_1509 = arith.mulf %mul3A_1508, %get3A_138 : vector<16xf32>
        %add3A_1510 = arith.addf %add3A_1507, %mul3A_1509 : vector<16xf32>
        %swap3A_1511 = arith.constant 0 : i32
        %swap3A_1512 = arith.index_cast %add3A_1439 : i32 to index
        %swap3A_1513 = arith.index_cast %swap3A_1511 : i32 to index
        %swap3A_1514 = arith.constant 80 : index
        %swap3A_1515 = tpu.vector_load %arg9[%swap3A_1512, %swap3A_1513, %swap3A_1514] {strides = array<i32>} : memref<512x1x128xf32, #tpu.memory_space<vmem>>, vector<1x1x16xf32>,
        %swap3A_1516 = vector.shape_cast %swap3A_1515 : vector<1x1x16xf32> to vector<16xf32>
        %swap3A_1517 = vector.shape_cast %add3A_1510 : vector<16xf32> to vector<1x1x16xf32>
        tpu.vector_store %arg9[%swap3A_1512, %swap3A_1513, %swap3A_1514], %swap3A_1517 {strides = array<i32>} : memref<512x1x128xf32, #tpu.memory_space<vmem>>, vector<1x1x16xf32>,
        %mul3A_1518 = vector.broadcast %squeeze3A_1435 : f32 to vector<16xf32>
        %mul3A_1519 = arith.mulf %mul3A_1518, %sub3A_155 : vector<16xf32>
        %add3A_1520 = arith.addf %add3A_149, %mul3A_1519 : vector<16xf32>
        %mul3A_1521 = vector.broadcast %squeeze3A_1437 : f32 to vector<16xf32>
        %mul3A_1522 = arith.mulf %mul3A_1521, %get3A_160 : vector<16xf32>
        %add3A_1523 = arith.addf %add3A_1520, %mul3A_1522 : vector<16xf32>
        %swap3A_1524 = arith.constant 0 : i32
        %swap3A_1525 = arith.index_cast %add3A_1439 : i32 to index
        %swap3A_1526 = arith.index_cast %swap3A_1524 : i32 to index
        %swap3A_1527 = arith.constant 96 : index
        %swap3A_1528 = tpu.vector_load %arg9[%swap3A_1525, %swap3A_1526, %swap3A_1527] {strides = array<i32>} : memref<512x1x128xf32, #tpu.memory_space<vmem>>, vector<1x1x16xf32>,
        %swap3A_1529 = vector.shape_cast %swap3A_1528 : vector<1x1x16xf32> to vector<16xf32>
        %swap3A_1530 = vector.shape_cast %add3A_1523 : vector<16xf32> to vector<1x1x16xf32>
        tpu.vector_store %arg9[%swap3A_1525, %swap3A_1526, %swap3A_1527], %swap3A_1530 {strides = array<i32>} : memref<512x1x128xf32, #tpu.memory_space<vmem>>, vector<1x1x16xf32>,
        %mul3A_1531 = vector.broadcast %squeeze3A_1435 : f32 to vector<16xf32>
        %mul3A_1532 = arith.mulf %mul3A_1531, %sub3A_177 : vector<16xf32>
        %add3A_1533 = arith.addf %add3A_171, %mul3A_1532 : vector<16xf32>
        %mul3A_1534 = vector.broadcast %squeeze3A_1437 : f32 to vector<16xf32>
        %mul3A_1535 = arith.mulf %mul3A_1534, %get3A_182 : vector<16xf32>
        %add3A_1536 = arith.addf %add3A_1533, %mul3A_1535 : vector<16xf32>
        %swap3A_1537 = arith.constant 0 : i32
        %swap3A_1538 = arith.index_cast %add3A_1439 : i32 to index
        %swap3A_1539 = arith.index_cast %swap3A_1537 : i32 to index
        %swap3A_1540 = arith.constant 112 : index
        %swap3A_1541 = tpu.vector_load %arg9[%swap3A_1538, %swap3A_1539, %swap3A_1540] {strides = array<i32>} : memref<512x1x128xf32, #tpu.memory_space<vmem>>, vector<1x1x16xf32>,
        %swap3A_1542 = vector.shape_cast %swap3A_1541 : vector<1x1x16xf32> to vector<16xf32>
        %swap3A_1543 = vector.shape_cast %add3A_1536 : vector<16xf32> to vector<1x1x16xf32>
        tpu.vector_store %arg9[%swap3A_1538, %swap3A_1539, %swap3A_1540], %swap3A_1543 {strides = array<i32>} : memref<512x1x128xf32, #tpu.memory_space<vmem>>, vector<1x1x16xf32>,
        %slice3A_1544 = vector.extract_strided_slice %convert_element_type3A {offsets = [12], sizes = [1], strides = [1]} : vector<16xf32> to vector<1xf32>
        %squeeze3A_1545 = vector.extract %slice3A_1544[0] : f32 from vector<1xf32>
        %slice3A_1546 = vector.extract_strided_slice %get3A_226 {offsets = [12], sizes = [1], strides = [1]} : vector<16xf32> to vector<1xf32>
        %squeeze3A_1547 = vector.extract %slice3A_1546[0] : f32 from vector<1xf32>
        %add3A_1548 = arith.constant 12 : i32
        %add3A_1549 = arith.addi %add3A_220, %add3A_1548 : i32
        %mul3A_1550 = vector.broadcast %squeeze3A_1545 : f32 to vector<16xf32>
        %mul3A_1551 = arith.mulf %mul3A_1550, %sub3A : vector<16xf32>
        %add3A_1552 = arith.addf %add3A_18, %mul3A_1551 : vector<16xf32>
        %mul3A_1553 = vector.broadcast %squeeze3A_1547 : f32 to vector<16xf32>
        %mul3A_1554 = arith.mulf %mul3A_1553, %get3A_28 : vector<16xf32>
        %add3A_1555 = arith.addf %add3A_1552, %mul3A_1554 : vector<16xf32>
        %swap3A_1556 = arith.constant 0 : i32
        %swap3A_1557 = arith.index_cast %add3A_1549 : i32 to index
        %swap3A_1558 = arith.index_cast %swap3A_1556 : i32 to index
        %swap3A_1559 = arith.constant 0 : index
        %swap3A_1560 = tpu.vector_load %arg9[%swap3A_1557, %swap3A_1558, %swap3A_1559] {strides = array<i32>} : memref<512x1x128xf32, #tpu.memory_space<vmem>>, vector<1x1x16xf32>,
        %swap3A_1561 = vector.shape_cast %swap3A_1560 : vector<1x1x16xf32> to vector<16xf32>
        %swap3A_1562 = vector.shape_cast %add3A_1555 : vector<16xf32> to vector<1x1x16xf32>
        tpu.vector_store %arg9[%swap3A_1557, %swap3A_1558, %swap3A_1559], %swap3A_1562 {strides = array<i32>} : memref<512x1x128xf32, #tpu.memory_space<vmem>>, vector<1x1x16xf32>,
        %mul3A_1563 = vector.broadcast %squeeze3A_1545 : f32 to vector<16xf32>
        %mul3A_1564 = arith.mulf %mul3A_1563, %sub3A_45 : vector<16xf32>
        %add3A_1565 = arith.addf %add3A_39, %mul3A_1564 : vector<16xf32>
        %mul3A_1566 = vector.broadcast %squeeze3A_1547 : f32 to vector<16xf32>
        %mul3A_1567 = arith.mulf %mul3A_1566, %get3A_50 : vector<16xf32>
        %add3A_1568 = arith.addf %add3A_1565, %mul3A_1567 : vector<16xf32>
        %swap3A_1569 = arith.constant 0 : i32
        %swap3A_1570 = arith.index_cast %add3A_1549 : i32 to index
        %swap3A_1571 = arith.index_cast %swap3A_1569 : i32 to index
        %swap3A_1572 = arith.constant 16 : index
        %swap3A_1573 = tpu.vector_load %arg9[%swap3A_1570, %swap3A_1571, %swap3A_1572] {strides = array<i32>} : memref<512x1x128xf32, #tpu.memory_space<vmem>>, vector<1x1x16xf32>,
        %swap3A_1574 = vector.shape_cast %swap3A_1573 : vector<1x1x16xf32> to vector<16xf32>
        %swap3A_1575 = vector.shape_cast %add3A_1568 : vector<16xf32> to vector<1x1x16xf32>
        tpu.vector_store %arg9[%swap3A_1570, %swap3A_1571, %swap3A_1572], %swap3A_1575 {strides = array<i32>} : memref<512x1x128xf32, #tpu.memory_space<vmem>>, vector<1x1x16xf32>,
        %mul3A_1576 = vector.broadcast %squeeze3A_1545 : f32 to vector<16xf32>
        %mul3A_1577 = arith.mulf %mul3A_1576, %sub3A_67 : vector<16xf32>
        %add3A_1578 = arith.addf %add3A_61, %mul3A_1577 : vector<16xf32>
        %mul3A_1579 = vector.broadcast %squeeze3A_1547 : f32 to vector<16xf32>
        %mul3A_1580 = arith.mulf %mul3A_1579, %get3A_72 : vector<16xf32>
        %add3A_1581 = arith.addf %add3A_1578, %mul3A_1580 : vector<16xf32>
        %swap3A_1582 = arith.constant 0 : i32
        %swap3A_1583 = arith.index_cast %add3A_1549 : i32 to index
        %swap3A_1584 = arith.index_cast %swap3A_1582 : i32 to index
        %swap3A_1585 = arith.constant 32 : index
        %swap3A_1586 = tpu.vector_load %arg9[%swap3A_1583, %swap3A_1584, %swap3A_1585] {strides = array<i32>} : memref<512x1x128xf32, #tpu.memory_space<vmem>>, vector<1x1x16xf32>,
        %swap3A_1587 = vector.shape_cast %swap3A_1586 : vector<1x1x16xf32> to vector<16xf32>
        %swap3A_1588 = vector.shape_cast %add3A_1581 : vector<16xf32> to vector<1x1x16xf32>
        tpu.vector_store %arg9[%swap3A_1583, %swap3A_1584, %swap3A_1585], %swap3A_1588 {strides = array<i32>} : memref<512x1x128xf32, #tpu.memory_space<vmem>>, vector<1x1x16xf32>,
        %mul3A_1589 = vector.broadcast %squeeze3A_1545 : f32 to vector<16xf32>
        %mul3A_1590 = arith.mulf %mul3A_1589, %sub3A_89 : vector<16xf32>
        %add3A_1591 = arith.addf %add3A_83, %mul3A_1590 : vector<16xf32>
        %mul3A_1592 = vector.broadcast %squeeze3A_1547 : f32 to vector<16xf32>
        %mul3A_1593 = arith.mulf %mul3A_1592, %get3A_94 : vector<16xf32>
        %add3A_1594 = arith.addf %add3A_1591, %mul3A_1593 : vector<16xf32>
        %swap3A_1595 = arith.constant 0 : i32
        %swap3A_1596 = arith.index_cast %add3A_1549 : i32 to index
        %swap3A_1597 = arith.index_cast %swap3A_1595 : i32 to index
        %swap3A_1598 = arith.constant 48 : index
        %swap3A_1599 = tpu.vector_load %arg9[%swap3A_1596, %swap3A_1597, %swap3A_1598] {strides = array<i32>} : memref<512x1x128xf32, #tpu.memory_space<vmem>>, vector<1x1x16xf32>,
        %swap3A_1600 = vector.shape_cast %swap3A_1599 : vector<1x1x16xf32> to vector<16xf32>
        %swap3A_1601 = vector.shape_cast %add3A_1594 : vector<16xf32> to vector<1x1x16xf32>
        tpu.vector_store %arg9[%swap3A_1596, %swap3A_1597, %swap3A_1598], %swap3A_1601 {strides = array<i32>} : memref<512x1x128xf32, #tpu.memory_space<vmem>>, vector<1x1x16xf32>,
        %mul3A_1602 = vector.broadcast %squeeze3A_1545 : f32 to vector<16xf32>
        %mul3A_1603 = arith.mulf %mul3A_1602, %sub3A_111 : vector<16xf32>
        %add3A_1604 = arith.addf %add3A_105, %mul3A_1603 : vector<16xf32>
        %mul3A_1605 = vector.broadcast %squeeze3A_1547 : f32 to vector<16xf32>
        %mul3A_1606 = arith.mulf %mul3A_1605, %get3A_116 : vector<16xf32>
        %add3A_1607 = arith.addf %add3A_1604, %mul3A_1606 : vector<16xf32>
        %swap3A_1608 = arith.constant 0 : i32
        %swap3A_1609 = arith.index_cast %add3A_1549 : i32 to index
        %swap3A_1610 = arith.index_cast %swap3A_1608 : i32 to index
        %swap3A_1611 = arith.constant 64 : index
        %swap3A_1612 = tpu.vector_load %arg9[%swap3A_1609, %swap3A_1610, %swap3A_1611] {strides = array<i32>} : memref<512x1x128xf32, #tpu.memory_space<vmem>>, vector<1x1x16xf32>,
        %swap3A_1613 = vector.shape_cast %swap3A_1612 : vector<1x1x16xf32> to vector<16xf32>
        %swap3A_1614 = vector.shape_cast %add3A_1607 : vector<16xf32> to vector<1x1x16xf32>
        tpu.vector_store %arg9[%swap3A_1609, %swap3A_1610, %swap3A_1611], %swap3A_1614 {strides = array<i32>} : memref<512x1x128xf32, #tpu.memory_space<vmem>>, vector<1x1x16xf32>,
        %mul3A_1615 = vector.broadcast %squeeze3A_1545 : f32 to vector<16xf32>
        %mul3A_1616 = arith.mulf %mul3A_1615, %sub3A_133 : vector<16xf32>
        %add3A_1617 = arith.addf %add3A_127, %mul3A_1616 : vector<16xf32>
        %mul3A_1618 = vector.broadcast %squeeze3A_1547 : f32 to vector<16xf32>
        %mul3A_1619 = arith.mulf %mul3A_1618, %get3A_138 : vector<16xf32>
        %add3A_1620 = arith.addf %add3A_1617, %mul3A_1619 : vector<16xf32>
        %swap3A_1621 = arith.constant 0 : i32
        %swap3A_1622 = arith.index_cast %add3A_1549 : i32 to index
        %swap3A_1623 = arith.index_cast %swap3A_1621 : i32 to index
        %swap3A_1624 = arith.constant 80 : index
        %swap3A_1625 = tpu.vector_load %arg9[%swap3A_1622, %swap3A_1623, %swap3A_1624] {strides = array<i32>} : memref<512x1x128xf32, #tpu.memory_space<vmem>>, vector<1x1x16xf32>,
        %swap3A_1626 = vector.shape_cast %swap3A_1625 : vector<1x1x16xf32> to vector<16xf32>
        %swap3A_1627 = vector.shape_cast %add3A_1620 : vector<16xf32> to vector<1x1x16xf32>
        tpu.vector_store %arg9[%swap3A_1622, %swap3A_1623, %swap3A_1624], %swap3A_1627 {strides = array<i32>} : memref<512x1x128xf32, #tpu.memory_space<vmem>>, vector<1x1x16xf32>,
        %mul3A_1628 = vector.broadcast %squeeze3A_1545 : f32 to vector<16xf32>
        %mul3A_1629 = arith.mulf %mul3A_1628, %sub3A_155 : vector<16xf32>
        %add3A_1630 = arith.addf %add3A_149, %mul3A_1629 : vector<16xf32>
        %mul3A_1631 = vector.broadcast %squeeze3A_1547 : f32 to vector<16xf32>
        %mul3A_1632 = arith.mulf %mul3A_1631, %get3A_160 : vector<16xf32>
        %add3A_1633 = arith.addf %add3A_1630, %mul3A_1632 : vector<16xf32>
        %swap3A_1634 = arith.constant 0 : i32
        %swap3A_1635 = arith.index_cast %add3A_1549 : i32 to index
        %swap3A_1636 = arith.index_cast %swap3A_1634 : i32 to index
        %swap3A_1637 = arith.constant 96 : index
        %swap3A_1638 = tpu.vector_load %arg9[%swap3A_1635, %swap3A_1636, %swap3A_1637] {strides = array<i32>} : memref<512x1x128xf32, #tpu.memory_space<vmem>>, vector<1x1x16xf32>,
        %swap3A_1639 = vector.shape_cast %swap3A_1638 : vector<1x1x16xf32> to vector<16xf32>
        %swap3A_1640 = vector.shape_cast %add3A_1633 : vector<16xf32> to vector<1x1x16xf32>
        tpu.vector_store %arg9[%swap3A_1635, %swap3A_1636, %swap3A_1637], %swap3A_1640 {strides = array<i32>} : memref<512x1x128xf32, #tpu.memory_space<vmem>>, vector<1x1x16xf32>,
        %mul3A_1641 = vector.broadcast %squeeze3A_1545 : f32 to vector<16xf32>
        %mul3A_1642 = arith.mulf %mul3A_1641, %sub3A_177 : vector<16xf32>
        %add3A_1643 = arith.addf %add3A_171, %mul3A_1642 : vector<16xf32>
        %mul3A_1644 = vector.broadcast %squeeze3A_1547 : f32 to vector<16xf32>
        %mul3A_1645 = arith.mulf %mul3A_1644, %get3A_182 : vector<16xf32>
        %add3A_1646 = arith.addf %add3A_1643, %mul3A_1645 : vector<16xf32>
        %swap3A_1647 = arith.constant 0 : i32
        %swap3A_1648 = arith.index_cast %add3A_1549 : i32 to index
        %swap3A_1649 = arith.index_cast %swap3A_1647 : i32 to index
        %swap3A_1650 = arith.constant 112 : index
        %swap3A_1651 = tpu.vector_load %arg9[%swap3A_1648, %swap3A_1649, %swap3A_1650] {strides = array<i32>} : memref<512x1x128xf32, #tpu.memory_space<vmem>>, vector<1x1x16xf32>,
        %swap3A_1652 = vector.shape_cast %swap3A_1651 : vector<1x1x16xf32> to vector<16xf32>
        %swap3A_1653 = vector.shape_cast %add3A_1646 : vector<16xf32> to vector<1x1x16xf32>
        tpu.vector_store %arg9[%swap3A_1648, %swap3A_1649, %swap3A_1650], %swap3A_1653 {strides = array<i32>} : memref<512x1x128xf32, #tpu.memory_space<vmem>>, vector<1x1x16xf32>,
        %slice3A_1654 = vector.extract_strided_slice %convert_element_type3A {offsets = [13], sizes = [1], strides = [1]} : vector<16xf32> to vector<1xf32>
        %squeeze3A_1655 = vector.extract %slice3A_1654[0] : f32 from vector<1xf32>
        %slice3A_1656 = vector.extract_strided_slice %get3A_226 {offsets = [13], sizes = [1], strides = [1]} : vector<16xf32> to vector<1xf32>
        %squeeze3A_1657 = vector.extract %slice3A_1656[0] : f32 from vector<1xf32>
        %add3A_1658 = arith.constant 13 : i32
        %add3A_1659 = arith.addi %add3A_220, %add3A_1658 : i32
        %mul3A_1660 = vector.broadcast %squeeze3A_1655 : f32 to vector<16xf32>
        %mul3A_1661 = arith.mulf %mul3A_1660, %sub3A : vector<16xf32>
        %add3A_1662 = arith.addf %add3A_18, %mul3A_1661 : vector<16xf32>
        %mul3A_1663 = vector.broadcast %squeeze3A_1657 : f32 to vector<16xf32>
        %mul3A_1664 = arith.mulf %mul3A_1663, %get3A_28 : vector<16xf32>
        %add3A_1665 = arith.addf %add3A_1662, %mul3A_1664 : vector<16xf32>
        %swap3A_1666 = arith.constant 0 : i32
        %swap3A_1667 = arith.index_cast %add3A_1659 : i32 to index
        %swap3A_1668 = arith.index_cast %swap3A_1666 : i32 to index
        %swap3A_1669 = arith.constant 0 : index
        %swap3A_1670 = tpu.vector_load %arg9[%swap3A_1667, %swap3A_1668, %swap3A_1669] {strides = array<i32>} : memref<512x1x128xf32, #tpu.memory_space<vmem>>, vector<1x1x16xf32>,
        %swap3A_1671 = vector.shape_cast %swap3A_1670 : vector<1x1x16xf32> to vector<16xf32>
        %swap3A_1672 = vector.shape_cast %add3A_1665 : vector<16xf32> to vector<1x1x16xf32>
        tpu.vector_store %arg9[%swap3A_1667, %swap3A_1668, %swap3A_1669], %swap3A_1672 {strides = array<i32>} : memref<512x1x128xf32, #tpu.memory_space<vmem>>, vector<1x1x16xf32>,
        %mul3A_1673 = vector.broadcast %squeeze3A_1655 : f32 to vector<16xf32>
        %mul3A_1674 = arith.mulf %mul3A_1673, %sub3A_45 : vector<16xf32>
        %add3A_1675 = arith.addf %add3A_39, %mul3A_1674 : vector<16xf32>
        %mul3A_1676 = vector.broadcast %squeeze3A_1657 : f32 to vector<16xf32>
        %mul3A_1677 = arith.mulf %mul3A_1676, %get3A_50 : vector<16xf32>
        %add3A_1678 = arith.addf %add3A_1675, %mul3A_1677 : vector<16xf32>
        %swap3A_1679 = arith.constant 0 : i32
        %swap3A_1680 = arith.index_cast %add3A_1659 : i32 to index
        %swap3A_1681 = arith.index_cast %swap3A_1679 : i32 to index
        %swap3A_1682 = arith.constant 16 : index
        %swap3A_1683 = tpu.vector_load %arg9[%swap3A_1680, %swap3A_1681, %swap3A_1682] {strides = array<i32>} : memref<512x1x128xf32, #tpu.memory_space<vmem>>, vector<1x1x16xf32>,
        %swap3A_1684 = vector.shape_cast %swap3A_1683 : vector<1x1x16xf32> to vector<16xf32>
        %swap3A_1685 = vector.shape_cast %add3A_1678 : vector<16xf32> to vector<1x1x16xf32>
        tpu.vector_store %arg9[%swap3A_1680, %swap3A_1681, %swap3A_1682], %swap3A_1685 {strides = array<i32>} : memref<512x1x128xf32, #tpu.memory_space<vmem>>, vector<1x1x16xf32>,
        %mul3A_1686 = vector.broadcast %squeeze3A_1655 : f32 to vector<16xf32>
        %mul3A_1687 = arith.mulf %mul3A_1686, %sub3A_67 : vector<16xf32>
        %add3A_1688 = arith.addf %add3A_61, %mul3A_1687 : vector<16xf32>
        %mul3A_1689 = vector.broadcast %squeeze3A_1657 : f32 to vector<16xf32>
        %mul3A_1690 = arith.mulf %mul3A_1689, %get3A_72 : vector<16xf32>
        %add3A_1691 = arith.addf %add3A_1688, %mul3A_1690 : vector<16xf32>
        %swap3A_1692 = arith.constant 0 : i32
        %swap3A_1693 = arith.index_cast %add3A_1659 : i32 to index
        %swap3A_1694 = arith.index_cast %swap3A_1692 : i32 to index
        %swap3A_1695 = arith.constant 32 : index
        %swap3A_1696 = tpu.vector_load %arg9[%swap3A_1693, %swap3A_1694, %swap3A_1695] {strides = array<i32>} : memref<512x1x128xf32, #tpu.memory_space<vmem>>, vector<1x1x16xf32>,
        %swap3A_1697 = vector.shape_cast %swap3A_1696 : vector<1x1x16xf32> to vector<16xf32>
        %swap3A_1698 = vector.shape_cast %add3A_1691 : vector<16xf32> to vector<1x1x16xf32>
        tpu.vector_store %arg9[%swap3A_1693, %swap3A_1694, %swap3A_1695], %swap3A_1698 {strides = array<i32>} : memref<512x1x128xf32, #tpu.memory_space<vmem>>, vector<1x1x16xf32>,
        %mul3A_1699 = vector.broadcast %squeeze3A_1655 : f32 to vector<16xf32>
        %mul3A_1700 = arith.mulf %mul3A_1699, %sub3A_89 : vector<16xf32>
        %add3A_1701 = arith.addf %add3A_83, %mul3A_1700 : vector<16xf32>
        %mul3A_1702 = vector.broadcast %squeeze3A_1657 : f32 to vector<16xf32>
        %mul3A_1703 = arith.mulf %mul3A_1702, %get3A_94 : vector<16xf32>
        %add3A_1704 = arith.addf %add3A_1701, %mul3A_1703 : vector<16xf32>
        %swap3A_1705 = arith.constant 0 : i32
        %swap3A_1706 = arith.index_cast %add3A_1659 : i32 to index
        %swap3A_1707 = arith.index_cast %swap3A_1705 : i32 to index
        %swap3A_1708 = arith.constant 48 : index
        %swap3A_1709 = tpu.vector_load %arg9[%swap3A_1706, %swap3A_1707, %swap3A_1708] {strides = array<i32>} : memref<512x1x128xf32, #tpu.memory_space<vmem>>, vector<1x1x16xf32>,
        %swap3A_1710 = vector.shape_cast %swap3A_1709 : vector<1x1x16xf32> to vector<16xf32>
        %swap3A_1711 = vector.shape_cast %add3A_1704 : vector<16xf32> to vector<1x1x16xf32>
        tpu.vector_store %arg9[%swap3A_1706, %swap3A_1707, %swap3A_1708], %swap3A_1711 {strides = array<i32>} : memref<512x1x128xf32, #tpu.memory_space<vmem>>, vector<1x1x16xf32>,
        %mul3A_1712 = vector.broadcast %squeeze3A_1655 : f32 to vector<16xf32>
        %mul3A_1713 = arith.mulf %mul3A_1712, %sub3A_111 : vector<16xf32>
        %add3A_1714 = arith.addf %add3A_105, %mul3A_1713 : vector<16xf32>
        %mul3A_1715 = vector.broadcast %squeeze3A_1657 : f32 to vector<16xf32>
        %mul3A_1716 = arith.mulf %mul3A_1715, %get3A_116 : vector<16xf32>
        %add3A_1717 = arith.addf %add3A_1714, %mul3A_1716 : vector<16xf32>
        %swap3A_1718 = arith.constant 0 : i32
        %swap3A_1719 = arith.index_cast %add3A_1659 : i32 to index
        %swap3A_1720 = arith.index_cast %swap3A_1718 : i32 to index
        %swap3A_1721 = arith.constant 64 : index
        %swap3A_1722 = tpu.vector_load %arg9[%swap3A_1719, %swap3A_1720, %swap3A_1721] {strides = array<i32>} : memref<512x1x128xf32, #tpu.memory_space<vmem>>, vector<1x1x16xf32>,
        %swap3A_1723 = vector.shape_cast %swap3A_1722 : vector<1x1x16xf32> to vector<16xf32>
        %swap3A_1724 = vector.shape_cast %add3A_1717 : vector<16xf32> to vector<1x1x16xf32>
        tpu.vector_store %arg9[%swap3A_1719, %swap3A_1720, %swap3A_1721], %swap3A_1724 {strides = array<i32>} : memref<512x1x128xf32, #tpu.memory_space<vmem>>, vector<1x1x16xf32>,
        %mul3A_1725 = vector.broadcast %squeeze3A_1655 : f32 to vector<16xf32>
        %mul3A_1726 = arith.mulf %mul3A_1725, %sub3A_133 : vector<16xf32>
        %add3A_1727 = arith.addf %add3A_127, %mul3A_1726 : vector<16xf32>
        %mul3A_1728 = vector.broadcast %squeeze3A_1657 : f32 to vector<16xf32>
        %mul3A_1729 = arith.mulf %mul3A_1728, %get3A_138 : vector<16xf32>
        %add3A_1730 = arith.addf %add3A_1727, %mul3A_1729 : vector<16xf32>
        %swap3A_1731 = arith.constant 0 : i32
        %swap3A_1732 = arith.index_cast %add3A_1659 : i32 to index
        %swap3A_1733 = arith.index_cast %swap3A_1731 : i32 to index
        %swap3A_1734 = arith.constant 80 : index
        %swap3A_1735 = tpu.vector_load %arg9[%swap3A_1732, %swap3A_1733, %swap3A_1734] {strides = array<i32>} : memref<512x1x128xf32, #tpu.memory_space<vmem>>, vector<1x1x16xf32>,
        %swap3A_1736 = vector.shape_cast %swap3A_1735 : vector<1x1x16xf32> to vector<16xf32>
        %swap3A_1737 = vector.shape_cast %add3A_1730 : vector<16xf32> to vector<1x1x16xf32>
        tpu.vector_store %arg9[%swap3A_1732, %swap3A_1733, %swap3A_1734], %swap3A_1737 {strides = array<i32>} : memref<512x1x128xf32, #tpu.memory_space<vmem>>, vector<1x1x16xf32>,
        %mul3A_1738 = vector.broadcast %squeeze3A_1655 : f32 to vector<16xf32>
        %mul3A_1739 = arith.mulf %mul3A_1738, %sub3A_155 : vector<16xf32>
        %add3A_1740 = arith.addf %add3A_149, %mul3A_1739 : vector<16xf32>
        %mul3A_1741 = vector.broadcast %squeeze3A_1657 : f32 to vector<16xf32>
        %mul3A_1742 = arith.mulf %mul3A_1741, %get3A_160 : vector<16xf32>
        %add3A_1743 = arith.addf %add3A_1740, %mul3A_1742 : vector<16xf32>
        %swap3A_1744 = arith.constant 0 : i32
        %swap3A_1745 = arith.index_cast %add3A_1659 : i32 to index
        %swap3A_1746 = arith.index_cast %swap3A_1744 : i32 to index
        %swap3A_1747 = arith.constant 96 : index
        %swap3A_1748 = tpu.vector_load %arg9[%swap3A_1745, %swap3A_1746, %swap3A_1747] {strides = array<i32>} : memref<512x1x128xf32, #tpu.memory_space<vmem>>, vector<1x1x16xf32>,
        %swap3A_1749 = vector.shape_cast %swap3A_1748 : vector<1x1x16xf32> to vector<16xf32>
        %swap3A_1750 = vector.shape_cast %add3A_1743 : vector<16xf32> to vector<1x1x16xf32>
        tpu.vector_store %arg9[%swap3A_1745, %swap3A_1746, %swap3A_1747], %swap3A_1750 {strides = array<i32>} : memref<512x1x128xf32, #tpu.memory_space<vmem>>, vector<1x1x16xf32>,
        %mul3A_1751 = vector.broadcast %squeeze3A_1655 : f32 to vector<16xf32>
        %mul3A_1752 = arith.mulf %mul3A_1751, %sub3A_177 : vector<16xf32>
        %add3A_1753 = arith.addf %add3A_171, %mul3A_1752 : vector<16xf32>
        %mul3A_1754 = vector.broadcast %squeeze3A_1657 : f32 to vector<16xf32>
        %mul3A_1755 = arith.mulf %mul3A_1754, %get3A_182 : vector<16xf32>
        %add3A_1756 = arith.addf %add3A_1753, %mul3A_1755 : vector<16xf32>
        %swap3A_1757 = arith.constant 0 : i32
        %swap3A_1758 = arith.index_cast %add3A_1659 : i32 to index
        %swap3A_1759 = arith.index_cast %swap3A_1757 : i32 to index
        %swap3A_1760 = arith.constant 112 : index
        %swap3A_1761 = tpu.vector_load %arg9[%swap3A_1758, %swap3A_1759, %swap3A_1760] {strides = array<i32>} : memref<512x1x128xf32, #tpu.memory_space<vmem>>, vector<1x1x16xf32>,
        %swap3A_1762 = vector.shape_cast %swap3A_1761 : vector<1x1x16xf32> to vector<16xf32>
        %swap3A_1763 = vector.shape_cast %add3A_1756 : vector<16xf32> to vector<1x1x16xf32>
        tpu.vector_store %arg9[%swap3A_1758, %swap3A_1759, %swap3A_1760], %swap3A_1763 {strides = array<i32>} : memref<512x1x128xf32, #tpu.memory_space<vmem>>, vector<1x1x16xf32>,
        %slice3A_1764 = vector.extract_strided_slice %convert_element_type3A {offsets = [14], sizes = [1], strides = [1]} : vector<16xf32> to vector<1xf32>
        %squeeze3A_1765 = vector.extract %slice3A_1764[0] : f32 from vector<1xf32>
        %slice3A_1766 = vector.extract_strided_slice %get3A_226 {offsets = [14], sizes = [1], strides = [1]} : vector<16xf32> to vector<1xf32>
        %squeeze3A_1767 = vector.extract %slice3A_1766[0] : f32 from vector<1xf32>
        %add3A_1768 = arith.constant 14 : i32
        %add3A_1769 = arith.addi %add3A_220, %add3A_1768 : i32
        %mul3A_1770 = vector.broadcast %squeeze3A_1765 : f32 to vector<16xf32>
        %mul3A_1771 = arith.mulf %mul3A_1770, %sub3A : vector<16xf32>
        %add3A_1772 = arith.addf %add3A_18, %mul3A_1771 : vector<16xf32>
        %mul3A_1773 = vector.broadcast %squeeze3A_1767 : f32 to vector<16xf32>
        %mul3A_1774 = arith.mulf %mul3A_1773, %get3A_28 : vector<16xf32>
        %add3A_1775 = arith.addf %add3A_1772, %mul3A_1774 : vector<16xf32>
        %swap3A_1776 = arith.constant 0 : i32
        %swap3A_1777 = arith.index_cast %add3A_1769 : i32 to index
        %swap3A_1778 = arith.index_cast %swap3A_1776 : i32 to index
        %swap3A_1779 = arith.constant 0 : index
        %swap3A_1780 = tpu.vector_load %arg9[%swap3A_1777, %swap3A_1778, %swap3A_1779] {strides = array<i32>} : memref<512x1x128xf32, #tpu.memory_space<vmem>>, vector<1x1x16xf32>,
        %swap3A_1781 = vector.shape_cast %swap3A_1780 : vector<1x1x16xf32> to vector<16xf32>
        %swap3A_1782 = vector.shape_cast %add3A_1775 : vector<16xf32> to vector<1x1x16xf32>
        tpu.vector_store %arg9[%swap3A_1777, %swap3A_1778, %swap3A_1779], %swap3A_1782 {strides = array<i32>} : memref<512x1x128xf32, #tpu.memory_space<vmem>>, vector<1x1x16xf32>,
        %mul3A_1783 = vector.broadcast %squeeze3A_1765 : f32 to vector<16xf32>
        %mul3A_1784 = arith.mulf %mul3A_1783, %sub3A_45 : vector<16xf32>
        %add3A_1785 = arith.addf %add3A_39, %mul3A_1784 : vector<16xf32>
        %mul3A_1786 = vector.broadcast %squeeze3A_1767 : f32 to vector<16xf32>
        %mul3A_1787 = arith.mulf %mul3A_1786, %get3A_50 : vector<16xf32>
        %add3A_1788 = arith.addf %add3A_1785, %mul3A_1787 : vector<16xf32>
        %swap3A_1789 = arith.constant 0 : i32
        %swap3A_1790 = arith.index_cast %add3A_1769 : i32 to index
        %swap3A_1791 = arith.index_cast %swap3A_1789 : i32 to index
        %swap3A_1792 = arith.constant 16 : index
        %swap3A_1793 = tpu.vector_load %arg9[%swap3A_1790, %swap3A_1791, %swap3A_1792] {strides = array<i32>} : memref<512x1x128xf32, #tpu.memory_space<vmem>>, vector<1x1x16xf32>,
        %swap3A_1794 = vector.shape_cast %swap3A_1793 : vector<1x1x16xf32> to vector<16xf32>
        %swap3A_1795 = vector.shape_cast %add3A_1788 : vector<16xf32> to vector<1x1x16xf32>
        tpu.vector_store %arg9[%swap3A_1790, %swap3A_1791, %swap3A_1792], %swap3A_1795 {strides = array<i32>} : memref<512x1x128xf32, #tpu.memory_space<vmem>>, vector<1x1x16xf32>,
        %mul3A_1796 = vector.broadcast %squeeze3A_1765 : f32 to vector<16xf32>
        %mul3A_1797 = arith.mulf %mul3A_1796, %sub3A_67 : vector<16xf32>
        %add3A_1798 = arith.addf %add3A_61, %mul3A_1797 : vector<16xf32>
        %mul3A_1799 = vector.broadcast %squeeze3A_1767 : f32 to vector<16xf32>
        %mul3A_1800 = arith.mulf %mul3A_1799, %get3A_72 : vector<16xf32>
        %add3A_1801 = arith.addf %add3A_1798, %mul3A_1800 : vector<16xf32>
        %swap3A_1802 = arith.constant 0 : i32
        %swap3A_1803 = arith.index_cast %add3A_1769 : i32 to index
        %swap3A_1804 = arith.index_cast %swap3A_1802 : i32 to index
        %swap3A_1805 = arith.constant 32 : index
        %swap3A_1806 = tpu.vector_load %arg9[%swap3A_1803, %swap3A_1804, %swap3A_1805] {strides = array<i32>} : memref<512x1x128xf32, #tpu.memory_space<vmem>>, vector<1x1x16xf32>,
        %swap3A_1807 = vector.shape_cast %swap3A_1806 : vector<1x1x16xf32> to vector<16xf32>
        %swap3A_1808 = vector.shape_cast %add3A_1801 : vector<16xf32> to vector<1x1x16xf32>
        tpu.vector_store %arg9[%swap3A_1803, %swap3A_1804, %swap3A_1805], %swap3A_1808 {strides = array<i32>} : memref<512x1x128xf32, #tpu.memory_space<vmem>>, vector<1x1x16xf32>,
        %mul3A_1809 = vector.broadcast %squeeze3A_1765 : f32 to vector<16xf32>
        %mul3A_1810 = arith.mulf %mul3A_1809, %sub3A_89 : vector<16xf32>
        %add3A_1811 = arith.addf %add3A_83, %mul3A_1810 : vector<16xf32>
        %mul3A_1812 = vector.broadcast %squeeze3A_1767 : f32 to vector<16xf32>
        %mul3A_1813 = arith.mulf %mul3A_1812, %get3A_94 : vector<16xf32>
        %add3A_1814 = arith.addf %add3A_1811, %mul3A_1813 : vector<16xf32>
        %swap3A_1815 = arith.constant 0 : i32
        %swap3A_1816 = arith.index_cast %add3A_1769 : i32 to index
        %swap3A_1817 = arith.index_cast %swap3A_1815 : i32 to index
        %swap3A_1818 = arith.constant 48 : index
        %swap3A_1819 = tpu.vector_load %arg9[%swap3A_1816, %swap3A_1817, %swap3A_1818] {strides = array<i32>} : memref<512x1x128xf32, #tpu.memory_space<vmem>>, vector<1x1x16xf32>,
        %swap3A_1820 = vector.shape_cast %swap3A_1819 : vector<1x1x16xf32> to vector<16xf32>
        %swap3A_1821 = vector.shape_cast %add3A_1814 : vector<16xf32> to vector<1x1x16xf32>
        tpu.vector_store %arg9[%swap3A_1816, %swap3A_1817, %swap3A_1818], %swap3A_1821 {strides = array<i32>} : memref<512x1x128xf32, #tpu.memory_space<vmem>>, vector<1x1x16xf32>,
        %mul3A_1822 = vector.broadcast %squeeze3A_1765 : f32 to vector<16xf32>
        %mul3A_1823 = arith.mulf %mul3A_1822, %sub3A_111 : vector<16xf32>
        %add3A_1824 = arith.addf %add3A_105, %mul3A_1823 : vector<16xf32>
        %mul3A_1825 = vector.broadcast %squeeze3A_1767 : f32 to vector<16xf32>
        %mul3A_1826 = arith.mulf %mul3A_1825, %get3A_116 : vector<16xf32>
        %add3A_1827 = arith.addf %add3A_1824, %mul3A_1826 : vector<16xf32>
        %swap3A_1828 = arith.constant 0 : i32
        %swap3A_1829 = arith.index_cast %add3A_1769 : i32 to index
        %swap3A_1830 = arith.index_cast %swap3A_1828 : i32 to index
        %swap3A_1831 = arith.constant 64 : index
        %swap3A_1832 = tpu.vector_load %arg9[%swap3A_1829, %swap3A_1830, %swap3A_1831] {strides = array<i32>} : memref<512x1x128xf32, #tpu.memory_space<vmem>>, vector<1x1x16xf32>,
        %swap3A_1833 = vector.shape_cast %swap3A_1832 : vector<1x1x16xf32> to vector<16xf32>
        %swap3A_1834 = vector.shape_cast %add3A_1827 : vector<16xf32> to vector<1x1x16xf32>
        tpu.vector_store %arg9[%swap3A_1829, %swap3A_1830, %swap3A_1831], %swap3A_1834 {strides = array<i32>} : memref<512x1x128xf32, #tpu.memory_space<vmem>>, vector<1x1x16xf32>,
        %mul3A_1835 = vector.broadcast %squeeze3A_1765 : f32 to vector<16xf32>
        %mul3A_1836 = arith.mulf %mul3A_1835, %sub3A_133 : vector<16xf32>
        %add3A_1837 = arith.addf %add3A_127, %mul3A_1836 : vector<16xf32>
        %mul3A_1838 = vector.broadcast %squeeze3A_1767 : f32 to vector<16xf32>
        %mul3A_1839 = arith.mulf %mul3A_1838, %get3A_138 : vector<16xf32>
        %add3A_1840 = arith.addf %add3A_1837, %mul3A_1839 : vector<16xf32>
        %swap3A_1841 = arith.constant 0 : i32
        %swap3A_1842 = arith.index_cast %add3A_1769 : i32 to index
        %swap3A_1843 = arith.index_cast %swap3A_1841 : i32 to index
        %swap3A_1844 = arith.constant 80 : index
        %swap3A_1845 = tpu.vector_load %arg9[%swap3A_1842, %swap3A_1843, %swap3A_1844] {strides = array<i32>} : memref<512x1x128xf32, #tpu.memory_space<vmem>>, vector<1x1x16xf32>,
        %swap3A_1846 = vector.shape_cast %swap3A_1845 : vector<1x1x16xf32> to vector<16xf32>
        %swap3A_1847 = vector.shape_cast %add3A_1840 : vector<16xf32> to vector<1x1x16xf32>
        tpu.vector_store %arg9[%swap3A_1842, %swap3A_1843, %swap3A_1844], %swap3A_1847 {strides = array<i32>} : memref<512x1x128xf32, #tpu.memory_space<vmem>>, vector<1x1x16xf32>,
        %mul3A_1848 = vector.broadcast %squeeze3A_1765 : f32 to vector<16xf32>
        %mul3A_1849 = arith.mulf %mul3A_1848, %sub3A_155 : vector<16xf32>
        %add3A_1850 = arith.addf %add3A_149, %mul3A_1849 : vector<16xf32>
        %mul3A_1851 = vector.broadcast %squeeze3A_1767 : f32 to vector<16xf32>
        %mul3A_1852 = arith.mulf %mul3A_1851, %get3A_160 : vector<16xf32>
        %add3A_1853 = arith.addf %add3A_1850, %mul3A_1852 : vector<16xf32>
        %swap3A_1854 = arith.constant 0 : i32
        %swap3A_1855 = arith.index_cast %add3A_1769 : i32 to index
        %swap3A_1856 = arith.index_cast %swap3A_1854 : i32 to index
        %swap3A_1857 = arith.constant 96 : index
        %swap3A_1858 = tpu.vector_load %arg9[%swap3A_1855, %swap3A_1856, %swap3A_1857] {strides = array<i32>} : memref<512x1x128xf32, #tpu.memory_space<vmem>>, vector<1x1x16xf32>,
        %swap3A_1859 = vector.shape_cast %swap3A_1858 : vector<1x1x16xf32> to vector<16xf32>
        %swap3A_1860 = vector.shape_cast %add3A_1853 : vector<16xf32> to vector<1x1x16xf32>
        tpu.vector_store %arg9[%swap3A_1855, %swap3A_1856, %swap3A_1857], %swap3A_1860 {strides = array<i32>} : memref<512x1x128xf32, #tpu.memory_space<vmem>>, vector<1x1x16xf32>,
        %mul3A_1861 = vector.broadcast %squeeze3A_1765 : f32 to vector<16xf32>
        %mul3A_1862 = arith.mulf %mul3A_1861, %sub3A_177 : vector<16xf32>
        %add3A_1863 = arith.addf %add3A_171, %mul3A_1862 : vector<16xf32>
        %mul3A_1864 = vector.broadcast %squeeze3A_1767 : f32 to vector<16xf32>
        %mul3A_1865 = arith.mulf %mul3A_1864, %get3A_182 : vector<16xf32>
        %add3A_1866 = arith.addf %add3A_1863, %mul3A_1865 : vector<16xf32>
        %swap3A_1867 = arith.constant 0 : i32
        %swap3A_1868 = arith.index_cast %add3A_1769 : i32 to index
        %swap3A_1869 = arith.index_cast %swap3A_1867 : i32 to index
        %swap3A_1870 = arith.constant 112 : index
        %swap3A_1871 = tpu.vector_load %arg9[%swap3A_1868, %swap3A_1869, %swap3A_1870] {strides = array<i32>} : memref<512x1x128xf32, #tpu.memory_space<vmem>>, vector<1x1x16xf32>,
        %swap3A_1872 = vector.shape_cast %swap3A_1871 : vector<1x1x16xf32> to vector<16xf32>
        %swap3A_1873 = vector.shape_cast %add3A_1866 : vector<16xf32> to vector<1x1x16xf32>
        tpu.vector_store %arg9[%swap3A_1868, %swap3A_1869, %swap3A_1870], %swap3A_1873 {strides = array<i32>} : memref<512x1x128xf32, #tpu.memory_space<vmem>>, vector<1x1x16xf32>,
        %slice3A_1874 = vector.extract_strided_slice %convert_element_type3A {offsets = [15], sizes = [1], strides = [1]} : vector<16xf32> to vector<1xf32>
        %squeeze3A_1875 = vector.extract %slice3A_1874[0] : f32 from vector<1xf32>
        %slice3A_1876 = vector.extract_strided_slice %get3A_226 {offsets = [15], sizes = [1], strides = [1]} : vector<16xf32> to vector<1xf32>
        %squeeze3A_1877 = vector.extract %slice3A_1876[0] : f32 from vector<1xf32>
        %add3A_1878 = arith.constant 15 : i32
        %add3A_1879 = arith.addi %add3A_220, %add3A_1878 : i32
        %mul3A_1880 = vector.broadcast %squeeze3A_1875 : f32 to vector<16xf32>
        %mul3A_1881 = arith.mulf %mul3A_1880, %sub3A : vector<16xf32>
        %add3A_1882 = arith.addf %add3A_18, %mul3A_1881 : vector<16xf32>
        %mul3A_1883 = vector.broadcast %squeeze3A_1877 : f32 to vector<16xf32>
        %mul3A_1884 = arith.mulf %mul3A_1883, %get3A_28 : vector<16xf32>
        %add3A_1885 = arith.addf %add3A_1882, %mul3A_1884 : vector<16xf32>
        %swap3A_1886 = arith.constant 0 : i32
        %swap3A_1887 = arith.index_cast %add3A_1879 : i32 to index
        %swap3A_1888 = arith.index_cast %swap3A_1886 : i32 to index
        %swap3A_1889 = arith.constant 0 : index
        %swap3A_1890 = tpu.vector_load %arg9[%swap3A_1887, %swap3A_1888, %swap3A_1889] {strides = array<i32>} : memref<512x1x128xf32, #tpu.memory_space<vmem>>, vector<1x1x16xf32>,
        %swap3A_1891 = vector.shape_cast %swap3A_1890 : vector<1x1x16xf32> to vector<16xf32>
        %swap3A_1892 = vector.shape_cast %add3A_1885 : vector<16xf32> to vector<1x1x16xf32>
        tpu.vector_store %arg9[%swap3A_1887, %swap3A_1888, %swap3A_1889], %swap3A_1892 {strides = array<i32>} : memref<512x1x128xf32, #tpu.memory_space<vmem>>, vector<1x1x16xf32>,
        %mul3A_1893 = vector.broadcast %squeeze3A_1875 : f32 to vector<16xf32>
        %mul3A_1894 = arith.mulf %mul3A_1893, %sub3A_45 : vector<16xf32>
        %add3A_1895 = arith.addf %add3A_39, %mul3A_1894 : vector<16xf32>
        %mul3A_1896 = vector.broadcast %squeeze3A_1877 : f32 to vector<16xf32>
        %mul3A_1897 = arith.mulf %mul3A_1896, %get3A_50 : vector<16xf32>
        %add3A_1898 = arith.addf %add3A_1895, %mul3A_1897 : vector<16xf32>
        %swap3A_1899 = arith.constant 0 : i32
        %swap3A_1900 = arith.index_cast %add3A_1879 : i32 to index
        %swap3A_1901 = arith.index_cast %swap3A_1899 : i32 to index
        %swap3A_1902 = arith.constant 16 : index
        %swap3A_1903 = tpu.vector_load %arg9[%swap3A_1900, %swap3A_1901, %swap3A_1902] {strides = array<i32>} : memref<512x1x128xf32, #tpu.memory_space<vmem>>, vector<1x1x16xf32>,
        %swap3A_1904 = vector.shape_cast %swap3A_1903 : vector<1x1x16xf32> to vector<16xf32>
        %swap3A_1905 = vector.shape_cast %add3A_1898 : vector<16xf32> to vector<1x1x16xf32>
        tpu.vector_store %arg9[%swap3A_1900, %swap3A_1901, %swap3A_1902], %swap3A_1905 {strides = array<i32>} : memref<512x1x128xf32, #tpu.memory_space<vmem>>, vector<1x1x16xf32>,
        %mul3A_1906 = vector.broadcast %squeeze3A_1875 : f32 to vector<16xf32>
        %mul3A_1907 = arith.mulf %mul3A_1906, %sub3A_67 : vector<16xf32>
        %add3A_1908 = arith.addf %add3A_61, %mul3A_1907 : vector<16xf32>
        %mul3A_1909 = vector.broadcast %squeeze3A_1877 : f32 to vector<16xf32>
        %mul3A_1910 = arith.mulf %mul3A_1909, %get3A_72 : vector<16xf32>
        %add3A_1911 = arith.addf %add3A_1908, %mul3A_1910 : vector<16xf32>
        %swap3A_1912 = arith.constant 0 : i32
        %swap3A_1913 = arith.index_cast %add3A_1879 : i32 to index
        %swap3A_1914 = arith.index_cast %swap3A_1912 : i32 to index
        %swap3A_1915 = arith.constant 32 : index
        %swap3A_1916 = tpu.vector_load %arg9[%swap3A_1913, %swap3A_1914, %swap3A_1915] {strides = array<i32>} : memref<512x1x128xf32, #tpu.memory_space<vmem>>, vector<1x1x16xf32>,
        %swap3A_1917 = vector.shape_cast %swap3A_1916 : vector<1x1x16xf32> to vector<16xf32>
        %swap3A_1918 = vector.shape_cast %add3A_1911 : vector<16xf32> to vector<1x1x16xf32>
        tpu.vector_store %arg9[%swap3A_1913, %swap3A_1914, %swap3A_1915], %swap3A_1918 {strides = array<i32>} : memref<512x1x128xf32, #tpu.memory_space<vmem>>, vector<1x1x16xf32>,
        %mul3A_1919 = vector.broadcast %squeeze3A_1875 : f32 to vector<16xf32>
        %mul3A_1920 = arith.mulf %mul3A_1919, %sub3A_89 : vector<16xf32>
        %add3A_1921 = arith.addf %add3A_83, %mul3A_1920 : vector<16xf32>
        %mul3A_1922 = vector.broadcast %squeeze3A_1877 : f32 to vector<16xf32>
        %mul3A_1923 = arith.mulf %mul3A_1922, %get3A_94 : vector<16xf32>
        %add3A_1924 = arith.addf %add3A_1921, %mul3A_1923 : vector<16xf32>
        %swap3A_1925 = arith.constant 0 : i32
        %swap3A_1926 = arith.index_cast %add3A_1879 : i32 to index
        %swap3A_1927 = arith.index_cast %swap3A_1925 : i32 to index
        %swap3A_1928 = arith.constant 48 : index
        %swap3A_1929 = tpu.vector_load %arg9[%swap3A_1926, %swap3A_1927, %swap3A_1928] {strides = array<i32>} : memref<512x1x128xf32, #tpu.memory_space<vmem>>, vector<1x1x16xf32>,
        %swap3A_1930 = vector.shape_cast %swap3A_1929 : vector<1x1x16xf32> to vector<16xf32>
        %swap3A_1931 = vector.shape_cast %add3A_1924 : vector<16xf32> to vector<1x1x16xf32>
        tpu.vector_store %arg9[%swap3A_1926, %swap3A_1927, %swap3A_1928], %swap3A_1931 {strides = array<i32>} : memref<512x1x128xf32, #tpu.memory_space<vmem>>, vector<1x1x16xf32>,
        %mul3A_1932 = vector.broadcast %squeeze3A_1875 : f32 to vector<16xf32>
        %mul3A_1933 = arith.mulf %mul3A_1932, %sub3A_111 : vector<16xf32>
        %add3A_1934 = arith.addf %add3A_105, %mul3A_1933 : vector<16xf32>
        %mul3A_1935 = vector.broadcast %squeeze3A_1877 : f32 to vector<16xf32>
        %mul3A_1936 = arith.mulf %mul3A_1935, %get3A_116 : vector<16xf32>
        %add3A_1937 = arith.addf %add3A_1934, %mul3A_1936 : vector<16xf32>
        %swap3A_1938 = arith.constant 0 : i32
        %swap3A_1939 = arith.index_cast %add3A_1879 : i32 to index
        %swap3A_1940 = arith.index_cast %swap3A_1938 : i32 to index
        %swap3A_1941 = arith.constant 64 : index
        %swap3A_1942 = tpu.vector_load %arg9[%swap3A_1939, %swap3A_1940, %swap3A_1941] {strides = array<i32>} : memref<512x1x128xf32, #tpu.memory_space<vmem>>, vector<1x1x16xf32>,
        %swap3A_1943 = vector.shape_cast %swap3A_1942 : vector<1x1x16xf32> to vector<16xf32>
        %swap3A_1944 = vector.shape_cast %add3A_1937 : vector<16xf32> to vector<1x1x16xf32>
        tpu.vector_store %arg9[%swap3A_1939, %swap3A_1940, %swap3A_1941], %swap3A_1944 {strides = array<i32>} : memref<512x1x128xf32, #tpu.memory_space<vmem>>, vector<1x1x16xf32>,
        %mul3A_1945 = vector.broadcast %squeeze3A_1875 : f32 to vector<16xf32>
        %mul3A_1946 = arith.mulf %mul3A_1945, %sub3A_133 : vector<16xf32>
        %add3A_1947 = arith.addf %add3A_127, %mul3A_1946 : vector<16xf32>
        %mul3A_1948 = vector.broadcast %squeeze3A_1877 : f32 to vector<16xf32>
        %mul3A_1949 = arith.mulf %mul3A_1948, %get3A_138 : vector<16xf32>
        %add3A_1950 = arith.addf %add3A_1947, %mul3A_1949 : vector<16xf32>
        %swap3A_1951 = arith.constant 0 : i32
        %swap3A_1952 = arith.index_cast %add3A_1879 : i32 to index
        %swap3A_1953 = arith.index_cast %swap3A_1951 : i32 to index
        %swap3A_1954 = arith.constant 80 : index
        %swap3A_1955 = tpu.vector_load %arg9[%swap3A_1952, %swap3A_1953, %swap3A_1954] {strides = array<i32>} : memref<512x1x128xf32, #tpu.memory_space<vmem>>, vector<1x1x16xf32>,
        %swap3A_1956 = vector.shape_cast %swap3A_1955 : vector<1x1x16xf32> to vector<16xf32>
        %swap3A_1957 = vector.shape_cast %add3A_1950 : vector<16xf32> to vector<1x1x16xf32>
        tpu.vector_store %arg9[%swap3A_1952, %swap3A_1953, %swap3A_1954], %swap3A_1957 {strides = array<i32>} : memref<512x1x128xf32, #tpu.memory_space<vmem>>, vector<1x1x16xf32>,
        %mul3A_1958 = vector.broadcast %squeeze3A_1875 : f32 to vector<16xf32>
        %mul3A_1959 = arith.mulf %mul3A_1958, %sub3A_155 : vector<16xf32>
        %add3A_1960 = arith.addf %add3A_149, %mul3A_1959 : vector<16xf32>
        %mul3A_1961 = vector.broadcast %squeeze3A_1877 : f32 to vector<16xf32>
        %mul3A_1962 = arith.mulf %mul3A_1961, %get3A_160 : vector<16xf32>
        %add3A_1963 = arith.addf %add3A_1960, %mul3A_1962 : vector<16xf32>
        %swap3A_1964 = arith.constant 0 : i32
        %swap3A_1965 = arith.index_cast %add3A_1879 : i32 to index
        %swap3A_1966 = arith.index_cast %swap3A_1964 : i32 to index
        %swap3A_1967 = arith.constant 96 : index
        %swap3A_1968 = tpu.vector_load %arg9[%swap3A_1965, %swap3A_1966, %swap3A_1967] {strides = array<i32>} : memref<512x1x128xf32, #tpu.memory_space<vmem>>, vector<1x1x16xf32>,
        %swap3A_1969 = vector.shape_cast %swap3A_1968 : vector<1x1x16xf32> to vector<16xf32>
        %swap3A_1970 = vector.shape_cast %add3A_1963 : vector<16xf32> to vector<1x1x16xf32>
        tpu.vector_store %arg9[%swap3A_1965, %swap3A_1966, %swap3A_1967], %swap3A_1970 {strides = array<i32>} : memref<512x1x128xf32, #tpu.memory_space<vmem>>, vector<1x1x16xf32>,
        %mul3A_1971 = vector.broadcast %squeeze3A_1875 : f32 to vector<16xf32>
        %mul3A_1972 = arith.mulf %mul3A_1971, %sub3A_177 : vector<16xf32>
        %add3A_1973 = arith.addf %add3A_171, %mul3A_1972 : vector<16xf32>
        %mul3A_1974 = vector.broadcast %squeeze3A_1877 : f32 to vector<16xf32>
        %mul3A_1975 = arith.mulf %mul3A_1974, %get3A_182 : vector<16xf32>
        %add3A_1976 = arith.addf %add3A_1973, %mul3A_1975 : vector<16xf32>
        %swap3A_1977 = arith.constant 0 : i32
        %swap3A_1978 = arith.index_cast %add3A_1879 : i32 to index
        %swap3A_1979 = arith.index_cast %swap3A_1977 : i32 to index
        %swap3A_1980 = arith.constant 112 : index
        %swap3A_1981 = tpu.vector_load %arg9[%swap3A_1978, %swap3A_1979, %swap3A_1980] {strides = array<i32>} : memref<512x1x128xf32, #tpu.memory_space<vmem>>, vector<1x1x16xf32>,
        %swap3A_1982 = vector.shape_cast %swap3A_1981 : vector<1x1x16xf32> to vector<16xf32>
        %swap3A_1983 = vector.shape_cast %add3A_1976 : vector<16xf32> to vector<1x1x16xf32>
        tpu.vector_store %arg9[%swap3A_1978, %swap3A_1979, %swap3A_1980], %swap3A_1983 {strides = array<i32>} : memref<512x1x128xf32, #tpu.memory_space<vmem>>, vector<1x1x16xf32>,
      }
      %scan3A_197 = arith.constant 8 : i32
      %mul3A_198 = arith.constant 128 : i32
      %mul3A_199 = arith.muli %scan3A_192, %mul3A_198 : i32
      %mul3A_200 = arith.constant 128 : i32
      %mul3A_201 = arith.muli %scan3A_192, %mul3A_200 : i32
      %add3A_202 = arith.addi %mul3A_2, %mul3A_201 : i32
      %dma_start3A_203 = arith.constant 0 : i32
      %dma_start3A_204 = arith.constant 0 : i32
      %dma_start3A_205 = tpu.memref_slice %arg9[%mul3A_199, %dma_start3A_203, %dma_start3A_204] : memref<512x1x128xf32, #tpu.memory_space<vmem>> -> memref<128x1x128xf32, #tpu.memory_space<vmem>>
      %dma_start3A_206 = arith.constant 0 : i32
      %dma_start3A_207 = arith.constant 0 : i32
      %dma_start3A_208 = tpu.memref_slice %arg5[%add3A_202, %dma_start3A_206, %dma_start3A_207] : memref<16384x1x128xf32, #tpu.memory_space<hbm>> -> memref<128x1x128xf32, #tpu.memory_space<hbm>>
      %dma_start3A_209 = arith.constant 0 : i32
      %dma_start3A_210 = arith.constant 0 : i32
      %dma_start3A_211 = tpu.memref_slice %arg5[%add3A_202, %dma_start3A_209, %dma_start3A_210] : memref<16384x1x128xf32, #tpu.memory_space<hbm>> -> memref<128x1x128xf32, #tpu.memory_space<hbm>>
      %dma_start3A_212 = arith.constant 0 : i32
      %dma_start3A_213 = arith.constant 0 : i32
      %dma_start3A_214 = tpu.memref_slice %arg9[%mul3A_199, %dma_start3A_212, %dma_start3A_213] : memref<512x1x128xf32, #tpu.memory_space<vmem>> -> memref<128x1x128xf32, #tpu.memory_space<vmem>>
      tpu.enqueue_dma source(%dma_start3A_214 : memref<128x1x128xf32, #tpu.memory_space<vmem>>) target(%dma_start3A_211 : memref<128x1x128xf32, #tpu.memory_space<hbm>>) target_semaphore(%arg11 : memref<!tpu.dma_semaphore, #tpu.memory_space<semaphore_mem>>)
    }
    %scan3A_186 = arith.constant 4 : i32
    %scan3A_187 = arith.constant 0 : i32
    %scan3A_188 = arith.constant 4 : i32
    %scan3A_189 = arith.addi %scan3A_187, %scan3A_188 : i32
    %scan3A_190 = arith.constant 1 : i32
    scf.for %scan3A_192 = %scan3A_187 to %scan3A_189 step %scan3A_190  : i32 {
      %mul3A_193 = arith.constant 128 : i32
      %mul3A_194 = arith.muli %scan3A_192, %mul3A_193 : i32
      %mul3A_195 = arith.constant 128 : i32
      %mul3A_196 = arith.muli %scan3A_192, %mul3A_195 : i32
      %add3A_197 = arith.addi %mul3A_2, %mul3A_196 : i32
      %dma_wait3A_198 = arith.constant 0 : i32
      %dma_wait3A_199 = arith.constant 0 : i32
      %dma_wait3A_200 = tpu.memref_slice %arg9[%mul3A_194, %dma_wait3A_198, %dma_wait3A_199] : memref<512x1x128xf32, #tpu.memory_space<vmem>> -> memref<128x1x128xf32, #tpu.memory_space<vmem>>
      %dma_wait3A_201 = arith.constant 0 : i32
      %dma_wait3A_202 = arith.constant 0 : i32
      %dma_wait3A_203 = tpu.memref_slice %arg5[%add3A_197, %dma_wait3A_201, %dma_wait3A_202] : memref<16384x1x128xf32, #tpu.memory_space<hbm>> -> memref<128x1x128xf32, #tpu.memory_space<hbm>>
      %dma_wait3A_204 = arith.constant 0 : i32
      %dma_wait3A_205 = arith.constant 0 : i32
      %dma_wait3A_206 = tpu.memref_slice %arg5[%add3A_197, %dma_wait3A_204, %dma_wait3A_205] : memref<16384x1x128xf32, #tpu.memory_space<hbm>> -> memref<128x1x128xf32, #tpu.memory_space<hbm>>
      %dma_wait3A_207 = arith.constant 0 : i32
      %dma_wait3A_208 = arith.constant 0 : i32
      %dma_wait3A_209 = tpu.memref_slice %arg9[%mul3A_194, %dma_wait3A_207, %dma_wait3A_208] : memref<512x1x128xf32, #tpu.memory_space<vmem>> -> memref<128x1x128xf32, #tpu.memory_space<vmem>>
      tpu.wait_dma2 semaphore(%arg11 : memref<!tpu.dma_semaphore, #tpu.memory_space<semaphore_mem>>) src(%dma_wait3A_209 : memref<128x1x128xf32, #tpu.memory_space<vmem>>) dst(%dma_wait3A_206 : memref<128x1x128xf32, #tpu.memory_space<hbm>>)
    }
    %scan3A_191 = arith.constant 4 : i32
    return
  }
}

</mosaic_0001>

<sc_bundles>
// kernel: _run.3.cloned.1.call-start
scs
__scs_entry_jumppad:
0x0: {  	(pc) =	sbr.rel $0x88, $3  }
0x1: {  	(tag) =	ssettag $0x0;
	lr =	simm.s32 $0x1  }
0x2: {  	[smem:$0x3F9E] =	sst lr;
	_ =	strace $0xD0000000  }
0x3: {  	_ = 	snop  }
0x4: {  	_ = 	snop  }
0x5: {  	_ = 	snop  }
0x6: {  	_ = 	snop  }
0x7: {  	_ = 	snop  }
__scs_overlays_trampoline_lowered:
0x8: {  	[smem:$0x3FAD] =	sst s0  }
0x9: {  	[smem:$0x3FAE] =	sst s1  }
0xa: {  	[smem:$0x3FAF] =	sst s2  }
0xb: {  	[smem:$0x3FB0] =	sst s3  }
0xc: {  	[smem:$0x3FB1] =	sst s4  }
0xd: {  	[smem:$0x3FB2] =	sst s5  }
0xe: {  	[smem:$0x3FB3] =	sst s6  }
0xf: {  	[smem:$0x3FB4] =	sst s7  }
0x10: {  	[smem:$0x3FB5] =	sst s8  }
0x11: {  	[smem:$0x3FB6] =	sst s9;
	s0 =	simm.s32 @!p0 $0x0  }
0x12: {  	s1 =	sld [smem:$0x3F9C];
	s0 =	simm.s32 @p0 $0x1  }
0x13: {  	[smem:$0x3FB7] =	sst s0;
	s0 =	simm.s32 @!p1 $0x0  }
0x14: {  	s2 =	sld [smem:$0x3F9B];
	s0 =	simm.s32 @p1 $0x1  }
0x15: {  	[smem:$0x3FB8] =	sst s0;
	s0 =	simm.s32 @!p2 $0x0  }
0x16: {  	s3 =	sld [smem:$0x3FDB];
	s0 =	simm.s32 @p2 $0x1  }
0x17: {  	s4 =	simm.s32 $0x1BF5;
	[smem:$0x3FBA] =	sst s0  }
0x18: {  	s0 =	sld [smem:$0x3F9D];
	_ =	swait.ge [sflag:s4], $0x0  }
0x19: {  	s7 =	sld [smem:$0x3F9E]  }
0x1a: {  	s8 =	sadd.s32 $0xFFFFE003, lr  }
0x1b: {  	s9 =	sadd.s32 $0xFFFFFEF7, lr;
	s5 =	simm.s32 $0xFFFFFFFF;
	p2 =	slt.u32 s8, $0xFFFFF086  }
0x1c: {  	p1 =	slt.u32 s9, $0xF7A;
	s5 =	simm.s32 @!p2 $0x0  }
0x1d: {  	s5 =	simm.s32 @p1 $0x1;
	p0 =	seq.s32 s7, s2  }
0x1e: {  	s7 =	smul.u32 @!p0 $0xF7A, s2;
	p2 =	seq.s32 @!p0 s5, $0x0  }
0x1f: {  	s9 =	smul.u32 $0xF7A, s1;
	s8 =	simm.s32 @!p0 $0x1BF5;
	p2 =	por !p2, p0  }
0x20: {  	[sflag:s8] =	ssyncset.s32 @!p0 $0xFFFFF086;
	s6 =	sadd.s32 @!p0 s3, s7;
	s7 =	simm.s32 @!p0 $0x108  }
0x21: {  	s3 =	sadd.s32 s3, s9;
	s6 =	sadd.s32 @!p0 $0x88, s6;
	s7 =	simm.s32 @p2 $0x1082  }
0x22: {  	[simem:s7], [sflag:s8] =	dma.local @!p0 [hbm:s6], $0xF7A  }
0x23: {  	s9 =	sor.u32 $0xD0000000, s2;
	s6 =	simm.s32 $0x108;
	_ =	swait.ge @!p0 [sflag:s8], $0x0  }
0x24: {  	s3 =	sadd.s32 $0x88, s3;
	s6 =	simm.s32 @!p1 $0x1082;
	[sflag:s4] =	ssyncset.s32 $0xFFFFF086  }
0x25: {  	[simem:s6], [sflag:s4] =	dma.local [hbm:s3], $0xF7A  }
0x26: {  	[smem:$0x3F9E] =	sst s1;
	(tag) =	ssettag s2;
	_ =	strace s9  }
0x27: {  	s1 =	sld [smem:$0x3FAE]  }
0x28: {  	s2 =	sld [smem:$0x3FAF]  }
0x29: {  	s4 =	sld [smem:$0x3FB1]  }
0x2a: {  	p0 =	seq.s32 s5, $0x0;
	s5 =	sld [smem:$0x3FB2]  }
0x2b: {  	s6 =	sld [smem:$0x3FB3]  }
0x2c: {  	s7 =	sld [smem:$0x3FB4]  }
0x2d: {  	s3 =	simm.s32 $0x108;
	s8 =	sld [smem:$0x3FB5]  }
0x2e: {  	s3 =	simm.s32 @!p0 $0x1082;
	s9 =	sld [smem:$0x3FB6]  }
0x2f: {  	lr =	sadd.s32 s0, s3;
	s0 =	sld [smem:$0x3FAD]  }
0x30: {  	s3 =	sld [smem:$0x3FB0]  }
0x31: {  	[smem:$0x3FB9] =	sst s10  }
0x32: {  	s10 =	sld [smem:$0x3FB7];
	_ =	sdelay $0x3  }
0x33: {  	p0 =	seq.s32 s10, $0x1;
	s10 =	sld [smem:$0x3FB9];
	_ =	sdelay $0x3  }
0x34: {  	[smem:$0x3FB9] =	sst s10  }
0x35: {  	s10 =	sld [smem:$0x3FB8];
	_ =	sdelay $0x3  }
0x36: {  	p1 =	seq.s32 s10, $0x1;
	s10 =	sld [smem:$0x3FB9];
	_ =	sdelay $0x3  }
0x37: {  	[smem:$0x3FB9] =	sst s10  }
0x38: {  	s10 =	sld [smem:$0x3FBA]  }
0x39: {  	_ = 	snop;
	(pc) =	sbr.ind lr, $3  }
0x3a: {  	_ = 	snop  }
0x3b: {  	_ = 	snop  }
0x3c: {  	p2 =	seq.s32 s10, $0x1;
	s10 =	sld [smem:$0x3FB9]  }
0x3d: {  	_ =	shalt  }
0x3e: {  	_ =	shalt  }
0x3f: {  	_ =	shalt  }
0x40: {  	_ =	shalt  }
0x41: {  	_ =	shalt  }
0x42: {  	_ =	shalt  }
0x43: {  	_ =	shalt  }
0x44: {  	_ =	shalt  }
0x45: {  	_ =	shalt  }
0x46: {  	_ =	shalt  }
0x47: {  	_ =	shalt  }
0x48: {  	_ =	shalt  }
0x49: {  	_ =	shalt  }
0x4a: {  	_ =	shalt  }
0x4b: {  	_ =	shalt  }
0x4c: {  	_ =	shalt  }
0x4d: {  	_ =	shalt  }
0x4e: {  	_ =	shalt  }
0x4f: {  	_ =	shalt  }
0x50: {  	_ =	shalt  }
0x51: {  	_ =	shalt  }
0x52: {  	_ =	shalt  }
0x53: {  	_ =	shalt  }
0x54: {  	_ =	shalt  }
0x55: {  	_ =	shalt  }
0x56: {  	_ =	shalt  }
0x57: {  	_ =	shalt  }
0x58: {  	_ =	shalt  }
0x59: {  	_ =	shalt  }
0x5a: {  	_ =	shalt  }
0x5b: {  	_ =	shalt  }
0x5c: {  	_ =	shalt  }
0x5d: {  	_ =	shalt  }
0x5e: {  	_ =	shalt  }
0x5f: {  	_ =	shalt  }
0x60: {  	_ =	shalt  }
0x61: {  	_ =	shalt  }
0x62: {  	_ =	shalt  }
0x63: {  	_ =	shalt  }
0x64: {  	_ =	shalt  }
0x65: {  	_ =	shalt  }
0x66: {  	_ =	shalt  }
0x67: {  	_ =	shalt  }
0x68: {  	_ =	shalt  }
0x69: {  	_ =	shalt  }
0x6a: {  	_ =	shalt  }
0x6b: {  	_ =	shalt  }
0x6c: {  	_ =	shalt  }
0x6d: {  	_ =	shalt  }
0x6e: {  	_ =	shalt  }
0x6f: {  	_ =	shalt  }
0x70: {  	_ =	shalt  }
0x71: {  	_ =	shalt  }
0x72: {  	_ =	shalt  }
0x73: {  	_ =	shalt  }
0x74: {  	_ =	shalt  }
0x75: {  	_ =	shalt  }
0x76: {  	_ =	shalt  }
0x77: {  	_ =	shalt  }
0x78: {  	_ =	shalt  }
0x79: {  	_ =	shalt  }
0x7a: {  	_ =	shalt  }
0x7b: {  	_ =	shalt  }
0x7c: {  	_ =	shalt  }
0x7d: {  	_ =	shalt  }
0x7e: {  	_ =	shalt  }
0x7f: {  	_ =	shalt  }
0x80: {  	_ =	shalt  }
0x81: {  	_ =	shalt  }
0x82: {  	_ =	shalt  }
0x83: {  	_ =	shalt  }
0x84: {  	_ =	shalt  }
0x85: {  	_ =	shalt  }
0x86: {  	_ =	shalt  }
0x87: {  	_ =	shalt  }
.Lfunc_end0:
.L_simem_size_0:
called_computation_lowered:
.L_overlay_start_0:
0x88: {  	s2 =	sld [smem:$0x3FD9]  }
0x89: {  	s3 =	sld [smem:$0x3FFE];
	_ =	sdelay $0x1  }
0x8a: {  	s1 =	srdreg.scid  }
0x8b: {  	s0 =	sand.u32 $0x1, s1  }
0x8c: {  	s18 =	sshll.u32 s0, $0xA;
	s2 =	sadd.s32 s3, s2  }
0x8d: {  	s2 =	sadd.s32 s2, s18  }
0x8e: {  	[smem:$0x3FC5] =	sst s2  }
0x8f: {  	_ = 	snop  }
0x90: {  	s2 =	sld [smem:$0x3FC9]  }
0x91: {  	s19 =	sld [smem:$0x3FC8]  }
0x92: {  	s4 =	sld [smem:$0x3FC7]  }
0x93: {  	s5 =	sld [smem:$0x3FD0];
	(tm) =	ssettm $0x1  }
0x94: {  	s6 =	sld [smem:$0x3FFB];
	_ =	sdelay $0x3  }
0x95: {  	_ =	strace s6  }
0x96: {  	s6 =	sld [smem:$0x3FFC];
	_ =	sdelay $0x3  }
0x97: {  	_ =	strace s6  }
0x98: {  	s6 =	sld [smem:$0x3FFD];
	_ =	sdelay $0x3  }
0x99: {  	_ =	strace s6  }
0x9a: {  	_ =	strace $0x8FFFFFFF  }
0x9b: {  	s20 =	sld [smem:$0x3FDB];
	_ =	sdelay $0x1  }
0x9c: {  	s7 =	simm.s32 $_scs_section_size  }
0x9d: {  	s8 =	simm.s32 $_size__tile_overlayer_lowered;
	s9 =	simm.s32 $_tile_overlayer_lowered  }
0x9e: {  	s23 =	simm.s32 $0x1BFF;
	s22 =	sshll.u32 s9, $0x1;
	s6 =	sadd.s32 s7, s20  }
0x9f: {  	s10 =	simm.s32 $0x0;
	s21 =	sshll.u32 s8, $0x1;
	s8 =	sadd.s32 s22, s6  }
0xa0: {  	[timem:s10], [sflag:s23] =	dma.local [hbm:s8], s21  }
0xa1: {  	_ =	swait.ge [sflag:s23], s21  }
0xa2: {  	s7 =	ssub.s32 $0x0, s21;
	[sflag:s23] =	ssyncset.done $0x0  }
0xa3: {  	[sflag:s23] =	ssyncadd.s32 s7;
	_ =	sdelay $0x1  }
0xa4: {  	s24 =	simm.s32 $0x1B8B  }
0xa5: {  	_ =	swait.ge [sflag:s24], $0x1  }
0xa6: {  	[sflag:s24] =	ssyncset.done $0x0  }
0xa7: {  	s25 =	simm.s32 $0x1B8E;
	[sflag:s24] =	ssyncadd.s32 $0xFFFFFFFF  }
0xa8: {  	s26 =	simm.s32 $execute0_lowered;
	[smem:$0x3FD2] =	sst s25  }
0xa9: {  	s7 =	sshll.u32 s26, $0x1;
	_ =	strace $0x80000046;
	[dreg:$0x1] =	wrdreg $0xFFFFFFFF  }
0xaa: {  	s28 =	simm.s32 $_size_execute0_lowered;
	s6 =	sadd.s32 s6, s7;
	[dreg:$0x0] =	wrdreg $0x0  }
0xab: {  	s7 =	sshll.u32 s28, $0x1;
	[dreg:$0x2] =	wrdreg s6  }
0xac: {  	[dreg:$0x3] =	wrdreg s7  }
0xad: {  	[dreg:$0x4] =	wrdreg $0xC0  }
0xae: {  	_ =	task [dreg:s10], $0x5FFFF  }
0xaf: {  	[dreg:$0x1] =	wrdreg $0xFFFFFFFF  }
0xb0: {  	[dreg:$0x0] =	wrdreg $0x60  }
0xb1: {  	[dreg:$0x2] =	wrdreg s2  }
0xb2: {  	[dreg:$0x3] =	wrdreg s19  }
0xb3: {  	[dreg:$0x4] =	wrdreg s4  }
0xb4: {  	[dreg:$0x5] =	wrdreg s5  }
0xb5: {  	[dreg:$0x6] =	wrdreg $0x9  }
0xb6: {  	_ =	task.clear_ibuf [dreg:s10], $0x7FFFF;
	_ =	strace $0x90000046  }
0xb7: {  	s29 =	simm.s32 $0x9;
	_ =	strace $0x80000048  }
0xb8: {  	_ =	swait.ge [sflag:s29], $0x1  }
0xb9: {  	[sflag:s29] =	ssyncadd.s32 $0xFFFFFFFF  }
0xba: {  	_ =	strace $0x90000048  }
0xbb: {  	_ =	sfence  }
0xbc: {  	s30 =	sld [smem:$0x0];
	_ =	sdelay $0x2  }
0xbd: {  	s31 =	sshll.u32 s1, $0xD;
	s1 =	sshrl.u32 s1, $0x2  }
0xbe: {  	s3 =	sand.u32 $0x4000, s31;
	s1 =	sadd.s32 s1, s30  }
0xbf: {  	s0 =	sor.u32 s3, s0;
	s1 =	sshll.u32 s1, $0x11  }
0xc0: {  	s0 =	sor.u32 s1, s0  }
0xc1: {  	s0 =	sadd.s32 $0x8F2B, s0  }
0xc2: {  	[sflag:s0] =	ssyncadd.remote.s32 $0x1  }
0xc3: {  	_ =	sfence.sel $0xFFFF  }
0xc4: {  	[dreg:$0x0] =	wrdreg $0xFFFFFFFF;
	(pc) =	sbr.abs _section_cstart, $3  }
0xc5: {  	[dreg:$0x1] =	wrdreg $0xFFFFFFFF  }
0xc6: {  	_ =	task.clear_ibuf [dreg:s10], $0x2FFFF;
	_ =	strace $0x9FFFFFFF  }
0xc7: {  	(tm) =	ssettm $0x7FFFFFFF  }
tec
execute0_lowered:
.L_overlay_start_1:
0x0: {  	(tag) =	ssettag $0x1  }
0x1: {  	s4 =	rddreg [dreg:$0x0]  }
0x2: {  	s5 =	rddreg [dreg:$0x1]  }
0x3: {  	s1 =	rddreg [dreg:$0x2]  }
0x4: {  	s6 =	rddreg [dreg:$0x3]  }
0x5: {  	s0 =	rddreg [dreg:$0x4];
	s7 =	srdreg.scid  }
0x6: {  	s3 =	simm.s32 $0x0;
	s2 =	stileid.u32;
	s7 =	sand.u32 $0x1, s7  }
0x7: {  	s11 =	simm.s32 $0x0;
	s9 =	sshll.u32 s2, $0xA;
	s8 =	ssub.s32 $0x2, s7  }
0x8: {  	[smem:$0x7FF] =	sst s3;
	s7 =	sshll.u32 s7, $0x9;
	s10 =	sshrl.u32 s8, $0x1  }
0x9: {  	_ =	strace $0x80000047;
	s7 =	sor.u32 s7, s9;
	s8 =	ssub.s32 s8, s10  }
0xa: {  	s9 =	sshrl.u32 s7, $0x3;
	s7 =	sshll.u32 s7, $0x4;
	s10 =	simm.s32 $0x2  }
0xb: {  	s4 =	sadd.s32 s4, s9;
	s5 =	sadd.s32 s5, s9;
	s6 =	sadd.s32 s6, s7  }
0xc: {  	s7 =	smax.u32 s8, $0x1;
	s8 =	simm.s32 $0x400;
	s9 =	simm.s32 $0x1  }
.LBB2_1:
0xd: {  	[tilespmem:s3], [sflag:$0x1] =	stream.linear.gather [hbm4b:s4+s3], $0x200, $0x38;
	[tilespmem:$0x10600] =	vst v63  }
0xe: {  	s12 =	simm.s32 $0x200  }
0xf: {  	[tilespmem:s12], [sflag:$0x1] =	stream.linear.gather [hbm4b:s5+s3], $0x200, $0x38;
	[tilespmem:$0x10600] =	vst v63  }
0x10: {  	_ = 	snop  }
0x11: {  	[tilespmem:s8], [sflag:$0x1] =	stream.linear.gather [hbm4b:s1+s3], $0x200, $0x38;
	[tilespmem:$0x10600] =	vst v63  }
0x12: {  	_ =	swait.ge [sflag:s9], $0x200  }
0x13: {  	[sflag:s9] =	ssyncset.done $0x0  }
0x14: {  	[sflag:s9] =	ssyncadd.s32 $0xFFFFFE00  }
0x15: {  	_ =	swait.ge [sflag:s9], $0x200  }
0x16: {  	[sflag:s9] =	ssyncset.done $0x0  }
0x17: {  	[sflag:s9] =	ssyncadd.s32 $0xFFFFFE00  }
0x18: {  	_ =	swait.ge [sflag:s9], $0x200  }
0x19: {  	[sflag:s9] =	ssyncset.done $0x0  }
0x1a: {  	[sflag:s9] =	ssyncadd.s32 $0xFFFFFE00  }
0x1b: {  	v4 =	vld [tilespmem:$0x400]  }
0x1c: {  	v3 =	vld [tilespmem:$0x580]  }
0x1d: {  	v5 =	vld [tilespmem:$0x480]  }
0x1e: {  	v0 =	vld [tilespmem:$0x500]  }
0x1f: {  	v6 =	vld [tilespmem:$0x410]  }
0x20: {  	v7 =	vld [tilespmem:$0x590]  }
0x21: {  	v8 =	vld [tilespmem:$0x490]  }
0x22: {  	v1 =	vld [tilespmem:$0x510]  }
0x23: {  	v9 =	vld [tilespmem:$0x420]  }
0x24: {  	v10 =	vld [tilespmem:$0x5A0]  }
0x25: {  	v11 =	vld [tilespmem:$0x4A0]  }
0x26: {  	v2 =	vld [tilespmem:$0x520]  }
0x27: {  	v12 =	vld [tilespmem:$0x430]  }
0x28: {  	v13 =	vld [tilespmem:$0x5B0]  }
0x29: {  	v14 =	vld [tilespmem:$0x4B0]  }
0x2a: {  	v15 =	vld [tilespmem:$0x440]  }
0x2b: {  	v16 =	vld [tilespmem:$0x5C0]  }
0x2c: {  	v17 =	vld [tilespmem:$0x4C0]  }
0x2d: {  	v18 =	vld [tilespmem:$0x450]  }
0x2e: {  	v19 =	vld [tilespmem:$0x5D0]  }
0x2f: {  	v20 =	vld [tilespmem:$0x4D0]  }
0x30: {  	v21 =	vld [tilespmem:$0x460]  }
0x31: {  	v22 =	vld [tilespmem:$0x5E0]  }
0x32: {  	v23 =	vld [tilespmem:$0x4E0]  }
0x33: {  	v24 =	vld [tilespmem:$0x470];
	v3 =	vadd.f32 v3, v4;
	v4 =	vsub.f32 v5, v4  }
0x34: {  	v25 =	vld [tilespmem:$0x5F0];
	v5 =	vadd.f32 v7, v6;
	v6 =	vsub.f32 v8, v6  }
0x35: {  	v26 =	vld [tilespmem:$0x4F0];
	v7 =	vadd.f32 v10, v9;
	v8 =	vsub.f32 v11, v9  }
0x36: {  	v9 =	vadd.f32 v13, v12;
	v10 =	vsub.f32 v14, v12;
	v11 =	vld [tilespmem:$0x530]  }
0x37: {  	v12 =	vadd.f32 v16, v15;
	v13 =	vsub.f32 v17, v15;
	v14 =	vld [tilespmem:$0x540]  }
0x38: {  	v15 =	vadd.f32 v19, v18;
	v16 =	vsub.f32 v20, v18;
	v17 =	vld [tilespmem:$0x550]  }
0x39: {  	v18 =	vadd.f32 v22, v21;
	v19 =	vsub.f32 v23, v21;
	v20 =	vld [tilespmem:$0x560]  }
0x3a: {  	s13 =	simm.s32 $0xA00;
	s14 =	simm.s32 $0x0;
	s15 =	simm.s32 $0x0;
	v21 =	vadd.f32 v25, v24;
	v22 =	vsub.f32 v26, v24;
	v23 =	vld [tilespmem:$0x570]  }
.LBB2_2:
0x3b: {  	v24 =	vmov s14  }
0x3c: {  	v25 =	vmov s12;
	_ =	sdelay $0x2  }
0x3d: {  	s16 =	simm.s32 $0x0  }
0x3e: {  	v26 =	vld.idx.msk [tilespmem:v24+s16+$0x0 ss:$0x1], $0xffff  }
0x3f: {  	v45 =	vld.idx.msk [tilespmem:v25+s16+$0x0 ss:$0x1], $0xffff;
	_ =	sdelay $0x3  }
0x40: {  	v44 =	vcvt.s32.f32 v26  }
0x41: {  	v49 =	vbroadcast v45, $0xF;
	v46 =	vbroadcast v45, $0x0  }
0x42: {  	v41 =	vbroadcast v45, $0xE;
	v27 =	vbroadcast v45, $0xA  }
0x43: {  	v47 =	vbroadcast v44, $0x0;
	v48 =	vbroadcast v44, $0xF  }
0x44: {  	v33 =	vbroadcast v44, $0xD;
	v34 =	vbroadcast v44, $0xE  }
0x45: {  	v37 =	vmul.f32 v49, v20;
	v38 =	vmul.f32 v46, v2  }
0x46: {  	v39 =	vmul.f32 v46, v11;
	v56 =	vmul.f32 v46, v1  }
0x47: {  	v60 =	vmul.f32 v49, v23;
	v42 =	vmul.f32 v41, v20  }
0x48: {  	v62 =	vmul.f32 v41, v23;
	v36 =	vmul.f32 v47, v8  }
0x49: {  	v35 =	vmul.f32 v47, v10;
	v40 =	vmul.f32 v47, v6  }
0x4a: {  	v29 =	vmul.f32 v41, v17;
	v59 =	vmul.f32 v48, v22;
	v36 =	vadd.f32 v36, v7  }
0x4b: {  	v30 =	vmul.f32 v41, v14;
	v35 =	vadd.f32 v35, v9;
	v58 =	vadd.f32 v40, v5  }
0x4c: {  	v57 =	vmul.f32 v34, v22;
	v40 =	vadd.f32 v59, v21;
	v26 =	vadd.f32 v36, v38  }
0x4d: {  	v32 =	vmul.f32 v48, v19;
	v61 =	vmul.f32 v34, v19;
	v31 =	vadd.f32 v35, v39  }
0x4e: {  	v63 =	vmul.f32 v34, v16;
	v35 =	vadd.f32 v57, v21;
	[tilespmem:$0x1FE50] =	vst v26;
	v26 =	vadd.f32 v40, v60  }
0x4f: {  	v28 =	vmul.f32 v34, v13;
	v51 =	vmul.f32 v34, v10  }
0x50: {  	v53 =	vmul.f32 v34, v8;
	v38 =	vadd.f32 v61, v18;
	[tilespmem:$0x1FE60] =	vst v26;
	v26 =	vadd.f32 v35, v62  }
0x51: {  	v55 =	vmul.f32 v34, v6;
	v34 =	vmul.f32 v34, v4  }
0x52: {  	v52 =	vmul.f32 v41, v11;
	v50 =	vadd.f32 v63, v15;
	[tilespmem:$0x1FE70] =	vst v26;
	v26 =	vadd.f32 v38, v42  }
0x53: {  	v43 =	vmul.f32 v41, v2;
	v32 =	vadd.f32 v32, v18;
	v34 =	vadd.f32 v34, v3  }
0x54: {  	v59 =	vmul.f32 v33, v22;
	v36 =	vadd.f32 v28, v12;
	[tilespmem:$0x1FE80] =	vst v26;
	v26 =	vadd.f32 v50, v29  }
0x55: {  	v54 =	vadd.f32 v32, v37;
	v32 =	vadd.f32 v58, v56;
	v56 =	vmul.f32 v41, v1  }
0x56: {  	v37 =	vadd.f32 v55, v5;
	v60 =	vmul.f32 v33, v19;
	[tilespmem:$0x1FE90] =	vst v26;
	v26 =	vadd.f32 v36, v30  }
0x57: {  	v57 =	vadd.f32 v53, v7;
	v58 =	vmul.f32 v41, v0;
	v61 =	vmul.f32 v33, v16  }
0x58: {  	v28 =	vadd.f32 v60, v18;
	v36 =	vbroadcast v45, $0xD;
	[tilespmem:$0x1FEA0] =	vst v26;
	v26 =	vadd.f32 v37, v56  }
0x59: {  	v40 =	vmul.f32 v27, v11;
	v35 =	vadd.f32 v61, v15;
	v38 =	vadd.f32 v51, v9  }
0x5a: {  	v60 =	vmul.f32 v33, v6;
	v63 =	vmul.f32 v36, v20;
	[tilespmem:$0x1FEB0] =	vst v26;
	v26 =	vadd.f32 v34, v58  }
0x5b: {  	v53 =	vadd.f32 v38, v52;
	v52 =	vmul.f32 v33, v10;
	v38 =	vbroadcast v44, $0xB  }
0x5c: {  	v30 =	vmul.f32 v33, v13;
	v50 =	vmul.f32 v36, v17;
	[tilespmem:$0x1FEC0] =	vst v26;
	v26 =	vadd.f32 v28, v63  }
0x5d: {  	v41 =	vadd.f32 v57, v43;
	v29 =	vmul.f32 v36, v23;
	v51 =	vmul.f32 v36, v14  }
0x5e: {  	v55 =	vadd.f32 v30, v12;
	v56 =	vmul.f32 v33, v8;
	[tilespmem:$0x1FED0] =	vst v26;
	v26 =	vadd.f32 v35, v50  }
0x5f: {  	v62 =	vadd.f32 v59, v21;
	v59 =	vmul.f32 v36, v2;
	v61 =	vmul.f32 v36, v1  }
0x60: {  	v58 =	vmul.f32 v36, v11;
	v34 =	vadd.f32 v52, v9;
	[tilespmem:$0x1FEE0] =	vst v26;
	v26 =	vadd.f32 v55, v51  }
0x61: {  	v33 =	vmul.f32 v33, v4;
	v37 =	vadd.f32 v60, v5;
	v57 =	vadd.f32 v62, v29  }
0x62: {  	v35 =	vadd.f32 v56, v7;
	[tilespmem:$0x1FEF0] =	vst v26;
	v26 =	vadd.f32 v34, v58;
	v34 =	vbroadcast v44, $0xC  }
0x63: {  	v36 =	vmul.f32 v36, v0;
	v56 =	vadd.f32 v37, v61;
	v37 =	vmul.f32 v27, v23  }
0x64: {  	[tilespmem:$0x1FF00] =	vst v26;
	v26 =	vadd.f32 v35, v59;
	v35 =	vbroadcast v45, $0xC;
	v62 =	vmul.f32 v34, v19  }
0x65: {  	v33 =	vadd.f32 v33, v3;
	v63 =	vmul.f32 v34, v22;
	v52 =	vmul.f32 v34, v13  }
0x66: {  	v55 =	vmul.f32 v34, v16;
	v60 =	vmul.f32 v34, v6  }
0x67: {  	[tilespmem:$0x1FF10] =	vst v26;
	v28 =	vmul.f32 v35, v20;
	v29 =	vmul.f32 v35, v23;
	v26 =	vadd.f32 v33, v36  }
0x68: {  	v30 =	vadd.f32 v62, v18;
	v42 =	vadd.f32 v63, v21;
	v50 =	vmul.f32 v35, v17  }
0x69: {  	v58 =	vmul.f32 v35, v14;
	v62 =	vadd.f32 v55, v15;
	v55 =	vmul.f32 v35, v2  }
0x6a: {  	v59 =	vadd.f32 v52, v12;
	v61 =	vmul.f32 v35, v1;
	v36 =	vmul.f32 v38, v6  }
0x6b: {  	v51 =	vmul.f32 v35, v0;
	[tilespmem:$0x1FF20] =	vst v26;
	v26 =	vadd.f32 v30, v28;
	v28 =	vmul.f32 v34, v8  }
0x6c: {  	v63 =	vadd.f32 v42, v29;
	v29 =	vmul.f32 v34, v10;
	v42 =	vadd.f32 v36, v5  }
0x6d: {  	v34 =	vmul.f32 v34, v4;
	[tilespmem:$0x1FF30] =	vst v26;
	v26 =	vadd.f32 v59, v58;
	v58 =	vadd.f32 v28, v7  }
0x6e: {  	v30 =	vmul.f32 v35, v11;
	v59 =	vadd.f32 v62, v50;
	v39 =	vadd.f32 v29, v9  }
0x6f: {  	v36 =	vmul.f32 v27, v20;
	v34 =	vadd.f32 v34, v3;
	[tilespmem:$0x1FF40] =	vst v26;
	v26 =	vadd.f32 v58, v55  }
0x70: {  	v62 =	vmul.f32 v38, v22;
	v28 =	vadd.f32 v60, v5;
	v52 =	vadd.f32 v39, v30  }
0x71: {  	v39 =	vbroadcast v45, $0xB;
	v30 =	vmul.f32 v38, v16;
	[tilespmem:$0x1FF50] =	vst v26;
	v26 =	vadd.f32 v34, v51  }
0x72: {  	v29 =	vmul.f32 v38, v19;
	v60 =	vmul.f32 v38, v8  }
0x73: {  	v51 =	vadd.f32 v30, v15;
	[tilespmem:$0x1FF70] =	vst v26;
	v26 =	vadd.f32 v28, v61;
	v28 =	vmul.f32 v39, v17  }
0x74: {  	v33 =	vadd.f32 v62, v21;
	v58 =	vmul.f32 v38, v13;
	v50 =	vmul.f32 v39, v23  }
0x75: {  	v34 =	vadd.f32 v29, v18;
	v29 =	vmul.f32 v39, v20;
	[tilespmem:$0x1FF60] =	vst v26;
	v26 =	vadd.f32 v51, v28  }
0x76: {  	v62 =	vmul.f32 v39, v14;
	v30 =	vmul.f32 v38, v10;
	v55 =	vadd.f32 v33, v50  }
0x77: {  	v61 =	vadd.f32 v58, v12;
	v50 =	vmul.f32 v39, v2;
	[tilespmem:$0x1FF90] =	vst v26;
	v26 =	vadd.f32 v34, v29  }
0x78: {  	v33 =	vadd.f32 v30, v9;
	v51 =	vmul.f32 v39, v11;
	v28 =	vmul.f32 v38, v4  }
0x79: {  	v61 =	vadd.f32 v61, v62;
	v29 =	vmul.f32 v39, v1;
	[tilespmem:$0x1FF80] =	vst v26;
	v26 =	vbroadcast v44, $0xA  }
0x7a: {  	v34 =	vadd.f32 v60, v7;
	v60 =	vadd.f32 v33, v51;
	v39 =	vmul.f32 v39, v0  }
0x7b: {  	v28 =	vadd.f32 v28, v3;
	v51 =	vmul.f32 v26, v19;
	v38 =	vmul.f32 v26, v13  }
0x7c: {  	v30 =	vadd.f32 v34, v50;
	v29 =	vadd.f32 v42, v29;
	v58 =	vmul.f32 v26, v22  }
0x7d: {  	v34 =	vadd.f32 v51, v18;
	v51 =	vmul.f32 v27, v14;
	v33 =	vadd.f32 v38, v12  }
0x7e: {  	v62 =	vadd.f32 v28, v39;
	[tilespmem:$0x1FFB0] =	vst v29;
	v50 =	vmul.f32 v26, v16;
	v29 =	vadd.f32 v58, v21  }
0x7f: {  	v42 =	vmul.f32 v27, v2;
	v39 =	vmul.f32 v26, v8;
	v38 =	vadd.f32 v33, v51  }
0x80: {  	[tilespmem:s13+$0x3E0] =	vst v54;
	v58 =	vmul.f32 v27, v17;
	v28 =	vadd.f32 v50, v15;
	v54 =	vadd.f32 v29, v37  }
0x81: {  	v29 =	vadd.f32 v39, v7;
	v39 =	vmul.f32 v27, v0;
	[tilespmem:$0x1FFD0] =	vst v38;
	v38 =	vmul.f32 v27, v1;
	v27 =	vld [tilespmem:$0x1FE80];
	_ =	sdelay $0x1  }
0x82: {  	v50 =	vmul.f32 v26, v6;
	v37 =	vmul.f32 v26, v10;
	v51 =	vadd.f32 v28, v58  }
0x83: {  	v26 =	vmul.f32 v26, v4;
	v58 =	vadd.f32 v29, v42;
	v29 =	vbroadcast v44, $0x9  }
0x84: {  	[tilespmem:s13+$0xFFFFFC30] =	vst v31  }
0x85: {  	v33 =	vbroadcast v45, $0x9;
	v31 =	vmul.f32 v29, v19;
	[tilespmem:s13+$0x360] =	vst v27;
	v27 =	vadd.f32 v26, v3  }
0x86: {  	[tilespmem:s13+$0xFFFFFC10] =	vst v32;
	v34 =	vadd.f32 v34, v36;
	v32 =	vadd.f32 v50, v5  }
0x87: {  	v31 =	vadd.f32 v31, v18;
	v50 =	vadd.f32 v27, v39;
	v27 =	vmul.f32 v33, v20;
	_ =	sdelay $0x1  }
0x88: {  	[tilespmem:$0x1FFC0] =	vst v34;
	v34 =	vmul.f32 v29, v16;
	v27 =	vadd.f32 v31, v27  }
0x89: {  	[tilespmem:s13+$0x330] =	vst v53;
	v53 =	vadd.f32 v32, v38  }
0x8a: {  	v38 =	vmul.f32 v33, v17;
	v34 =	vadd.f32 v34, v15;
	[tilespmem:$0x1FFE0] =	vst v27;
	v27 =	vmul.f32 v29, v10;
	_ =	sdelay $0x1  }
0x8b: {  	[tilespmem:$0x1FFA0] =	vst v30;
	v30 =	vadd.f32 v34, v38;
	v38 =	vmul.f32 v33, v11;
	v27 =	vadd.f32 v27, v9;
	_ =	sdelay $0x1  }
0x8c: {  	v39 =	vadd.f32 v27, v38;
	v27 =	vld [tilespmem:$0x1FF10]  }
0x8d: {  	v26 =	vld [tilespmem:$0x1FE90]  }
0x8e: {  	v43 =	vld [tilespmem:$0x1FE60];
	v42 =	vmul.f32 v29, v22  }
0x8f: {  	v36 =	vld [tilespmem:$0x1FE50]  }
0x90: {  	[tilespmem:s13+$0x320] =	vst v41;
	v28 =	vadd.f32 v42, v21;
	v42 =	vld [tilespmem:$0x1FEC0]  }
0x91: {  	v37 =	vadd.f32 v37, v9;
	[tilespmem:s13+$0x2A0] =	vst v27;
	v27 =	vld [tilespmem:$0x1FF20]  }
0x92: {  	[tilespmem:s13+$0x350] =	vst v26;
	v26 =	vld [tilespmem:$0x1FEA0]  }
0x93: {  	[tilespmem:s13+$0x3F0] =	vst v43;
	v43 =	vadd.f32 v37, v40;
	v37 =	vmul.f32 v29, v13  }
0x94: {  	[tilespmem:s13+$0xFFFFFC20] =	vst v36  }
0x95: {  	v32 =	vmul.f32 v33, v23;
	v41 =	vadd.f32 v37, v12;
	v37 =	vmul.f32 v29, v8;
	[tilespmem:s13+$0x300] =	vst v42  }
0x96: {  	v34 =	vmul.f32 v33, v2;
	[tilespmem:s13+$0x280] =	vst v27;
	v27 =	vld [tilespmem:$0x1FF30]  }
0x97: {  	v36 =	vld [tilespmem:$0x1FE70];
	v42 =	vadd.f32 v28, v32;
	v28 =	vadd.f32 v37, v7;
	[tilespmem:s13+$0x340] =	vst v26;
	v26 =	vbroadcast v44, $0x8  }
0x98: {  	v40 =	vld [tilespmem:$0x1FEE0]  }
0x99: {  	[tilespmem:s13+$0x290] =	vst v56;
	v38 =	vadd.f32 v28, v34;
	v34 =	vbroadcast v45, $0x8;
	v56 =	vmul.f32 v26, v19;
	_ =	sdelay $0x1  }
0x9a: {  	v32 =	vmul.f32 v33, v14;
	v56 =	vadd.f32 v56, v18;
	[tilespmem:s13+$0x260] =	vst v27;
	v27 =	vmul.f32 v34, v20  }
0x9b: {  	[tilespmem:s13+$0x370] =	vst v36;
	v36 =	vld [tilespmem:$0x1FEB0]  }
0x9c: {  	[tilespmem:s13+$0x2D0] =	vst v40;
	v40 =	vadd.f32 v41, v32;
	v32 =	vadd.f32 v56, v27;
	v27 =	vld [tilespmem:$0x1FF50];
	_ =	sdelay $0x2  }
0x9d: {  	v41 =	vld [tilespmem:$0x1FEF0]  }
0x9e: {  	[tilespmem:s13+$0x310] =	vst v36;
	v36 =	vld [tilespmem:$0x1FED0]  }
0x9f: {  	[tilespmem:s13+$0x220] =	vst v27;
	v27 =	vld [tilespmem:$0x1FF60]  }
0xa0: {  	[tilespmem:$0x1FFF0] =	vst v30;
	v30 =	vmul.f32 v33, v0  }
0xa1: {  	[tilespmem:s13+$0x250] =	vst v59;
	v31 =	vmul.f32 v33, v1;
	v33 =	vmul.f32 v26, v22  }
0xa2: {  	[tilespmem:s13+$0x2C0] =	vst v41;
	v41 =	vmul.f32 v29, v6  }
0xa3: {  	[tilespmem:s13+$0x2E0] =	vst v36;
	v36 =	vmul.f32 v34, v23;
	v33 =	vadd.f32 v33, v21  }
0xa4: {  	v29 =	vmul.f32 v29, v4;
	v41 =	vadd.f32 v41, v5;
	[tilespmem:s13+$0x210] =	vst v27;
	v27 =	vld [tilespmem:$0x1FF70]  }
0xa5: {  	[tilespmem:s13+$0x120] =	vst v58;
	v58 =	vbroadcast v44, $0x5;
	v59 =	vmul.f32 v26, v13;
	v33 =	vadd.f32 v33, v36;
	v36 =	vld [tilespmem:$0x1FF40]  }
0xa6: {  	[tilespmem:s13+$0x2F0] =	vst v57;
	v29 =	vadd.f32 v29, v3;
	v37 =	vadd.f32 v41, v31;
	v31 =	vmul.f32 v26, v16  }
0xa7: {  	v57 =	vld [tilespmem:$0x1FF00];
	[tilespmem:s13+$0x270] =	vst v63;
	v63 =	vmul.f32 v34, v14;
	v28 =	vmul.f32 v26, v10  }
0xa8: {  	[tilespmem:s13+$0x230] =	vst v52;
	v35 =	vadd.f32 v29, v30;
	v41 =	vmul.f32 v34, v17;
	v30 =	vadd.f32 v31, v15  }
0xa9: {  	v52 =	vmul.f32 v34, v11;
	v28 =	vadd.f32 v28, v9;
	[tilespmem:s13+$0x200] =	vst v27;
	v27 =	vmul.f32 v26, v4  }
0xaa: {  	v29 =	vmul.f32 v34, v2;
	[tilespmem:s13+$0x240] =	vst v36;
	v36 =	vadd.f32 v30, v41;
	v41 =	vmul.f32 v26, v8  }
0xab: {  	[tilespmem:s13+$0x70] =	vst v33;
	v33 =	vbroadcast v45, $0x5;
	v30 =	vadd.f32 v28, v52;
	v28 =	vadd.f32 v27, v3;
	v27 =	vld [tilespmem:$0x1FF90]  }
0xac: {  	[tilespmem:s13+$0x2B0] =	vst v57;
	v52 =	vbroadcast v45, $0x7;
	v41 =	vadd.f32 v41, v7;
	v56 =	vadd.f32 v59, v12  }
0xad: {  	[tilespmem:s13+$0x1B0] =	vst v60;
	v60 =	vld [tilespmem:$0x1FFA0];
	v59 =	vmul.f32 v26, v6;
	v26 =	vbroadcast v44, $0x7  }
0xae: {  	[tilespmem:s13+$0x1C0] =	vst v61;
	v61 =	vmul.f32 v52, v23;
	v31 =	vadd.f32 v41, v29;
	v56 =	vadd.f32 v56, v63  }
0xaf: {  	[tilespmem:s13+$0x1F0] =	vst v55;
	v57 =	vld [tilespmem:$0x1FF80];
	v63 =	vmul.f32 v34, v1;
	v59 =	vadd.f32 v59, v5;
	v41 =	vmul.f32 v26, v19  }
0xb0: {  	v34 =	vmul.f32 v34, v0;
	[tilespmem:s13+$0x1D0] =	vst v27;
	v27 =	vmul.f32 v26, v13  }
0xb1: {  	[tilespmem:s13+$0x180] =	vst v62;
	v55 =	vadd.f32 v59, v63;
	v63 =	vmul.f32 v52, v20;
	v41 =	vadd.f32 v41, v18  }
0xb2: {  	[tilespmem:s13+$0x1A0] =	vst v60;
	v60 =	vmul.f32 v52, v14;
	v59 =	vmul.f32 v26, v22;
	v27 =	vadd.f32 v27, v12  }
0xb3: {  	[tilespmem:s13+$0x170] =	vst v54;
	v54 =	vmul.f32 v52, v11;
	v28 =	vadd.f32 v28, v34;
	v41 =	vadd.f32 v41, v63;
	v63 =	vld [tilespmem:$0x1FFB0]  }
0xb4: {  	[tilespmem:s13+$0x1E0] =	vst v57;
	v34 =	vmul.f32 v26, v16;
	v59 =	vadd.f32 v59, v21;
	v29 =	vadd.f32 v27, v60;
	v27 =	vld [tilespmem:$0x1FFC0]  }
0xb5: {  	[tilespmem:s13+$0x10] =	vst v55;
	v55 =	vmul.f32 v33, v11;
	v57 =	vmul.f32 v26, v8  }
0xb6: {  	[tilespmem:s13+$0x150] =	vst v51;
	v59 =	vadd.f32 v59, v61;
	v61 =	vmul.f32 v52, v17;
	v34 =	vadd.f32 v34, v15  }
0xb7: {  	v62 =	vmul.f32 v26, v10;
	[tilespmem:s13+$0x0] =	vst v28;
	v28 =	vmul.f32 v58, v6  }
0xb8: {  	v34 =	vadd.f32 v34, v61;
	v61 =	vmul.f32 v52, v2;
	[tilespmem:s13+$0x190] =	vst v63;
	v60 =	vadd.f32 v57, v7  }
0xb9: {  	v63 =	vmul.f32 v26, v6;
	v26 =	vmul.f32 v26, v4;
	[tilespmem:s13+$0x160] =	vst v27;
	v27 =	vld [tilespmem:$0x1FFD0]  }
0xba: {  	[tilespmem:s13+$0x130] =	vst v43;
	v57 =	vadd.f32 v62, v9;
	v60 =	vadd.f32 v60, v61;
	v61 =	vbroadcast v44, $0x6  }
0xbb: {  	[tilespmem:s13+$0x110] =	vst v53;
	v28 =	vadd.f32 v28, v5;
	v62 =	vmul.f32 v52, v1;
	v52 =	vmul.f32 v52, v0  }
0xbc: {  	[tilespmem:s13+$0x100] =	vst v50;
	v26 =	vadd.f32 v26, v3;
	v43 =	vadd.f32 v57, v54;
	v57 =	vmul.f32 v61, v19  }
0xbd: {  	[tilespmem:s13+$0xFFFFFFD0] =	vst v34;
	v34 =	vbroadcast v45, $0x4;
	v51 =	vadd.f32 v63, v5;
	v54 =	vbroadcast v45, $0x6  }
0xbe: {  	v63 =	vmul.f32 v61, v22;
	[tilespmem:s13+$0x140] =	vst v27;
	v27 =	vadd.f32 v26, v52;
	v52 =	vadd.f32 v57, v18;
	v57 =	vld [tilespmem:$0x1FFE0]  }
0xbf: {  	[tilespmem:s13+$0xF0] =	vst v42;
	v51 =	vadd.f32 v51, v62;
	v53 =	vmul.f32 v54, v23;
	v42 =	vmul.f32 v61, v13  }
0xc0: {  	[tilespmem:s13+$0xC0] =	vst v40;
	v50 =	vmul.f32 v61, v16;
	v40 =	vmul.f32 v61, v8;
	v63 =	vadd.f32 v63, v21  }
0xc1: {  	[tilespmem:s13+$0xB0] =	vst v39;
	v62 =	vmul.f32 v54, v20;
	v39 =	vmul.f32 v54, v2;
	v42 =	vadd.f32 v42, v12  }
0xc2: {  	[tilespmem:s13+$0xA0] =	vst v38;
	v40 =	vadd.f32 v40, v7;
	v53 =	vadd.f32 v63, v53;
	v63 =	vmul.f32 v54, v14  }
0xc3: {  	v38 =	vmul.f32 v61, v6;
	v50 =	vadd.f32 v50, v15;
	v26 =	vmul.f32 v54, v17;
	[tilespmem:s13+$0xE0] =	vst v57;
	v57 =	vld [tilespmem:$0x1FFF0]  }
0xc4: {  	[tilespmem:s13+$0xFFFFFFA0] =	vst v60;
	v60 =	vmul.f32 v34, v14;
	v39 =	vadd.f32 v40, v39;
	v42 =	vadd.f32 v42, v63  }
0xc5: {  	[tilespmem:s13+$0x80] =	vst v35;
	v40 =	vmul.f32 v33, v14;
	v63 =	vmul.f32 v58, v22;
	v26 =	vadd.f32 v50, v26  }
0xc6: {  	v52 =	vadd.f32 v52, v62;
	v62 =	vmul.f32 v61, v10;
	v50 =	vmul.f32 v54, v11;
	[tilespmem:s13+$0xFFFFFF40] =	vst v42  }
0xc7: {  	v61 =	vmul.f32 v61, v4;
	v35 =	vadd.f32 v63, v21;
	v63 =	vmul.f32 v33, v20;
	[tilespmem:s13+$0xFFFFFF50] =	vst v26  }
0xc8: {  	v42 =	vbroadcast v44, $0x2;
	v26 =	vmul.f32 v34, v11;
	[tilespmem:s13+$0xD0] =	vst v57;
	v57 =	vadd.f32 v62, v9  }
0xc9: {  	[tilespmem:s13+$0x90] =	vst v37;
	v38 =	vadd.f32 v38, v5;
	v62 =	vmul.f32 v54, v1;
	v54 =	vmul.f32 v54, v0  }
0xca: {  	[tilespmem:s13+$0x60] =	vst v32;
	v37 =	vadd.f32 v57, v50;
	v57 =	vmul.f32 v58, v19;
	v50 =	vadd.f32 v61, v3  }
0xcb: {  	[tilespmem:s13+$0xFFFFFF60] =	vst v52;
	v52 =	vmul.f32 v42, v8;
	v32 =	vadd.f32 v38, v62;
	v61 =	vmul.f32 v58, v16  }
0xcc: {  	[tilespmem:s13+$0x50] =	vst v36;
	v62 =	vmul.f32 v33, v23;
	v36 =	vadd.f32 v57, v18;
	v50 =	vadd.f32 v50, v54  }
0xcd: {  	v38 =	vadd.f32 v61, v15;
	v54 =	vmul.f32 v33, v17;
	v61 =	vmul.f32 v58, v13  }
0xce: {  	[tilespmem:s13+$0x30] =	vst v30;
	v35 =	vadd.f32 v35, v62;
	v62 =	vmul.f32 v58, v10;
	v57 =	vbroadcast v44, $0x4  }
0xcf: {  	[tilespmem:s13+$0xFFFFFF30] =	vst v37;
	v37 =	vbroadcast v45, $0x3;
	v38 =	vadd.f32 v38, v54;
	v36 =	vadd.f32 v36, v63  }
0xd0: {  	[tilespmem:s13+$0x20] =	vst v31;
	v63 =	vmul.f32 v58, v8;
	v30 =	vadd.f32 v61, v12;
	v61 =	vmul.f32 v33, v2  }
0xd1: {  	[tilespmem:s13+$0x40] =	vst v56;
	v31 =	vadd.f32 v62, v9;
	v62 =	vmul.f32 v33, v1;
	v33 =	vmul.f32 v33, v0  }
0xd2: {  	[tilespmem:s13+$0xFFFFFFF0] =	vst v59;
	v59 =	vmul.f32 v57, v19;
	v56 =	vmul.f32 v57, v8;
	v30 =	vadd.f32 v30, v40  }
0xd3: {  	v54 =	vadd.f32 v63, v7;
	v63 =	vmul.f32 v58, v4;
	v31 =	vadd.f32 v31, v55  }
0xd4: {  	[tilespmem:s13+$0xFFFFFFE0] =	vst v41;
	v28 =	vadd.f32 v28, v62;
	v40 =	vmul.f32 v57, v22;
	v62 =	vmul.f32 v34, v23  }
0xd5: {  	[tilespmem:s13+$0xFFFFFF90] =	vst v51;
	v58 =	vmul.f32 v34, v2;
	v51 =	vadd.f32 v56, v7;
	v55 =	vmul.f32 v42, v16  }
0xd6: {  	[tilespmem:s13+$0xFFFFFFC0] =	vst v29;
	v29 =	vadd.f32 v54, v61;
	v41 =	vadd.f32 v63, v3;
	v61 =	vmul.f32 v34, v20  }
0xd7: {  	v54 =	vadd.f32 v59, v18;
	v63 =	vmul.f32 v57, v13;
	v40 =	vadd.f32 v40, v21  }
0xd8: {  	[tilespmem:s13+$0xFFFFFF20] =	vst v39;
	v59 =	vmul.f32 v57, v16;
	v39 =	vadd.f32 v51, v58;
	v33 =	vadd.f32 v41, v33  }
0xd9: {  	[tilespmem:s13+$0xFFFFFF80] =	vst v27;
	v51 =	vbroadcast v44, $0x3;
	v27 =	vadd.f32 v54, v61;
	v61 =	vadd.f32 v63, v12  }
0xda: {  	v40 =	vadd.f32 v40, v62;
	v62 =	vmul.f32 v34, v17;
	v63 =	vmul.f32 v57, v10  }
0xdb: {  	[tilespmem:s13+$0xFFFFFFB0] =	vst v43;
	v41 =	vadd.f32 v59, v15;
	v59 =	vmul.f32 v57, v6;
	v58 =	vmul.f32 v51, v19  }
0xdc: {  	[tilespmem:s13+$0xFFFFFF70] =	vst v53;
	v53 =	vmul.f32 v51, v4;
	v54 =	vmul.f32 v42, v19  }
0xdd: {  	[tilespmem:s13+$0xFFFFFF10] =	vst v32;
	v43 =	vadd.f32 v61, v60;
	v41 =	vadd.f32 v41, v62;
	v60 =	vmul.f32 v57, v4  }
0xde: {  	[tilespmem:s13+$0xFFFFFF00] =	vst v50;
	v61 =	vadd.f32 v63, v9;
	v62 =	vmul.f32 v34, v1;
	v34 =	vmul.f32 v34, v0  }
0xdf: {  	[tilespmem:s13+$0xFFFFFEF0] =	vst v35;
	v56 =	vadd.f32 v59, v5;
	v57 =	vmul.f32 v51, v22;
	v59 =	vmul.f32 v37, v23  }
0xe0: {  	v35 =	vadd.f32 v58, v18;
	v58 =	vmul.f32 v51, v10;
	[tilespmem:s13+$0xFFFFFE60] =	vst v27;
	v27 =	vmul.f32 v42, v22  }
0xe1: {  	[tilespmem:s13+$0xFFFFFE70] =	vst v40;
	v40 =	vadd.f32 v53, v3;
	v53 =	vmul.f32 v42, v6;
	v63 =	vadd.f32 v60, v3  }
0xe2: {  	[tilespmem:s13+$0xFFFFFEE0] =	vst v36;
	v26 =	vadd.f32 v61, v26;
	v32 =	vadd.f32 v56, v62;
	v60 =	vmul.f32 v51, v16  }
0xe3: {  	[tilespmem:s13+$0xFFFFFED0] =	vst v38;
	v61 =	vmul.f32 v37, v20;
	v50 =	vadd.f32 v57, v21;
	v62 =	vmul.f32 v51, v13  }
0xe4: {  	v57 =	vmul.f32 v37, v14;
	[tilespmem:s13+$0xFFFFFE50] =	vst v41;
	v27 =	vadd.f32 v27, v21;
	v41 =	vbroadcast v44, $0x1  }
0xe5: {  	[tilespmem:s13+$0xFFFFFEC0] =	vst v30;
	v34 =	vadd.f32 v63, v34;
	v63 =	vmul.f32 v37, v17;
	v30 =	vadd.f32 v50, v59  }
0xe6: {  	[tilespmem:s13+$0xFFFFFEB0] =	vst v31;
	v36 =	vadd.f32 v60, v15;
	v31 =	vadd.f32 v35, v61;
	v59 =	vmul.f32 v51, v8  }
0xe7: {  	[tilespmem:s13+$0xFFFFFE90] =	vst v28;
	v38 =	vadd.f32 v62, v12;
	v60 =	vmul.f32 v37, v11;
	v61 =	vmul.f32 v37, v2  }
0xe8: {  	v35 =	vadd.f32 v58, v9;
	v62 =	vmul.f32 v51, v6;
	[tilespmem:s13+$0xFFFFFE30] =	vst v26;
	v26 =	vadd.f32 v54, v18  }
0xe9: {  	[tilespmem:s13+$0xFFFFFE40] =	vst v43;
	v43 =	vmul.f32 v41, v13;
	v36 =	vadd.f32 v36, v63;
	v38 =	vadd.f32 v38, v57  }
0xea: {  	[tilespmem:s13+$0xFFFFFEA0] =	vst v29;
	v63 =	vmul.f32 v37, v1;
	v29 =	vadd.f32 v59, v7;
	v35 =	vadd.f32 v35, v60  }
0xeb: {  	[tilespmem:s13+$0xFFFFFE80] =	vst v33;
	v37 =	vmul.f32 v37, v0;
	v33 =	vadd.f32 v62, v5;
	v57 =	vadd.f32 v55, v15  }
0xec: {  	[tilespmem:s13+$0xFFFFFE20] =	vst v39;
	v59 =	vmul.f32 v42, v13;
	v28 =	vadd.f32 v29, v61;
	v29 =	vbroadcast v45, $0x2  }
0xed: {  	[tilespmem:s13+$0xFFFFFE10] =	vst v32;
	v37 =	vadd.f32 v40, v37;
	v61 =	vmul.f32 v42, v10;
	v40 =	vbroadcast v45, $0x1  }
0xee: {  	[tilespmem:s13+$0xFFFFFE00] =	vst v34;
	v45 =	vadd.f32 v43, v12;
	v43 =	vmul.f32 v46, v17;
	v56 =	vmul.f32 v29, v23  }
0xef: {  	[tilespmem:s13+$0xFFFFFDE0] =	vst v31;
	v31 =	vadd.f32 v52, v7;
	v58 =	vmul.f32 v29, v17;
	v60 =	vmul.f32 v29, v20  }
0xf0: {  	[tilespmem:s13+$0xFFFFFDF0] =	vst v30;
	v33 =	vadd.f32 v33, v63;
	v62 =	vmul.f32 v29, v14;
	v50 =	vmul.f32 v29, v11  }
0xf1: {  	v63 =	vadd.f32 v59, v12;
	[tilespmem:s13+$0xFFFFFDD0] =	vst v36;
	v54 =	vmul.f32 v29, v2;
	v55 =	vmul.f32 v29, v1  }
0xf2: {  	[tilespmem:s13+$0xFFFFFDC0] =	vst v38;
	v51 =	vadd.f32 v61, v9;
	v29 =	vmul.f32 v29, v0;
	v61 =	vmul.f32 v41, v22  }
0xf3: {  	[tilespmem:s13+$0xFFFFFDB0] =	vst v35;
	v44 =	vmul.f32 v40, v14;
	v27 =	vadd.f32 v27, v56;
	v34 =	vadd.f32 v57, v58  }
0xf4: {  	[tilespmem:s13+$0xFFFFFDA0] =	vst v28;
	v52 =	vmul.f32 v40, v11;
	v26 =	vadd.f32 v26, v60;
	v39 =	vadd.f32 v63, v62  }
0xf5: {  	[tilespmem:s13+$0xFFFFFD90] =	vst v33;
	v30 =	vadd.f32 v51, v50;
	v56 =	vmul.f32 v42, v4;
	v57 =	vadd.f32 v53, v5  }
0xf6: {  	[tilespmem:s13+$0xFFFFFD80] =	vst v37;
	v58 =	vadd.f32 v31, v54;
	v60 =	vmul.f32 v41, v19;
	v62 =	vmul.f32 v40, v20  }
0xf7: {  	v63 =	vmul.f32 v40, v23;
	v33 =	vadd.f32 v61, v21;
	v50 =	vmul.f32 v41, v8;
	[tilespmem:s13+$0xFFFFFD70] =	vst v27  }
0xf8: {  	v51 =	vmul.f32 v41, v10;
	v53 =	vadd.f32 v45, v44;
	v54 =	vmul.f32 v40, v2;
	[tilespmem:s13+$0xFFFFFD60] =	vst v26  }
0xf9: {  	v61 =	vmul.f32 v47, v19;
	v44 =	vmul.f32 v47, v4;
	v59 =	vadd.f32 v56, v3;
	[tilespmem:s13+$0xFFFFFD50] =	vst v34  }
0xfa: {  	v45 =	vmul.f32 v48, v16;
	v32 =	vadd.f32 v57, v55;
	v42 =	vadd.f32 v60, v18;
	[tilespmem:s13+$0xFFFFFD40] =	vst v39  }
0xfb: {  	v27 =	vmul.f32 v41, v16;
	v26 =	vmul.f32 v40, v17;
	v33 =	vadd.f32 v33, v63;
	[tilespmem:s13+$0xFFFFFD30] =	vst v30  }
0xfc: {  	v55 =	vadd.f32 v50, v7;
	[tilespmem:s13+$0xFFFFFD20] =	vst v58;
	v56 =	vmul.f32 v41, v4;
	v57 =	vmul.f32 v41, v6  }
0xfd: {  	v58 =	vmul.f32 v40, v1;
	v60 =	vmul.f32 v47, v22;
	[tilespmem:s13+$0xFFFFFCC0] =	vst v53;
	v50 =	vadd.f32 v44, v3  }
0xfe: {  	v63 =	vmul.f32 v46, v20;
	v29 =	vadd.f32 v59, v29;
	v31 =	vadd.f32 v42, v62;
	[tilespmem:s13+$0xFFFFFD10] =	vst v32  }
0xff: {  	v41 =	vmul.f32 v47, v13;
	v27 =	vadd.f32 v27, v15;
	v34 =	vadd.f32 v55, v54;
	[tilespmem:s13+$0xFFFFFCF0] =	vst v33  }
0x100: {  	v59 =	vmul.f32 v40, v0;
	v28 =	vadd.f32 v56, v3;
	v32 =	vadd.f32 v57, v5;
	[tilespmem:s13+$0xFFFFFD00] =	vst v29  }
0x101: {  	v62 =	vmul.f32 v46, v23;
	v33 =	vadd.f32 v60, v21;
	v26 =	vadd.f32 v27, v26;
	[tilespmem:s13+$0xFFFFFCE0] =	vst v31  }
0x102: {  	v53 =	vmul.f32 v48, v10;
	v27 =	vadd.f32 v51, v9;
	v28 =	vadd.f32 v28, v59;
	[tilespmem:s13+$0xFFFFFCA0] =	vst v34  }
0x103: {  	v40 =	vadd.f32 v61, v18;
	v42 =	vmul.f32 v47, v16;
	v31 =	vadd.f32 v33, v62;
	[tilespmem:s13+$0xFFFFFCD0] =	vst v26  }
0x104: {  	v47 =	vmul.f32 v49, v17;
	v54 =	vmul.f32 v49, v14;
	v27 =	vadd.f32 v27, v52;
	[tilespmem:s13+$0xFFFFFC80] =	vst v28  }
0x105: {  	v57 =	vmul.f32 v48, v8;
	v30 =	vadd.f32 v42, v15;
	v26 =	vadd.f32 v32, v58;
	[tilespmem:s13+$0xFFFFFC70] =	vst v31  }
0x106: {  	v29 =	vadd.f32 v40, v63;
	v51 =	vmul.f32 v48, v13;
	v52 =	vadd.f32 v45, v15;
	[tilespmem:s13+$0xFFFFFCB0] =	vst v27  }
0x107: {  	v27 =	vmul.f32 v46, v14;
	[tilespmem:s13+$0xFFFFFC90] =	vst v26;
	v26 =	vmul.f32 v46, v0;
	v46 =	vadd.f32 v30, v43  }
0x108: {  	v32 =	vadd.f32 v41, v12;
	[tilespmem:s13+$0xFFFFFC60] =	vst v29;
	v58 =	vmul.f32 v48, v6;
	v56 =	vadd.f32 v52, v47  }
0x109: {  	v60 =	vmul.f32 v48, v4;
	v31 =	vadd.f32 v51, v12;
	v26 =	vadd.f32 v50, v26;
	[tilespmem:s13+$0xFFFFFC50] =	vst v46  }
0x10a: {  	v61 =	vmul.f32 v49, v1;
	v62 =	vadd.f32 v58, v5;
	v27 =	vadd.f32 v32, v27;
	[tilespmem:s13+$0x3D0] =	vst v56  }
0x10b: {  	v59 =	vmul.f32 v49, v2;
	v30 =	vadd.f32 v57, v7;
	[tilespmem:s13+$0xFFFFFC00] =	vst v26;
	v26 =	vadd.f32 v31, v54  }
0x10c: {  	v55 =	vmul.f32 v49, v11;
	v28 =	vadd.f32 v62, v61;
	[tilespmem:s13+$0xFFFFFC40] =	vst v27;
	v27 =	vadd.f32 v53, v9  }
0x10d: {  	v63 =	vmul.f32 v49, v0;
	v29 =	vadd.f32 v60, v3;
	[tilespmem:s13+$0x3C0] =	vst v26;
	v26 =	vadd.f32 v30, v59  }
0x10e: {  	[tilespmem:s13+$0x390] =	vst v28;
	v27 =	vadd.f32 v27, v55  }
0x10f: {  	[tilespmem:s13+$0x3A0] =	vst v26;
	v26 =	vadd.f32 v29, v63  }
0x110: {  	[tilespmem:s13+$0x3B0] =	vst v27  }
0x111: {  	s18 =	simm.s32 $0x10;
	s17 =	simm.s32 $0x80;
	s16 =	smov.u32 s13;
	[tilespmem:s13+$0x380] =	vst v26  }
.LBB2_3:
0x112: {  	p0 =	sne.s32 s17, $0x1C0;
	v26 =	vld.idx.msk [tilespmem:v24+s18+$0x0 ss:$0x1], $0xffff;
	_ =	sdelay $0x3  }
0x113: {  	v30 =	vld.idx.msk [tilespmem:v25+s18+$0x0 ss:$0x1], $0xffff;
	_ =	sdelay $0x1  }
0x114: {  	v31 =	vcvt.s32.f32 v26;
	_ =	sdelay $0x1  }
0x115: {  	v28 =	vbroadcast v31, $0x0;
	v26 =	vbroadcast v31, $0xF  }
0x116: {  	v32 =	vbroadcast v31, $0xD;
	v33 =	vbroadcast v31, $0xE  }
0x117: {  	v27 =	vbroadcast v30, $0xF;
	v34 =	vmul.f32 v26, v19  }
0x118: {  	v29 =	vbroadcast v30, $0x0;
	v35 =	vmul.f32 v28, v10  }
0x119: {  	v36 =	vmul.f32 v28, v8;
	v34 =	vadd.f32 v34, v18;
	v37 =	vmul.f32 v27, v20  }
0x11a: {  	v38 =	vmul.f32 v29, v2;
	v35 =	vadd.f32 v35, v9;
	v39 =	vmul.f32 v29, v11  }
0x11b: {  	v40 =	vmul.f32 v28, v6;
	v36 =	vadd.f32 v36, v7;
	v34 =	vadd.f32 v34, v37  }
0x11c: {  	s16 =	sadd.s32 $0x800, s16;
	v37 =	vmul.f32 v29, v1;
	v35 =	vadd.f32 v35, v39;
	v39 =	vmul.f32 v33, v22  }
0x11d: {  	v40 =	vadd.f32 v40, v5;
	v36 =	vadd.f32 v36, v38;
	[tilespmem:s16+$0x3E0] =	vst v34;
	v34 =	vmul.f32 v26, v22  }
0x11e: {  	v38 =	vadd.f32 v39, v21;
	v39 =	vmul.f32 v27, v23;
	[tilespmem:s16+$0xFFFFFC30] =	vst v35;
	v35 =	vbroadcast v30, $0xE  }
0x11f: {  	v37 =	vadd.f32 v40, v37;
	[tilespmem:s16+$0xFFFFFC20] =	vst v36;
	v36 =	vmul.f32 v33, v19;
	v34 =	vadd.f32 v34, v21  }
0x120: {  	v40 =	vmul.f32 v35, v20;
	v41 =	vmul.f32 v35, v23  }
0x121: {  	[tilespmem:s16+$0xFFFFFC10] =	vst v37;
	v37 =	vmul.f32 v33, v16;
	v36 =	vadd.f32 v36, v18;
	v34 =	vadd.f32 v34, v39  }
0x122: {  	v42 =	vmul.f32 v35, v17;
	v39 =	vmul.f32 v33, v13;
	v38 =	vadd.f32 v38, v41  }
0x123: {  	v41 =	vmul.f32 v35, v14;
	v37 =	vadd.f32 v37, v15;
	v36 =	vadd.f32 v36, v40;
	[tilespmem:s16+$0x3F0] =	vst v34  }
0x124: {  	v34 =	vmul.f32 v33, v10;
	v40 =	vmul.f32 v35, v11;
	v39 =	vadd.f32 v39, v12;
	[tilespmem:s16+$0x370] =	vst v38  }
0x125: {  	v43 =	vmul.f32 v35, v2;
	v38 =	vmul.f32 v33, v8;
	v37 =	vadd.f32 v37, v42;
	[tilespmem:s16+$0x360] =	vst v36  }
0x126: {  	v36 =	vmul.f32 v33, v6;
	v34 =	vadd.f32 v34, v9;
	v39 =	vadd.f32 v39, v41  }
0x127: {  	v33 =	vmul.f32 v33, v4;
	v41 =	vmul.f32 v35, v1;
	v38 =	vadd.f32 v38, v7;
	[tilespmem:s16+$0x350] =	vst v37  }
0x128: {  	v35 =	vmul.f32 v35, v0;
	v36 =	vadd.f32 v36, v5;
	v34 =	vadd.f32 v34, v40;
	[tilespmem:s16+$0x340] =	vst v39  }
0x129: {  	v37 =	vmul.f32 v32, v22;
	v33 =	vadd.f32 v33, v3;
	v38 =	vadd.f32 v38, v43  }
0x12a: {  	v40 =	vmul.f32 v32, v19;
	v39 =	vbroadcast v30, $0xD;
	v36 =	vadd.f32 v36, v41;
	[tilespmem:s16+$0x330] =	vst v34  }
0x12b: {  	v37 =	vadd.f32 v37, v21;
	v33 =	vadd.f32 v33, v35;
	v34 =	vmul.f32 v32, v16;
	[tilespmem:s16+$0x320] =	vst v38  }
0x12c: {  	v35 =	vadd.f32 v40, v18;
	v40 =	vmul.f32 v39, v23;
	v38 =	vmul.f32 v39, v20;
	[tilespmem:s16+$0x310] =	vst v36  }
0x12d: {  	v41 =	vmul.f32 v39, v17;
	v36 =	vmul.f32 v32, v13;
	v34 =	vadd.f32 v34, v15;
	[tilespmem:s16+$0x300] =	vst v33  }
0x12e: {  	v37 =	vadd.f32 v37, v40;
	v33 =	vmul.f32 v39, v14;
	v35 =	vadd.f32 v35, v38  }
0x12f: {  	v38 =	vmul.f32 v32, v10;
	v36 =	vadd.f32 v36, v12;
	v34 =	vadd.f32 v34, v41  }
0x130: {  	v40 =	vmul.f32 v32, v8;
	v41 =	vmul.f32 v39, v11;
	[tilespmem:s16+$0x2F0] =	vst v37  }
0x131: {  	v38 =	vadd.f32 v38, v9;
	v37 =	vmul.f32 v39, v2;
	v33 =	vadd.f32 v36, v33;
	[tilespmem:s16+$0x2E0] =	vst v35  }
0x132: {  	v40 =	vadd.f32 v40, v7;
	v36 =	vmul.f32 v39, v1;
	v35 =	vmul.f32 v32, v6;
	[tilespmem:s16+$0x2D0] =	vst v34  }
0x133: {  	v32 =	vmul.f32 v32, v4;
	v38 =	vadd.f32 v38, v41;
	v34 =	vmul.f32 v39, v0;
	[tilespmem:s16+$0x2C0] =	vst v33  }
0x134: {  	v37 =	vadd.f32 v40, v37;
	v33 =	vbroadcast v31, $0xC;
	v35 =	vadd.f32 v35, v5  }
0x135: {  	v39 =	vbroadcast v31, $0xB;
	v40 =	vbroadcast v30, $0xC;
	v32 =	vadd.f32 v32, v3;
	[tilespmem:s16+$0x2B0] =	vst v38  }
0x136: {  	v38 =	vmul.f32 v33, v19;
	v41 =	vmul.f32 v33, v22;
	v35 =	vadd.f32 v35, v36;
	[tilespmem:s16+$0x2A0] =	vst v37  }
0x137: {  	v36 =	vmul.f32 v40, v20;
	v32 =	vadd.f32 v32, v34;
	v37 =	vmul.f32 v40, v23  }
0x138: {  	v34 =	vmul.f32 v33, v16;
	v38 =	vadd.f32 v38, v18;
	v41 =	vadd.f32 v41, v21;
	[tilespmem:s16+$0x290] =	vst v35  }
0x139: {  	v42 =	vmul.f32 v40, v17;
	v35 =	vmul.f32 v33, v13;
	[tilespmem:s16+$0x280] =	vst v32  }
0x13a: {  	v32 =	vmul.f32 v40, v14;
	v36 =	vadd.f32 v38, v36;
	v37 =	vadd.f32 v41, v37  }
0x13b: {  	v34 =	vadd.f32 v34, v15;
	v38 =	vmul.f32 v33, v10;
	v35 =	vadd.f32 v35, v12  }
0x13c: {  	v43 =	vmul.f32 v40, v11;
	v41 =	vmul.f32 v33, v8;
	[tilespmem:s16+$0x270] =	vst v37  }
0x13d: {  	v34 =	vadd.f32 v34, v42;
	v37 =	vmul.f32 v40, v2;
	v32 =	vadd.f32 v35, v32;
	[tilespmem:s16+$0x260] =	vst v36  }
0x13e: {  	v38 =	vadd.f32 v38, v9;
	v35 =	vmul.f32 v33, v6;
	v36 =	vadd.f32 v41, v7  }
0x13f: {  	v33 =	vmul.f32 v33, v4;
	v41 =	vmul.f32 v40, v1;
	[tilespmem:s16+$0x250] =	vst v34  }
0x140: {  	v34 =	vmul.f32 v40, v0;
	v36 =	vadd.f32 v36, v37;
	v37 =	vadd.f32 v38, v43;
	[tilespmem:s16+$0x240] =	vst v32  }
0x141: {  	v33 =	vadd.f32 v33, v3;
	v35 =	vadd.f32 v35, v5;
	v32 =	vmul.f32 v39, v22  }
0x142: {  	v38 =	vbroadcast v30, $0xB;
	v40 =	vmul.f32 v39, v19;
	[tilespmem:s16+$0x230] =	vst v37  }
0x143: {  	v33 =	vadd.f32 v33, v34;
	v34 =	vadd.f32 v35, v41;
	v37 =	vmul.f32 v39, v16;
	[tilespmem:s16+$0x220] =	vst v36  }
0x144: {  	v35 =	vadd.f32 v40, v18;
	v32 =	vadd.f32 v32, v21;
	v36 =	vmul.f32 v38, v23  }
0x145: {  	v40 =	vmul.f32 v38, v17;
	v41 =	vmul.f32 v38, v20;
	v37 =	vadd.f32 v37, v15;
	[tilespmem:s16+$0x210] =	vst v34  }
0x146: {  	v42 =	vmul.f32 v38, v14;
	v34 =	vmul.f32 v39, v13;
	v32 =	vadd.f32 v32, v36;
	[tilespmem:s16+$0x200] =	vst v33  }
0x147: {  	v35 =	vadd.f32 v35, v41;
	v33 =	vmul.f32 v39, v10;
	v36 =	vadd.f32 v37, v40  }
0x148: {  	v37 =	vmul.f32 v39, v8;
	v40 =	vmul.f32 v38, v11;
	v34 =	vadd.f32 v34, v12;
	[tilespmem:s16+$0x1F0] =	vst v32  }
0x149: {  	v41 =	vmul.f32 v38, v2;
	v32 =	vmul.f32 v39, v6;
	v33 =	vadd.f32 v33, v9;
	[tilespmem:s16+$0x1E0] =	vst v35  }
0x14a: {  	v37 =	vadd.f32 v37, v7;
	v35 =	vmul.f32 v38, v1;
	v34 =	vadd.f32 v34, v42;
	[tilespmem:s16+$0x1D0] =	vst v36  }
0x14b: {  	v36 =	vmul.f32 v39, v4;
	v32 =	vadd.f32 v32, v5;
	v33 =	vadd.f32 v33, v40  }
0x14c: {  	v38 =	vmul.f32 v38, v0;
	v39 =	vbroadcast v31, $0xA;
	v37 =	vadd.f32 v37, v41;
	[tilespmem:s16+$0x1C0] =	vst v34  }
0x14d: {  	v34 =	vbroadcast v30, $0xA;
	v36 =	vadd.f32 v36, v3;
	v32 =	vadd.f32 v32, v35;
	[tilespmem:s16+$0x1B0] =	vst v33  }
0x14e: {  	v35 =	vmul.f32 v39, v22;
	v33 =	vmul.f32 v39, v19;
	[tilespmem:s16+$0x1A0] =	vst v37  }
0x14f: {  	v37 =	vmul.f32 v34, v20;
	v40 =	vmul.f32 v34, v23;
	v36 =	vadd.f32 v36, v38;
	[tilespmem:s16+$0x190] =	vst v32  }
0x150: {  	v35 =	vadd.f32 v35, v21;
	v32 =	vmul.f32 v39, v16;
	v33 =	vadd.f32 v33, v18  }
0x151: {  	v38 =	vmul.f32 v39, v13;
	v41 =	vmul.f32 v34, v17;
	[tilespmem:s16+$0x180] =	vst v36  }
0x152: {  	v35 =	vadd.f32 v35, v40;
	v36 =	vmul.f32 v34, v14;
	v33 =	vadd.f32 v33, v37  }
0x153: {  	v38 =	vadd.f32 v38, v12;
	v37 =	vmul.f32 v39, v10;
	v32 =	vadd.f32 v32, v15  }
0x154: {  	v42 =	vmul.f32 v34, v11;
	v40 =	vmul.f32 v39, v8;
	[tilespmem:s16+$0x170] =	vst v35  }
0x155: {  	v36 =	vadd.f32 v38, v36;
	v32 =	vadd.f32 v32, v41;
	v35 =	vmul.f32 v34, v2;
	[tilespmem:s16+$0x160] =	vst v33  }
0x156: {  	v38 =	vadd.f32 v40, v7;
	v37 =	vadd.f32 v37, v9;
	v33 =	vmul.f32 v39, v6  }
0x157: {  	v40 =	vmul.f32 v34, v1;
	v39 =	vmul.f32 v39, v4;
	[tilespmem:s16+$0x150] =	vst v32  }
0x158: {  	v32 =	vmul.f32 v34, v0;
	v34 =	vadd.f32 v38, v35;
	v35 =	vadd.f32 v37, v42;
	[tilespmem:s16+$0x140] =	vst v36  }
0x159: {  	v37 =	vadd.f32 v39, v3;
	v33 =	vadd.f32 v33, v5;
	v36 =	vbroadcast v31, $0x9  }
0x15a: {  	v38 =	vbroadcast v31, $0x8;
	v39 =	vbroadcast v30, $0x9;
	[tilespmem:s16+$0x130] =	vst v35  }
0x15b: {  	v32 =	vadd.f32 v37, v32;
	v33 =	vadd.f32 v33, v40;
	v35 =	vmul.f32 v36, v22;
	[tilespmem:s16+$0x120] =	vst v34  }
0x15c: {  	v37 =	vmul.f32 v39, v23;
	v34 =	vmul.f32 v36, v19  }
0x15d: {  	v41 =	vmul.f32 v39, v20;
	v40 =	vmul.f32 v36, v16;
	v35 =	vadd.f32 v35, v21;
	[tilespmem:s16+$0x110] =	vst v33  }
0x15e: {  	v42 =	vmul.f32 v39, v17;
	v33 =	vmul.f32 v36, v13;
	v34 =	vadd.f32 v34, v18;
	[tilespmem:s16+$0x100] =	vst v32  }
0x15f: {  	v40 =	vadd.f32 v40, v15;
	v32 =	vmul.f32 v39, v14;
	v35 =	vadd.f32 v35, v37  }
0x160: {  	v37 =	vmul.f32 v36, v10;
	v33 =	vadd.f32 v33, v12;
	v34 =	vadd.f32 v34, v41  }
0x161: {  	v43 =	vmul.f32 v39, v11;
	v40 =	vadd.f32 v40, v42;
	v41 =	vmul.f32 v36, v8;
	[tilespmem:s16+$0xF0] =	vst v35  }
0x162: {  	v37 =	vadd.f32 v37, v9;
	v35 =	vmul.f32 v39, v2;
	v32 =	vadd.f32 v33, v32;
	[tilespmem:s16+$0xE0] =	vst v34  }
0x163: {  	v33 =	vmul.f32 v36, v6;
	v41 =	vadd.f32 v41, v7;
	v34 =	vmul.f32 v39, v1;
	[tilespmem:s16+$0xD0] =	vst v40  }
0x164: {  	v36 =	vmul.f32 v36, v4;
	v39 =	vmul.f32 v39, v0;
	v37 =	vadd.f32 v37, v43;
	[tilespmem:s16+$0xC0] =	vst v32  }
0x165: {  	v33 =	vadd.f32 v33, v5;
	v35 =	vadd.f32 v41, v35;
	v32 =	vmul.f32 v38, v22  }
0x166: {  	v40 =	vbroadcast v30, $0x8;
	v41 =	vmul.f32 v38, v19;
	v36 =	vadd.f32 v36, v3;
	[tilespmem:s16+$0xB0] =	vst v37  }
0x167: {  	v33 =	vadd.f32 v33, v34;
	v37 =	vmul.f32 v38, v16;
	v32 =	vadd.f32 v32, v21;
	[tilespmem:s16+$0xA0] =	vst v35  }
0x168: {  	v34 =	vadd.f32 v41, v18;
	v36 =	vadd.f32 v36, v39;
	v35 =	vmul.f32 v40, v23  }
0x169: {  	v39 =	vmul.f32 v40, v17;
	v41 =	vmul.f32 v40, v20;
	v37 =	vadd.f32 v37, v15;
	[tilespmem:s16+$0x90] =	vst v33  }
0x16a: {  	v42 =	vmul.f32 v40, v14;
	v33 =	vmul.f32 v38, v13;
	v32 =	vadd.f32 v32, v35;
	[tilespmem:s16+$0x80] =	vst v36  }
0x16b: {  	v34 =	vadd.f32 v34, v41;
	v35 =	vmul.f32 v38, v10;
	v36 =	vadd.f32 v37, v39  }
0x16c: {  	v37 =	vmul.f32 v38, v8;
	v39 =	vmul.f32 v40, v11;
	v33 =	vadd.f32 v33, v12;
	[tilespmem:s16+$0x70] =	vst v32  }
0x16d: {  	v41 =	vmul.f32 v40, v2;
	v35 =	vadd.f32 v35, v9;
	v32 =	vmul.f32 v38, v6;
	[tilespmem:s16+$0x60] =	vst v34  }
0x16e: {  	v37 =	vadd.f32 v37, v7;
	v34 =	vmul.f32 v40, v1;
	v33 =	vadd.f32 v33, v42;
	[tilespmem:s16+$0x50] =	vst v36  }
0x16f: {  	v35 =	vadd.f32 v35, v39;
	v36 =	vmul.f32 v38, v4;
	v32 =	vadd.f32 v32, v5  }
0x170: {  	v39 =	vmul.f32 v40, v0;
	v38 =	vbroadcast v31, $0x7;
	v37 =	vadd.f32 v37, v41;
	[tilespmem:s16+$0x40] =	vst v33  }
0x171: {  	v33 =	vbroadcast v30, $0x7;
	v36 =	vadd.f32 v36, v3;
	v32 =	vadd.f32 v32, v34;
	[tilespmem:s16+$0x30] =	vst v35  }
0x172: {  	v34 =	vmul.f32 v38, v19;
	v35 =	vmul.f32 v38, v22;
	[tilespmem:s16+$0x20] =	vst v37  }
0x173: {  	v37 =	vmul.f32 v33, v20;
	v40 =	vmul.f32 v33, v23;
	v36 =	vadd.f32 v36, v39;
	[tilespmem:s16+$0x10] =	vst v32  }
0x174: {  	v34 =	vadd.f32 v34, v18;
	v32 =	vmul.f32 v38, v16;
	v35 =	vadd.f32 v35, v21  }
0x175: {  	v39 =	vmul.f32 v38, v13;
	v41 =	vmul.f32 v33, v17;
	[tilespmem:s16+$0x0] =	vst v36  }
0x176: {  	v34 =	vadd.f32 v34, v37;
	v36 =	vmul.f32 v33, v14;
	v35 =	vadd.f32 v35, v40  }
0x177: {  	v37 =	vmul.f32 v38, v10;
	v39 =	vadd.f32 v39, v12;
	v32 =	vadd.f32 v32, v15  }
0x178: {  	v42 =	vmul.f32 v33, v11;
	v40 =	vmul.f32 v38, v8;
	[tilespmem:s16+$0xFFFFFFF0] =	vst v35  }
0x179: {  	v36 =	vadd.f32 v39, v36;
	v32 =	vadd.f32 v32, v41;
	v35 =	vmul.f32 v33, v2;
	[tilespmem:s16+$0xFFFFFFE0] =	vst v34  }
0x17a: {  	v37 =	vadd.f32 v37, v9;
	v39 =	vadd.f32 v40, v7;
	v34 =	vmul.f32 v38, v6  }
0x17b: {  	v40 =	vmul.f32 v33, v1;
	v38 =	vmul.f32 v38, v4;
	[tilespmem:s16+$0xFFFFFFD0] =	vst v32  }
0x17c: {  	v32 =	vmul.f32 v33, v0;
	v33 =	vadd.f32 v39, v35;
	v35 =	vadd.f32 v37, v42;
	[tilespmem:s16+$0xFFFFFFC0] =	vst v36  }
0x17d: {  	v37 =	vadd.f32 v38, v3;
	v34 =	vadd.f32 v34, v5;
	v36 =	vbroadcast v31, $0x6  }
0x17e: {  	v38 =	vbroadcast v31, $0x5;
	v39 =	vbroadcast v30, $0x6;
	[tilespmem:s16+$0xFFFFFFB0] =	vst v35  }
0x17f: {  	v32 =	vadd.f32 v37, v32;
	v34 =	vadd.f32 v34, v40;
	v35 =	vmul.f32 v36, v22;
	[tilespmem:s16+$0xFFFFFFA0] =	vst v33  }
0x180: {  	v37 =	vmul.f32 v39, v23;
	v33 =	vmul.f32 v36, v19  }
0x181: {  	v41 =	vmul.f32 v39, v20;
	v40 =	vmul.f32 v36, v16;
	v35 =	vadd.f32 v35, v21;
	[tilespmem:s16+$0xFFFFFF90] =	vst v34  }
0x182: {  	v42 =	vmul.f32 v39, v17;
	v34 =	vmul.f32 v36, v13;
	v33 =	vadd.f32 v33, v18;
	[tilespmem:s16+$0xFFFFFF80] =	vst v32  }
0x183: {  	v40 =	vadd.f32 v40, v15;
	v32 =	vmul.f32 v39, v14;
	v35 =	vadd.f32 v35, v37  }
0x184: {  	v37 =	vmul.f32 v36, v10;
	v34 =	vadd.f32 v34, v12;
	v33 =	vadd.f32 v33, v41  }
0x185: {  	v43 =	vmul.f32 v39, v11;
	v40 =	vadd.f32 v40, v42;
	v41 =	vmul.f32 v36, v8;
	[tilespmem:s16+$0xFFFFFF70] =	vst v35  }
0x186: {  	v37 =	vadd.f32 v37, v9;
	v35 =	vmul.f32 v39, v2;
	v32 =	vadd.f32 v34, v32;
	[tilespmem:s16+$0xFFFFFF60] =	vst v33  }
0x187: {  	v34 =	vmul.f32 v39, v1;
	v41 =	vadd.f32 v41, v7;
	v33 =	vmul.f32 v36, v6;
	[tilespmem:s16+$0xFFFFFF50] =	vst v40  }
0x188: {  	v39 =	vmul.f32 v39, v0;
	v36 =	vmul.f32 v36, v4;
	v37 =	vadd.f32 v37, v43;
	[tilespmem:s16+$0xFFFFFF40] =	vst v32  }
0x189: {  	v35 =	vadd.f32 v41, v35;
	v32 =	vmul.f32 v38, v22;
	v33 =	vadd.f32 v33, v5  }
0x18a: {  	v40 =	vbroadcast v30, $0x5;
	v41 =	vmul.f32 v38, v19;
	v36 =	vadd.f32 v36, v3;
	[tilespmem:s16+$0xFFFFFF30] =	vst v37  }
0x18b: {  	v37 =	vmul.f32 v38, v16;
	v32 =	vadd.f32 v32, v21;
	v33 =	vadd.f32 v33, v34;
	[tilespmem:s16+$0xFFFFFF20] =	vst v35  }
0x18c: {  	v34 =	vadd.f32 v41, v18;
	v36 =	vadd.f32 v36, v39;
	v35 =	vmul.f32 v40, v23  }
0x18d: {  	v39 =	vmul.f32 v40, v17;
	v41 =	vmul.f32 v40, v20;
	v37 =	vadd.f32 v37, v15;
	[tilespmem:s16+$0xFFFFFF10] =	vst v33  }
0x18e: {  	v42 =	vmul.f32 v40, v14;
	v33 =	vmul.f32 v38, v13;
	v32 =	vadd.f32 v32, v35;
	[tilespmem:s16+$0xFFFFFF00] =	vst v36  }
0x18f: {  	v34 =	vadd.f32 v34, v41;
	v35 =	vmul.f32 v38, v10;
	v36 =	vadd.f32 v37, v39  }
0x190: {  	v37 =	vmul.f32 v38, v8;
	v39 =	vmul.f32 v40, v11;
	v33 =	vadd.f32 v33, v12;
	[tilespmem:s16+$0xFFFFFEF0] =	vst v32  }
0x191: {  	v41 =	vmul.f32 v40, v2;
	v35 =	vadd.f32 v35, v9;
	v32 =	vmul.f32 v38, v6;
	[tilespmem:s16+$0xFFFFFEE0] =	vst v34  }
0x192: {  	v37 =	vadd.f32 v37, v7;
	v34 =	vmul.f32 v40, v1;
	v33 =	vadd.f32 v33, v42;
	[tilespmem:s16+$0xFFFFFED0] =	vst v36  }
0x193: {  	v35 =	vadd.f32 v35, v39;
	v36 =	vmul.f32 v38, v4;
	v32 =	vadd.f32 v32, v5  }
0x194: {  	v39 =	vmul.f32 v40, v0;
	v38 =	vbroadcast v31, $0x4;
	v37 =	vadd.f32 v37, v41;
	[tilespmem:s16+$0xFFFFFEC0] =	vst v33  }
0x195: {  	v33 =	vbroadcast v30, $0x4;
	v36 =	vadd.f32 v36, v3;
	v32 =	vadd.f32 v32, v34;
	[tilespmem:s16+$0xFFFFFEB0] =	vst v35  }
0x196: {  	v34 =	vmul.f32 v38, v19;
	v35 =	vmul.f32 v38, v22;
	[tilespmem:s16+$0xFFFFFEA0] =	vst v37  }
0x197: {  	v37 =	vmul.f32 v33, v20;
	v40 =	vmul.f32 v33, v23;
	v36 =	vadd.f32 v36, v39;
	[tilespmem:s16+$0xFFFFFE90] =	vst v32  }
0x198: {  	v34 =	vadd.f32 v34, v18;
	v32 =	vmul.f32 v38, v16;
	v35 =	vadd.f32 v35, v21  }
0x199: {  	v39 =	vmul.f32 v38, v13;
	v41 =	vmul.f32 v33, v17;
	[tilespmem:s16+$0xFFFFFE80] =	vst v36  }
0x19a: {  	v34 =	vadd.f32 v34, v37;
	v36 =	vmul.f32 v33, v14;
	v35 =	vadd.f32 v35, v40  }
0x19b: {  	v37 =	vmul.f32 v38, v10;
	v39 =	vadd.f32 v39, v12;
	v32 =	vadd.f32 v32, v15  }
0x19c: {  	v42 =	vmul.f32 v33, v11;
	v40 =	vmul.f32 v38, v8;
	[tilespmem:s16+$0xFFFFFE70] =	vst v35  }
0x19d: {  	v36 =	vadd.f32 v39, v36;
	v32 =	vadd.f32 v32, v41;
	v35 =	vmul.f32 v33, v2;
	[tilespmem:s16+$0xFFFFFE60] =	vst v34  }
0x19e: {  	v37 =	vadd.f32 v37, v9;
	v39 =	vadd.f32 v40, v7;
	v34 =	vmul.f32 v38, v6  }
0x19f: {  	v40 =	vmul.f32 v33, v1;
	v38 =	vmul.f32 v38, v4;
	[tilespmem:s16+$0xFFFFFE50] =	vst v32  }
0x1a0: {  	v32 =	vmul.f32 v33, v0;
	v33 =	vadd.f32 v39, v35;
	v35 =	vadd.f32 v37, v42;
	[tilespmem:s16+$0xFFFFFE40] =	vst v36  }
0x1a1: {  	v37 =	vadd.f32 v38, v3;
	v34 =	vadd.f32 v34, v5;
	v36 =	vbroadcast v31, $0x3  }
0x1a2: {  	v38 =	vbroadcast v31, $0x2;
	v39 =	vbroadcast v30, $0x3;
	[tilespmem:s16+$0xFFFFFE30] =	vst v35  }
0x1a3: {  	v32 =	vadd.f32 v37, v32;
	v34 =	vadd.f32 v34, v40;
	v35 =	vmul.f32 v36, v22;
	[tilespmem:s16+$0xFFFFFE20] =	vst v33  }
0x1a4: {  	v37 =	vmul.f32 v39, v23;
	v33 =	vmul.f32 v36, v19  }
0x1a5: {  	v41 =	vmul.f32 v39, v20;
	v40 =	vmul.f32 v36, v16;
	v35 =	vadd.f32 v35, v21;
	[tilespmem:s16+$0xFFFFFE10] =	vst v34  }
0x1a6: {  	v42 =	vmul.f32 v39, v17;
	v34 =	vmul.f32 v36, v13;
	v33 =	vadd.f32 v33, v18;
	[tilespmem:s16+$0xFFFFFE00] =	vst v32  }
0x1a7: {  	v40 =	vadd.f32 v40, v15;
	v32 =	vmul.f32 v39, v14;
	v35 =	vadd.f32 v35, v37  }
0x1a8: {  	v37 =	vmul.f32 v36, v10;
	v34 =	vadd.f32 v34, v12;
	v33 =	vadd.f32 v33, v41  }
0x1a9: {  	v43 =	vmul.f32 v39, v11;
	v40 =	vadd.f32 v40, v42;
	v41 =	vmul.f32 v36, v8;
	[tilespmem:s16+$0xFFFFFDF0] =	vst v35  }
0x1aa: {  	v37 =	vadd.f32 v37, v9;
	v35 =	vmul.f32 v39, v2;
	v32 =	vadd.f32 v34, v32;
	[tilespmem:s16+$0xFFFFFDE0] =	vst v33  }
0x1ab: {  	v34 =	vmul.f32 v39, v1;
	v41 =	vadd.f32 v41, v7;
	v33 =	vmul.f32 v36, v6;
	[tilespmem:s16+$0xFFFFFDD0] =	vst v40  }
0x1ac: {  	v39 =	vmul.f32 v39, v0;
	v36 =	vmul.f32 v36, v4;
	v37 =	vadd.f32 v37, v43;
	[tilespmem:s16+$0xFFFFFDC0] =	vst v32  }
0x1ad: {  	v35 =	vadd.f32 v41, v35;
	v32 =	vmul.f32 v38, v22;
	v33 =	vadd.f32 v33, v5  }
0x1ae: {  	v40 =	vbroadcast v30, $0x2;
	v41 =	vmul.f32 v38, v19;
	v36 =	vadd.f32 v36, v3;
	[tilespmem:s16+$0xFFFFFDB0] =	vst v37  }
0x1af: {  	v37 =	vmul.f32 v38, v16;
	v32 =	vadd.f32 v32, v21;
	v33 =	vadd.f32 v33, v34;
	[tilespmem:s16+$0xFFFFFDA0] =	vst v35  }
0x1b0: {  	v34 =	vadd.f32 v41, v18;
	v36 =	vadd.f32 v36, v39;
	v35 =	vmul.f32 v40, v23  }
0x1b1: {  	v39 =	vmul.f32 v40, v17;
	v41 =	vmul.f32 v40, v20;
	v37 =	vadd.f32 v37, v15;
	[tilespmem:s16+$0xFFFFFD90] =	vst v33  }
0x1b2: {  	v42 =	vmul.f32 v40, v14;
	v33 =	vmul.f32 v38, v13;
	v32 =	vadd.f32 v32, v35;
	[tilespmem:s16+$0xFFFFFD80] =	vst v36  }
0x1b3: {  	v34 =	vadd.f32 v34, v41;
	v35 =	vmul.f32 v38, v10;
	v36 =	vadd.f32 v37, v39  }
0x1b4: {  	v37 =	vmul.f32 v38, v8;
	v39 =	vmul.f32 v40, v11;
	v33 =	vadd.f32 v33, v12;
	[tilespmem:s16+$0xFFFFFD70] =	vst v32  }
0x1b5: {  	v41 =	vmul.f32 v40, v2;
	v35 =	vadd.f32 v35, v9;
	v32 =	vmul.f32 v38, v6;
	[tilespmem:s16+$0xFFFFFD60] =	vst v34  }
0x1b6: {  	v37 =	vadd.f32 v37, v7;
	v34 =	vmul.f32 v40, v1;
	v33 =	vadd.f32 v33, v42;
	[tilespmem:s16+$0xFFFFFD50] =	vst v36  }
0x1b7: {  	v35 =	vadd.f32 v35, v39;
	v36 =	vmul.f32 v38, v4;
	v32 =	vadd.f32 v32, v5  }
0x1b8: {  	v31 =	vbroadcast v31, $0x1;
	v38 =	vmul.f32 v40, v0;
	v37 =	vadd.f32 v37, v41;
	[tilespmem:s16+$0xFFFFFD40] =	vst v33  }
0x1b9: {  	v30 =	vbroadcast v30, $0x1;
	v33 =	vadd.f32 v36, v3;
	v32 =	vadd.f32 v32, v34;
	[tilespmem:s16+$0xFFFFFD30] =	vst v35  }
0x1ba: {  	v34 =	vmul.f32 v31, v19;
	v35 =	vmul.f32 v31, v22;
	[tilespmem:s16+$0xFFFFFD20] =	vst v37  }
0x1bb: {  	v36 =	vmul.f32 v30, v20;
	v37 =	vmul.f32 v30, v23;
	v33 =	vadd.f32 v33, v38;
	[tilespmem:s16+$0xFFFFFD10] =	vst v32  }
0x1bc: {  	v34 =	vadd.f32 v34, v18;
	v32 =	vmul.f32 v31, v16;
	v35 =	vadd.f32 v35, v21  }
0x1bd: {  	v39 =	vmul.f32 v30, v17;
	v38 =	vmul.f32 v31, v13;
	[tilespmem:s16+$0xFFFFFD00] =	vst v33  }
0x1be: {  	v34 =	vadd.f32 v34, v36;
	v33 =	vmul.f32 v30, v14;
	v35 =	vadd.f32 v35, v37  }
0x1bf: {  	v36 =	vmul.f32 v31, v10;
	v37 =	vadd.f32 v38, v12;
	v32 =	vadd.f32 v32, v15  }
0x1c0: {  	v40 =	vmul.f32 v30, v11;
	v38 =	vmul.f32 v31, v8;
	[tilespmem:s16+$0xFFFFFCF0] =	vst v35  }
0x1c1: {  	v33 =	vadd.f32 v37, v33;
	v32 =	vadd.f32 v32, v39;
	v35 =	vmul.f32 v30, v2;
	[tilespmem:s16+$0xFFFFFCE0] =	vst v34  }
0x1c2: {  	v36 =	vadd.f32 v36, v9;
	v37 =	vadd.f32 v38, v7;
	v34 =	vmul.f32 v31, v6  }
0x1c3: {  	v38 =	vmul.f32 v30, v1;
	v31 =	vmul.f32 v31, v4;
	[tilespmem:s16+$0xFFFFFCD0] =	vst v32  }
0x1c4: {  	v30 =	vmul.f32 v30, v0;
	v32 =	vadd.f32 v37, v35;
	v35 =	vadd.f32 v36, v40;
	[tilespmem:s16+$0xFFFFFCC0] =	vst v33  }
0x1c5: {  	v31 =	vadd.f32 v31, v3;
	v34 =	vadd.f32 v34, v5;
	v33 =	vmul.f32 v28, v22  }
0x1c6: {  	v36 =	vmul.f32 v28, v19;
	v37 =	vmul.f32 v29, v23;
	[tilespmem:s16+$0xFFFFFCB0] =	vst v35  }
0x1c7: {  	v30 =	vadd.f32 v31, v30;
	v31 =	vadd.f32 v34, v38;
	v35 =	vmul.f32 v29, v20;
	[tilespmem:s16+$0xFFFFFCA0] =	vst v32  }
0x1c8: {  	v34 =	vadd.f32 v36, v18;
	v33 =	vadd.f32 v33, v21;
	v32 =	vmul.f32 v28, v16  }
0x1c9: {  	v36 =	vmul.f32 v28, v13;
	v38 =	vmul.f32 v29, v17;
	[tilespmem:s16+$0xFFFFFC90] =	vst v31  }
0x1ca: {  	v34 =	vadd.f32 v34, v35;
	v33 =	vadd.f32 v33, v37;
	v31 =	vmul.f32 v29, v14;
	[tilespmem:s16+$0xFFFFFC80] =	vst v30  }
0x1cb: {  	v28 =	vmul.f32 v28, v4;
	v32 =	vadd.f32 v32, v15;
	v30 =	vadd.f32 v36, v12  }
0x1cc: {  	v29 =	vmul.f32 v29, v0;
	[tilespmem:s16+$0xFFFFFC70] =	vst v33;
	v33 =	vmul.f32 v26, v16  }
0x1cd: {  	v30 =	vadd.f32 v30, v31;
	v31 =	vadd.f32 v32, v38;
	v32 =	vmul.f32 v27, v17;
	[tilespmem:s16+$0xFFFFFC60] =	vst v34  }
0x1ce: {  	v28 =	vadd.f32 v28, v3;
	v34 =	vmul.f32 v26, v13;
	v33 =	vadd.f32 v33, v15  }
0x1cf: {  	v35 =	vmul.f32 v27, v14;
	[tilespmem:s16+$0xFFFFFC50] =	vst v31;
	v31 =	vmul.f32 v26, v10  }
0x1d0: {  	v28 =	vadd.f32 v28, v29;
	v29 =	vmul.f32 v27, v11;
	[tilespmem:s16+$0xFFFFFC40] =	vst v30;
	v30 =	vadd.f32 v33, v32  }
0x1d1: {  	v32 =	vmul.f32 v26, v8;
	v33 =	vadd.f32 v34, v12;
	v31 =	vadd.f32 v31, v9  }
0x1d2: {  	v34 =	vmul.f32 v27, v2;
	[tilespmem:s16+$0xFFFFFC00] =	vst v28;
	v28 =	vmul.f32 v26, v6  }
0x1d3: {  	v36 =	vmul.f32 v27, v1;
	v29 =	vadd.f32 v31, v29;
	v31 =	vadd.f32 v33, v35;
	[tilespmem:s16+$0x3D0] =	vst v30  }
0x1d4: {  	v26 =	vmul.f32 v26, v4;
	v30 =	vadd.f32 v32, v7;
	v28 =	vadd.f32 v28, v5  }
0x1d5: {  	v27 =	vmul.f32 v27, v0;
	[tilespmem:s16+$0x3C0] =	vst v31  }
0x1d6: {  	v30 =	vadd.f32 v30, v34;
	v28 =	vadd.f32 v28, v36;
	[tilespmem:s16+$0x3B0] =	vst v29  }
.Ltmp0:
0x1d7: {  	v26 =	vadd.f32 v26, v3;
	(pc) =	sbr.rel @p0 .LBB2_3-.Ltmp0, $3  }
0x1d8: {  	[tilespmem:s16+$0x3A0] =	vst v30  }
0x1d9: {  	v26 =	vadd.f32 v26, v27;
	[tilespmem:s16+$0x390] =	vst v28;
	_ =	sdelay $0x1  }
0x1da: {  	s18 =	sshra.s32 s17, $0x2;
	s17 =	sadd.s32 $0x40, s17;
	[tilespmem:s16+$0x380] =	vst v26  }
0x1db: {  	_ =	sdelay $0x3  }
0x1dc: {  	v24 =	vld.idx.msk [tilespmem:v24+s18+$0x0 ss:$0x1], $0xffff  }
0x1dd: {  	v42 =	vld.idx.msk [tilespmem:v25+s18+$0x0 ss:$0x1], $0xffff;
	_ =	sdelay $0x3  }
0x1de: {  	v36 =	vcvt.s32.f32 v24  }
0x1df: {  	v52 =	vbroadcast v42, $0xF  }
0x1e0: {  	v43 =	vbroadcast v42, $0x0;
	v44 =	vbroadcast v36, $0x0  }
0x1e1: {  	v51 =	vbroadcast v36, $0xF;
	v30 =	vbroadcast v36, $0xD  }
0x1e2: {  	v31 =	vbroadcast v36, $0xE;
	v35 =	vmul.f32 v52, v20  }
0x1e3: {  	v37 =	vmul.f32 v43, v2;
	v38 =	vmul.f32 v43, v11  }
0x1e4: {  	v48 =	vmul.f32 v43, v1;
	v56 =	vmul.f32 v52, v23  }
0x1e5: {  	v24 =	vbroadcast v36, $0xA;
	v32 =	vmul.f32 v51, v19  }
0x1e6: {  	v33 =	vmul.f32 v44, v10;
	v34 =	vmul.f32 v44, v8  }
0x1e7: {  	v39 =	vmul.f32 v44, v6;
	v50 =	vmul.f32 v31, v22  }
0x1e8: {  	v54 =	vmul.f32 v51, v22;
	v57 =	vmul.f32 v31, v19;
	v32 =	vadd.f32 v32, v18  }
0x1e9: {  	v60 =	vmul.f32 v31, v16;
	v33 =	vadd.f32 v33, v9;
	v34 =	vadd.f32 v34, v7  }
0x1ea: {  	v53 =	vadd.f32 v39, v5;
	v39 =	vbroadcast v42, $0xE;
	v41 =	vadd.f32 v57, v18  }
0x1eb: {  	v61 =	vmul.f32 v31, v13;
	v29 =	vadd.f32 v60, v15;
	v47 =	vadd.f32 v32, v35  }
0x1ec: {  	v49 =	vadd.f32 v33, v38;
	v55 =	vadd.f32 v34, v37;
	v40 =	vmul.f32 v39, v20  }
0x1ed: {  	v33 =	vadd.f32 v50, v21;
	v59 =	vmul.f32 v39, v23;
	v62 =	vmul.f32 v39, v17  }
0x1ee: {  	v58 =	vadd.f32 v53, v48;
	v28 =	vmul.f32 v39, v14;
	v48 =	vmul.f32 v31, v10  }
0x1ef: {  	v38 =	vadd.f32 v54, v21;
	v50 =	vmul.f32 v31, v8;
	v45 =	vmul.f32 v39, v2  }
0x1f0: {  	v34 =	vadd.f32 v61, v12;
	v53 =	vmul.f32 v31, v6;
	v31 =	vmul.f32 v31, v4  }
0x1f1: {  	v57 =	vmul.f32 v39, v0;
	v37 =	vadd.f32 v38, v56;
	v63 =	vadd.f32 v33, v59  }
0x1f2: {  	v61 =	vmul.f32 v30, v16;
	[tilespmem:$0x1FD10] =	vst v47;
	v47 =	vadd.f32 v41, v40;
	v38 =	vadd.f32 v29, v62  }
0x1f3: {  	[tilespmem:$0x1FD20] =	vst v49;
	v49 =	vmul.f32 v39, v11;
	v35 =	vadd.f32 v48, v9;
	v54 =	vadd.f32 v34, v28  }
0x1f4: {  	[tilespmem:$0x1FD30] =	vst v55;
	v55 =	vmul.f32 v39, v1;
	v56 =	vadd.f32 v50, v7;
	v33 =	vadd.f32 v53, v5  }
0x1f5: {  	[tilespmem:$0x1FD40] =	vst v58;
	v58 =	vmul.f32 v30, v22;
	v31 =	vadd.f32 v31, v3;
	v34 =	vbroadcast v42, $0xD  }
0x1f6: {  	v59 =	vmul.f32 v30, v19;
	v32 =	vadd.f32 v61, v15;
	v39 =	vadd.f32 v35, v49  }
0x1f7: {  	v53 =	vmul.f32 v30, v10;
	v45 =	vadd.f32 v56, v45;
	v60 =	vadd.f32 v33, v55  }
0x1f8: {  	v62 =	vadd.f32 v58, v21;
	v27 =	vmul.f32 v34, v20;
	v48 =	vmul.f32 v34, v23  }
0x1f9: {  	[tilespmem:$0x1FD50] =	vst v63;
	v63 =	vadd.f32 v31, v57;
	v49 =	vmul.f32 v30, v13;
	v46 =	vmul.f32 v34, v17  }
0x1fa: {  	[tilespmem:$0x1FD60] =	vst v47;
	v29 =	vadd.f32 v59, v18;
	v47 =	vmul.f32 v34, v14;
	v56 =	vmul.f32 v30, v8  }
0x1fb: {  	v57 =	vmul.f32 v34, v11;
	v58 =	vmul.f32 v34, v2;
	v31 =	vadd.f32 v53, v9  }
0x1fc: {  	v61 =	vmul.f32 v34, v1;
	v34 =	vmul.f32 v34, v0;
	v50 =	vadd.f32 v29, v27  }
0x1fd: {  	[tilespmem:$0x1FD80] =	vst v60;
	v55 =	vadd.f32 v62, v48;
	v35 =	vadd.f32 v32, v46;
	v60 =	vmul.f32 v30, v6  }
0x1fe: {  	v32 =	vadd.f32 v56, v7;
	v62 =	vadd.f32 v31, v57;
	v31 =	vbroadcast v36, $0xC  }
0x1ff: {  	[tilespmem:$0x1FD70] =	vst v54;
	v54 =	vadd.f32 v49, v12;
	v30 =	vmul.f32 v30, v4;
	v48 =	vbroadcast v42, $0xC  }
0x200: {  	[tilespmem:$0x1FD90] =	vst v63;
	v63 =	vadd.f32 v32, v58;
	v32 =	vbroadcast v36, $0xB;
	v25 =	vmul.f32 v31, v19  }
0x201: {  	v59 =	vadd.f32 v54, v47;
	v49 =	vmul.f32 v31, v22;
	v26 =	vmul.f32 v48, v20  }
0x202: {  	[tilespmem:$0x1FDA0] =	vst v50;
	v33 =	vadd.f32 v60, v5;
	v50 =	vmul.f32 v48, v23;
	v46 =	vmul.f32 v31, v13  }
0x203: {  	v30 =	vadd.f32 v30, v3;
	v47 =	vmul.f32 v31, v16;
	v56 =	vmul.f32 v48, v17  }
0x204: {  	v57 =	vmul.f32 v48, v14;
	v41 =	vmul.f32 v31, v8;
	v54 =	vadd.f32 v33, v61  }
0x205: {  	v60 =	vmul.f32 v48, v2;
	v53 =	vadd.f32 v30, v34;
	v27 =	vadd.f32 v25, v18  }
0x206: {  	[tilespmem:$0x1FDC0] =	vst v62;
	v58 =	vmul.f32 v48, v0;
	v49 =	vadd.f32 v49, v21;
	v40 =	vadd.f32 v47, v15  }
0x207: {  	[tilespmem:$0x1FDD0] =	vst v63;
	v62 =	vadd.f32 v41, v7;
	v41 =	vmul.f32 v32, v22;
	v63 =	vadd.f32 v27, v26  }
0x208: {  	v47 =	vmul.f32 v48, v11;
	v27 =	vadd.f32 v46, v12;
	v61 =	vadd.f32 v49, v50  }
0x209: {  	[tilespmem:$0x1FDB0] =	vst v59;
	v46 =	vmul.f32 v31, v10;
	v30 =	vadd.f32 v41, v21;
	v50 =	vmul.f32 v32, v6  }
0x20a: {  	[tilespmem:$0x1FDE0] =	vst v63;
	v59 =	vadd.f32 v27, v57;
	v57 =	vadd.f32 v40, v56;
	v63 =	vmul.f32 v31, v6  }
0x20b: {  	v49 =	vadd.f32 v46, v9;
	v31 =	vmul.f32 v31, v4;
	v56 =	vmul.f32 v48, v1  }
0x20c: {  	v40 =	vadd.f32 v62, v60;
	v60 =	vbroadcast v42, $0xB;
	v27 =	vbroadcast v42, $0xA  }
0x20d: {  	[tilespmem:$0x1FDF0] =	vst v59;
	v29 =	vadd.f32 v31, v3;
	v31 =	vmul.f32 v32, v19;
	v59 =	vmul.f32 v32, v16  }
0x20e: {  	v34 =	vadd.f32 v63, v5;
	v41 =	vmul.f32 v60, v23;
	v48 =	vmul.f32 v60, v17  }
0x20f: {  	v47 =	vadd.f32 v49, v47;
	v49 =	vmul.f32 v60, v20;
	v63 =	vmul.f32 v32, v13  }
0x210: {  	[tilespmem:$0x1FE00] =	vst v40;
	v28 =	vmul.f32 v60, v14;
	v40 =	vadd.f32 v29, v58;
	v58 =	vadd.f32 v34, v56  }
0x211: {  	v26 =	vmul.f32 v60, v2;
	v33 =	vadd.f32 v31, v18;
	v46 =	vadd.f32 v59, v15  }
0x212: {  	v62 =	vadd.f32 v30, v41;
	v34 =	vmul.f32 v27, v20;
	[tilespmem:$0x1FE10] =	vst v40;
	v40 =	vmul.f32 v32, v10  }
0x213: {  	v41 =	vadd.f32 v46, v48;
	v59 =	vadd.f32 v33, v49;
	v46 =	vmul.f32 v32, v8  }
0x214: {  	v48 =	vmul.f32 v60, v11;
	v49 =	vadd.f32 v63, v12;
	v33 =	vmul.f32 v24, v13  }
0x215: {  	[tilespmem:$0x1FE20] =	vst v41;
	v30 =	vadd.f32 v40, v9;
	v25 =	vadd.f32 v46, v7;
	v41 =	vmul.f32 v32, v4  }
0x216: {  	v63 =	vadd.f32 v49, v28;
	v46 =	vadd.f32 v50, v5;
	v49 =	vmul.f32 v24, v19  }
0x217: {  	v50 =	vadd.f32 v30, v48;
	v48 =	vmul.f32 v60, v0;
	v29 =	vadd.f32 v41, v3  }
0x218: {  	v40 =	vmul.f32 v60, v1;
	v60 =	vadd.f32 v25, v26;
	v26 =	vadd.f32 v49, v18  }
0x219: {  	v25 =	vadd.f32 v33, v12;
	v49 =	vadd.f32 v29, v48;
	v48 =	vmul.f32 v27, v14  }
0x21a: {  	s16 =	sadd.s32 $0x800, s16;
	v56 =	vadd.f32 v46, v40;
	v46 =	vmul.f32 v24, v22  }
0x21b: {  	[tilespmem:s16+$0x3F0] =	vst v37;
	v33 =	vld [tilespmem:$0x1FD20];
	v26 =	vadd.f32 v26, v34;
	v25 =	vadd.f32 v25, v48;
	v48 =	vmul.f32 v24, v8  }
0x21c: {  	[tilespmem:s16+$0x350] =	vst v38;
	v41 =	vmul.f32 v24, v16;
	v28 =	vadd.f32 v46, v21;
	v46 =	vld [tilespmem:$0x1FD10]  }
0x21d: {  	[tilespmem:$0x1FE30] =	vst v26;
	v26 =	vadd.f32 v48, v7;
	v48 =	vld [tilespmem:$0x1FD60]  }
0x21e: {  	[tilespmem:s16+$0x330] =	vst v39;
	v29 =	vadd.f32 v41, v15;
	v41 =	vld [tilespmem:$0x1FD30]  }
0x21f: {  	[tilespmem:s16+$0x320] =	vst v45  }
0x220: {  	[tilespmem:s16+$0xFFFFFC30] =	vst v33;
	v33 =	vmul.f32 v27, v2  }
0x221: {  	v40 =	vmul.f32 v27, v23;
	v34 =	vmul.f32 v27, v17;
	[tilespmem:s16+$0x3E0] =	vst v46  }
0x222: {  	v37 =	vmul.f32 v24, v6;
	[tilespmem:s16+$0x360] =	vst v48;
	v48 =	vadd.f32 v26, v33;
	v26 =	vbroadcast v36, $0x9  }
0x223: {  	v46 =	vadd.f32 v28, v40;
	[tilespmem:s16+$0xFFFFFC20] =	vst v41;
	v40 =	vmul.f32 v24, v10;
	v41 =	vadd.f32 v29, v34;
	v34 =	vld [tilespmem:$0x1FD50]  }
0x224: {  	[tilespmem:s16+$0x2F0] =	vst v55;
	v24 =	vmul.f32 v24, v4;
	v39 =	vmul.f32 v26, v19  }
0x225: {  	[tilespmem:s16+$0x2D0] =	vst v35;
	v55 =	vld [tilespmem:$0x1FDA0];
	v30 =	vmul.f32 v27, v11;
	v29 =	vmul.f32 v27, v1;
	v40 =	vadd.f32 v40, v9  }
0x226: {  	[tilespmem:$0x1FE40] =	vst v25;
	v27 =	vmul.f32 v27, v0;
	v33 =	vadd.f32 v24, v3;
	v25 =	vadd.f32 v39, v18;
	v39 =	vld [tilespmem:$0x1FD90]  }
0x227: {  	[tilespmem:s16+$0x290] =	vst v54;
	v38 =	vadd.f32 v40, v30;
	v30 =	vbroadcast v42, $0x9;
	v24 =	vmul.f32 v26, v22  }
0x228: {  	[tilespmem:s16+$0x370] =	vst v34;
	v34 =	vadd.f32 v37, v5;
	v40 =	vadd.f32 v33, v27;
	v33 =	vld [tilespmem:$0x1FD80]  }
0x229: {  	[tilespmem:s16+$0x280] =	vst v53;
	v32 =	vld [tilespmem:$0x1FD40];
	v28 =	vmul.f32 v30, v23;
	v45 =	vmul.f32 v30, v20;
	v24 =	vadd.f32 v24, v21  }
0x22a: {  	[tilespmem:s16+$0x2E0] =	vst v55;
	v27 =	vmul.f32 v26, v13;
	v31 =	vmul.f32 v30, v17  }
0x22b: {  	v34 =	vadd.f32 v34, v29;
	v29 =	vmul.f32 v26, v16;
	[tilespmem:s16+$0x300] =	vst v39;
	v39 =	vadd.f32 v24, v28;
	v28 =	vld [tilespmem:$0x1FDB0]  }
0x22c: {  	[tilespmem:s16+$0x270] =	vst v61;
	v27 =	vadd.f32 v27, v12;
	v45 =	vadd.f32 v25, v45;
	v24 =	vmul.f32 v30, v14  }
0x22d: {  	v37 =	vld [tilespmem:$0x1FD70];
	v25 =	vmul.f32 v26, v10;
	[tilespmem:s16+$0x310] =	vst v33;
	v33 =	vadd.f32 v29, v15;
	v29 =	vmul.f32 v26, v8  }
0x22e: {  	[tilespmem:s16+$0xFFFFFC10] =	vst v32;
	v32 =	vld [tilespmem:$0x1FDC0];
	v35 =	vadd.f32 v27, v24;
	v24 =	vmul.f32 v26, v6;
	v26 =	vmul.f32 v26, v4  }
0x22f: {  	[tilespmem:s16+$0x250] =	vst v57;
	v55 =	vmul.f32 v30, v2;
	v33 =	vadd.f32 v33, v31;
	v31 =	vmul.f32 v30, v11  }
0x230: {  	v27 =	vmul.f32 v30, v1;
	v30 =	vmul.f32 v30, v0;
	v26 =	vadd.f32 v26, v3;
	[tilespmem:s16+$0x2C0] =	vst v28;
	v28 =	vld [tilespmem:$0x1FDD0]  }
0x231: {  	[tilespmem:s16+$0x230] =	vst v47;
	v25 =	vadd.f32 v25, v9  }
0x232: {  	[tilespmem:s16+$0x340] =	vst v37;
	v37 =	vbroadcast v36, $0x8;
	v29 =	vadd.f32 v29, v7;
	v26 =	vadd.f32 v26, v30;
	v30 =	vld [tilespmem:$0x1FDE0]  }
0x233: {  	v54 =	vbroadcast v42, $0x8;
	[tilespmem:s16+$0x2B0] =	vst v32;
	v32 =	vadd.f32 v25, v31;
	v24 =	vadd.f32 v24, v5  }
0x234: {  	[tilespmem:s16+$0x210] =	vst v58;
	v58 =	vld [tilespmem:$0x1FE10];
	v31 =	vmul.f32 v37, v22;
	v29 =	vadd.f32 v29, v55;
	v55 =	vmul.f32 v37, v19  }
0x235: {  	v57 =	vmul.f32 v37, v13;
	[tilespmem:s16+$0x2A0] =	vst v28;
	v28 =	vadd.f32 v24, v27;
	v27 =	vmul.f32 v37, v16  }
0x236: {  	[tilespmem:s16+$0x1F0] =	vst v62;
	v31 =	vadd.f32 v31, v21;
	v53 =	vadd.f32 v55, v18;
	v55 =	vmul.f32 v54, v23;
	v24 =	vld [tilespmem:$0x1FDF0]  }
0x237: {  	v61 =	vmul.f32 v54, v20;
	[tilespmem:s16+$0x260] =	vst v30;
	v30 =	vmul.f32 v54, v17;
	v27 =	vadd.f32 v27, v15  }
0x238: {  	[tilespmem:s16+$0x1E0] =	vst v59;
	v57 =	vadd.f32 v57, v12;
	v31 =	vadd.f32 v31, v55  }
0x239: {  	[tilespmem:s16+$0x200] =	vst v58;
	v55 =	vmul.f32 v54, v14;
	v27 =	vadd.f32 v27, v30;
	v30 =	vadd.f32 v53, v61;
	v61 =	vld [tilespmem:$0x1FE00]  }
0x23a: {  	[tilespmem:s16+$0x120] =	vst v48;
	v48 =	vbroadcast v36, $0x5  }
0x23b: {  	v47 =	vmul.f32 v37, v8;
	v55 =	vadd.f32 v57, v55;
	[tilespmem:s16+$0x240] =	vst v24;
	v24 =	vmul.f32 v37, v10  }
0x23c: {  	v62 =	vld [tilespmem:$0x1FE20];
	v25 =	vmul.f32 v54, v2;
	[tilespmem:s16+$0x70] =	vst v31;
	v31 =	vbroadcast v42, $0x5  }
0x23d: {  	v57 =	vmul.f32 v54, v1;
	[tilespmem:s16+$0x40] =	vst v55;
	v53 =	vmul.f32 v54, v11;
	v24 =	vadd.f32 v24, v9  }
0x23e: {  	v47 =	vadd.f32 v47, v7;
	v55 =	vmul.f32 v31, v17;
	[tilespmem:s16+$0x220] =	vst v61;
	v61 =	vmul.f32 v37, v6  }
0x23f: {  	[tilespmem:s16+$0x1B0] =	vst v50;
	v24 =	vadd.f32 v24, v53;
	v53 =	vmul.f32 v54, v0;
	v54 =	vbroadcast v42, $0x7  }
0x240: {  	[tilespmem:s16+$0x1A0] =	vst v60;
	v37 =	vmul.f32 v37, v4;
	v58 =	vadd.f32 v61, v5;
	v61 =	vbroadcast v36, $0x7  }
0x241: {  	[tilespmem:s16+$0x1D0] =	vst v62;
	v59 =	vmul.f32 v54, v20;
	v62 =	vmul.f32 v54, v23  }
0x242: {  	[tilespmem:s16+$0x170] =	vst v46;
	v25 =	vadd.f32 v47, v25;
	v60 =	vmul.f32 v54, v17;
	v46 =	vmul.f32 v54, v11  }
0x243: {  	[tilespmem:s16+$0x190] =	vst v56;
	v37 =	vadd.f32 v37, v3;
	v56 =	vmul.f32 v54, v2;
	v50 =	vmul.f32 v61, v16  }
0x244: {  	v47 =	vmul.f32 v61, v19;
	v57 =	vadd.f32 v58, v57;
	v58 =	vmul.f32 v61, v22  }
0x245: {  	[tilespmem:s16+$0x180] =	vst v49;
	v37 =	vadd.f32 v37, v53;
	v49 =	vmul.f32 v61, v10;
	v50 =	vadd.f32 v50, v15  }
0x246: {  	[tilespmem:s16+$0x1C0] =	vst v63;
	v63 =	vmul.f32 v61, v13;
	v47 =	vadd.f32 v47, v18;
	v53 =	vadd.f32 v58, v21  }
0x247: {  	[tilespmem:s16+$0x150] =	vst v41;
	v58 =	vmul.f32 v54, v14;
	v41 =	vadd.f32 v49, v9;
	v50 =	vadd.f32 v50, v60;
	v60 =	vld [tilespmem:$0x1FE30]  }
0x248: {  	[tilespmem:s16+$0x130] =	vst v38;
	v47 =	vadd.f32 v47, v59;
	v53 =	vadd.f32 v53, v62;
	v59 =	vmul.f32 v61, v8;
	v62 =	vld [tilespmem:$0x1FE40]  }
0x249: {  	[tilespmem:s16+$0x100] =	vst v40;
	v63 =	vadd.f32 v63, v12;
	v38 =	vadd.f32 v41, v46;
	v46 =	vbroadcast v42, $0x6  }
0x24a: {  	[tilespmem:s16+$0x110] =	vst v34;
	v49 =	vmul.f32 v54, v1;
	v54 =	vmul.f32 v54, v0;
	v59 =	vadd.f32 v59, v7  }
0x24b: {  	[tilespmem:s16+$0x10] =	vst v57;
	v57 =	vmul.f32 v31, v11;
	v58 =	vadd.f32 v63, v58;
	v63 =	vmul.f32 v46, v1  }
0x24c: {  	v56 =	vadd.f32 v59, v56;
	v59 =	vbroadcast v36, $0x6;
	[tilespmem:s16+$0x160] =	vst v60;
	v60 =	vmul.f32 v61, v6  }
0x24d: {  	v61 =	vmul.f32 v61, v4;
	[tilespmem:s16+$0x140] =	vst v62;
	v62 =	vmul.f32 v46, v17  }
0x24e: {  	[tilespmem:s16+$0xF0] =	vst v39;
	v40 =	vmul.f32 v59, v16;
	v39 =	vmul.f32 v59, v13  }
0x24f: {  	[tilespmem:s16+$0xC0] =	vst v35;
	v35 =	vmul.f32 v59, v8;
	v61 =	vadd.f32 v61, v3;
	v41 =	vadd.f32 v60, v5  }
0x250: {  	[tilespmem:s16+$0xE0] =	vst v45;
	v60 =	vmul.f32 v59, v22;
	v40 =	vadd.f32 v40, v15;
	v39 =	vadd.f32 v39, v12  }
0x251: {  	[tilespmem:s16+$0xD0] =	vst v33;
	v54 =	vadd.f32 v61, v54;
	v34 =	vadd.f32 v41, v49;
	v41 =	vmul.f32 v59, v19  }
0x252: {  	[tilespmem:s16+$0xB0] =	vst v32;
	v49 =	vmul.f32 v46, v23;
	v61 =	vmul.f32 v46, v20;
	v60 =	vadd.f32 v60, v21  }
0x253: {  	[tilespmem:s16+$0xA0] =	vst v29;
	v40 =	vadd.f32 v40, v62;
	v62 =	vmul.f32 v59, v6;
	v41 =	vadd.f32 v41, v18  }
0x254: {  	[tilespmem:s16+$0x20] =	vst v25;
	v45 =	vadd.f32 v60, v49;
	v49 =	vmul.f32 v46, v14;
	v60 =	vmul.f32 v46, v11  }
0x255: {  	v29 =	vadd.f32 v62, v5;
	v62 =	vmul.f32 v48, v16;
	[tilespmem:s16+$0xFFFFFF50] =	vst v40;
	v40 =	vbroadcast v36, $0x2  }
0x256: {  	[tilespmem:s16+$0x80] =	vst v26;
	v33 =	vadd.f32 v41, v61;
	v41 =	vmul.f32 v59, v10;
	v61 =	vmul.f32 v46, v2  }
0x257: {  	[tilespmem:s16+$0x60] =	vst v30;
	v35 =	vadd.f32 v35, v7;
	v59 =	vmul.f32 v59, v4;
	v46 =	vmul.f32 v46, v0  }
0x258: {  	v39 =	vadd.f32 v39, v49;
	v49 =	vbroadcast v42, $0x4;
	[tilespmem:s16+$0xFFFFFF70] =	vst v45;
	v45 =	vbroadcast v36, $0x3  }
0x259: {  	[tilespmem:s16+$0xFFFFFFF0] =	vst v53;
	v29 =	vadd.f32 v29, v63;
	v63 =	vmul.f32 v31, v23;
	v30 =	vadd.f32 v62, v15  }
0x25a: {  	[tilespmem:s16+$0xFFFFFFC0] =	vst v58;
	v62 =	vmul.f32 v48, v10;
	v32 =	vadd.f32 v35, v61;
	v61 =	vmul.f32 v48, v19  }
0x25b: {  	[tilespmem:s16+$0xFFFFFF80] =	vst v54;
	v41 =	vadd.f32 v41, v9;
	v58 =	vmul.f32 v49, v20;
	v54 =	vmul.f32 v49, v17  }
0x25c: {  	[tilespmem:s16+$0xFFFFFF40] =	vst v39;
	v39 =	vbroadcast v42, $0x3;
	v53 =	vmul.f32 v45, v19;
	v30 =	vadd.f32 v30, v55  }
0x25d: {  	[tilespmem:s16+$0x90] =	vst v28;
	v25 =	vadd.f32 v62, v9;
	v62 =	vmul.f32 v48, v4;
	v28 =	vadd.f32 v41, v60  }
0x25e: {  	[tilespmem:s16+$0x50] =	vst v27;
	v60 =	vmul.f32 v48, v22;
	v41 =	vadd.f32 v59, v3;
	v27 =	vadd.f32 v61, v18  }
0x25f: {  	[tilespmem:s16+$0xFFFFFF10] =	vst v29;
	v59 =	vmul.f32 v31, v20;
	v61 =	vmul.f32 v31, v14;
	v29 =	vadd.f32 v53, v18  }
0x260: {  	[tilespmem:s16+$0xFFFFFFE0] =	vst v47;
	v53 =	vmul.f32 v45, v4;
	v47 =	vadd.f32 v62, v3;
	v26 =	vadd.f32 v60, v21  }
0x261: {  	v62 =	vmul.f32 v49, v14;
	v41 =	vadd.f32 v41, v46;
	v60 =	vmul.f32 v48, v13  }
0x262: {  	v27 =	vadd.f32 v27, v59;
	v59 =	vmul.f32 v48, v6;
	v26 =	vadd.f32 v26, v63  }
0x263: {  	[tilespmem:s16+$0x30] =	vst v24;
	v63 =	vmul.f32 v48, v8;
	v24 =	vadd.f32 v60, v12;
	v60 =	vmul.f32 v31, v2  }
0x264: {  	[tilespmem:s16+$0x0] =	vst v37;
	v37 =	vadd.f32 v59, v5;
	v48 =	vbroadcast v36, $0x4;
	v59 =	vmul.f32 v49, v23  }
0x265: {  	v36 =	vbroadcast v36, $0x1;
	v24 =	vadd.f32 v24, v61;
	v61 =	vmul.f32 v31, v1  }
0x266: {  	v46 =	vadd.f32 v63, v7;
	v31 =	vmul.f32 v31, v0;
	v63 =	vmul.f32 v48, v19  }
0x267: {  	[tilespmem:s16+$0xFFFFFFD0] =	vst v50;
	v25 =	vadd.f32 v25, v57;
	v57 =	vmul.f32 v48, v22;
	v55 =	vmul.f32 v48, v10  }
0x268: {  	[tilespmem:s16+$0xFFFFFFA0] =	vst v56;
	v56 =	vmul.f32 v48, v8;
	v46 =	vadd.f32 v46, v60;
	v50 =	vadd.f32 v63, v18  }
0x269: {  	v35 =	vadd.f32 v37, v61;
	v60 =	vmul.f32 v48, v13;
	v37 =	vadd.f32 v57, v21  }
0x26a: {  	[tilespmem:s16+$0xFFFFFFB0] =	vst v38;
	v31 =	vadd.f32 v47, v31;
	v61 =	vmul.f32 v48, v16;
	v38 =	vadd.f32 v50, v58  }
0x26b: {  	[tilespmem:s16+$0xFFFFFF90] =	vst v34;
	v57 =	vmul.f32 v49, v11;
	v63 =	vadd.f32 v60, v12;
	v37 =	vadd.f32 v37, v59  }
0x26c: {  	[tilespmem:s16+$0xFFFFFF60] =	vst v33;
	v34 =	vadd.f32 v61, v15;
	v58 =	vmul.f32 v49, v2;
	v59 =	vmul.f32 v48, v6  }
0x26d: {  	[tilespmem:s16+$0xFFFFFF20] =	vst v32;
	v50 =	vadd.f32 v56, v7;
	v48 =	vmul.f32 v48, v4;
	v61 =	vmul.f32 v49, v1  }
0x26e: {  	[tilespmem:s16+$0xFFFFFED0] =	vst v30;
	v60 =	vadd.f32 v55, v9;
	v49 =	vmul.f32 v49, v0;
	v55 =	vmul.f32 v45, v16  }
0x26f: {  	[tilespmem:s16+$0xFFFFFF30] =	vst v28;
	v56 =	vmul.f32 v39, v20;
	v47 =	vadd.f32 v63, v62;
	v34 =	vadd.f32 v34, v54  }
0x270: {  	[tilespmem:s16+$0xFFFFFEB0] =	vst v25;
	v32 =	vadd.f32 v50, v58;
	v48 =	vadd.f32 v48, v3;
	v63 =	vmul.f32 v45, v22  }
0x271: {  	[tilespmem:s16+$0xFFFFFF00] =	vst v41;
	v28 =	vadd.f32 v60, v57;
	v54 =	vmul.f32 v39, v23;
	v57 =	vmul.f32 v45, v13  }
0x272: {  	[tilespmem:s16+$0xFFFFFEE0] =	vst v27;
	v62 =	vadd.f32 v59, v5;
	v58 =	vmul.f32 v39, v17;
	v59 =	vmul.f32 v39, v14  }
0x273: {  	[tilespmem:s16+$0xFFFFFEF0] =	vst v26;
	v27 =	vadd.f32 v55, v15;
	v25 =	vadd.f32 v29, v56;
	v60 =	vmul.f32 v45, v10  }
0x274: {  	v50 =	vmul.f32 v39, v1;
	[tilespmem:s16+$0xFFFFFE70] =	vst v37;
	v55 =	vmul.f32 v40, v19;
	v37 =	vadd.f32 v53, v3  }
0x275: {  	[tilespmem:s16+$0xFFFFFEC0] =	vst v24;
	v56 =	vmul.f32 v40, v16;
	v48 =	vadd.f32 v48, v49;
	v26 =	vadd.f32 v62, v61  }
0x276: {  	[tilespmem:s16+$0xFFFFFEA0] =	vst v46;
	v41 =	vadd.f32 v63, v21;
	v30 =	vadd.f32 v57, v12;
	v61 =	vmul.f32 v45, v8  }
0x277: {  	[tilespmem:s16+$0xFFFFFE90] =	vst v35;
	v27 =	vadd.f32 v27, v58;
	v62 =	vmul.f32 v39, v11;
	v63 =	vmul.f32 v39, v2  }
0x278: {  	[tilespmem:s16+$0xFFFFFE80] =	vst v31;
	v29 =	vadd.f32 v60, v9;
	v49 =	vmul.f32 v45, v6;
	v39 =	vmul.f32 v39, v0  }
0x279: {  	[tilespmem:s16+$0xFFFFFE50] =	vst v34;
	v34 =	vbroadcast v42, $0x2;
	v57 =	vadd.f32 v55, v18;
	v24 =	vadd.f32 v41, v54  }
0x27a: {  	[tilespmem:s16+$0xFFFFFE60] =	vst v38;
	v55 =	vmul.f32 v40, v4;
	v30 =	vadd.f32 v30, v59;
	v41 =	vadd.f32 v61, v7  }
0x27b: {  	[tilespmem:s16+$0xFFFFFE40] =	vst v47;
	v29 =	vadd.f32 v29, v62;
	v54 =	vmul.f32 v40, v22;
	v58 =	vmul.f32 v34, v23  }
0x27c: {  	[tilespmem:s16+$0xFFFFFE30] =	vst v28;
	v31 =	vadd.f32 v49, v5;
	v60 =	vmul.f32 v34, v17;
	v61 =	vmul.f32 v40, v13  }
0x27d: {  	[tilespmem:s16+$0xFFFFFE20] =	vst v32;
	v37 =	vadd.f32 v37, v39;
	v62 =	vmul.f32 v34, v20;
	v45 =	vmul.f32 v34, v14  }
0x27e: {  	[tilespmem:s16+$0xFFFFFDE0] =	vst v25;
	v59 =	vadd.f32 v56, v15;
	v47 =	vmul.f32 v34, v11;
	v49 =	vmul.f32 v40, v8  }
0x27f: {  	[tilespmem:s16+$0xFFFFFE10] =	vst v26;
	v53 =	vmul.f32 v34, v2;
	v35 =	vadd.f32 v41, v63;
	v31 =	vadd.f32 v31, v50  }
0x280: {  	[tilespmem:s16+$0xFFFFFE00] =	vst v48;
	v38 =	vadd.f32 v54, v21;
	v63 =	vmul.f32 v40, v10;
	v32 =	vadd.f32 v59, v60  }
0x281: {  	[tilespmem:s16+$0xFFFFFDD0] =	vst v27;
	v39 =	vadd.f32 v61, v12;
	v46 =	vadd.f32 v57, v62;
	v50 =	vmul.f32 v40, v6  }
0x282: {  	[tilespmem:s16+$0xFFFFFDF0] =	vst v24;
	v54 =	vmul.f32 v34, v1;
	v25 =	vadd.f32 v49, v7;
	v34 =	vmul.f32 v34, v0  }
0x283: {  	[tilespmem:s16+$0xFFFFFDC0] =	vst v30;
	v57 =	vadd.f32 v55, v3;
	v59 =	vmul.f32 v36, v22;
	v62 =	vmul.f32 v36, v16  }
0x284: {  	[tilespmem:s16+$0xFFFFFDB0] =	vst v29;
	v55 =	vmul.f32 v36, v6;
	v38 =	vadd.f32 v38, v58;
	v48 =	vadd.f32 v63, v9  }
0x285: {  	[tilespmem:s16+$0xFFFFFD80] =	vst v37;
	v37 =	vmul.f32 v44, v13;
	v33 =	vadd.f32 v39, v45;
	v56 =	vadd.f32 v50, v5  }
0x286: {  	v39 =	vbroadcast v42, $0x1;
	[tilespmem:s16+$0xFFFFFDA0] =	vst v35;
	v25 =	vadd.f32 v25, v53;
	v58 =	vmul.f32 v36, v19  }
0x287: {  	[tilespmem:s16+$0xFFFFFD90] =	vst v31;
	v27 =	vadd.f32 v57, v34;
	v29 =	vadd.f32 v59, v21;
	v63 =	vmul.f32 v36, v13  }
0x288: {  	[tilespmem:s16+$0xFFFFFD60] =	vst v46;
	v45 =	vmul.f32 v36, v8;
	v46 =	vmul.f32 v36, v10;
	v34 =	vadd.f32 v62, v15  }
0x289: {  	[tilespmem:s16+$0xFFFFFD50] =	vst v32;
	v59 =	vmul.f32 v44, v22;
	v62 =	vmul.f32 v43, v20;
	v32 =	vadd.f32 v37, v12  }
0x28a: {  	v26 =	vadd.f32 v48, v47;
	v28 =	vadd.f32 v56, v54;
	v60 =	vmul.f32 v39, v20;
	[tilespmem:s16+$0xFFFFFD70] =	vst v38  }
0x28b: {  	v61 =	vmul.f32 v39, v23;
	v30 =	vadd.f32 v58, v18;
	v40 =	vmul.f32 v39, v17;
	[tilespmem:s16+$0xFFFFFD40] =	vst v33  }
0x28c: {  	v41 =	vmul.f32 v39, v14;
	v42 =	vadd.f32 v63, v12;
	v47 =	vmul.f32 v39, v11;
	[tilespmem:s16+$0xFFFFFD20] =	vst v25  }
0x28d: {  	v49 =	vmul.f32 v39, v2;
	v50 =	vadd.f32 v45, v7;
	v53 =	vadd.f32 v46, v9;
	[tilespmem:s16+$0xFFFFFD00] =	vst v27  }
0x28e: {  	v54 =	vmul.f32 v36, v4;
	v56 =	vmul.f32 v39, v1;
	v29 =	vadd.f32 v29, v61;
	[tilespmem:s16+$0xFFFFFD30] =	vst v26  }
0x28f: {  	v57 =	vmul.f32 v39, v0;
	v38 =	vmul.f32 v44, v16;
	v30 =	vadd.f32 v30, v60;
	[tilespmem:s16+$0xFFFFFD10] =	vst v28  }
0x290: {  	v39 =	vmul.f32 v43, v17;
	v45 =	vmul.f32 v51, v13;
	v24 =	vadd.f32 v34, v40;
	[tilespmem:s16+$0xFFFFFCF0] =	vst v29  }
0x291: {  	v46 =	vmul.f32 v51, v10;
	v48 =	vadd.f32 v42, v41;
	v31 =	vadd.f32 v50, v49;
	[tilespmem:s16+$0xFFFFFCE0] =	vst v30  }
0x292: {  	v25 =	vadd.f32 v53, v47;
	v28 =	vadd.f32 v55, v5;
	v60 =	vmul.f32 v44, v19;
	[tilespmem:s16+$0xFFFFFCD0] =	vst v24  }
0x293: {  	v58 =	vadd.f32 v54, v3;
	v61 =	vmul.f32 v43, v23;
	v40 =	vmul.f32 v43, v14;
	[tilespmem:s16+$0xFFFFFCC0] =	vst v48  }
0x294: {  	v41 =	vmul.f32 v44, v4;
	v26 =	vadd.f32 v38, v15;
	v63 =	vadd.f32 v28, v56;
	[tilespmem:s16+$0xFFFFFCB0] =	vst v25  }
0x295: {  	v42 =	vmul.f32 v43, v0;
	v53 =	vadd.f32 v46, v9;
	v27 =	vadd.f32 v58, v57;
	[tilespmem:s16+$0xFFFFFCA0] =	vst v31  }
0x296: {  	v43 =	vmul.f32 v51, v16;
	v29 =	vadd.f32 v59, v21;
	v26 =	vadd.f32 v26, v39;
	[tilespmem:s16+$0xFFFFFC90] =	vst v63  }
0x297: {  	v44 =	vmul.f32 v52, v17;
	v36 =	vadd.f32 v60, v18;
	v25 =	vadd.f32 v32, v40;
	[tilespmem:s16+$0xFFFFFC80] =	vst v27  }
0x298: {  	v50 =	vmul.f32 v51, v8;
	v30 =	vadd.f32 v41, v3;
	v29 =	vadd.f32 v29, v61;
	[tilespmem:s16+$0xFFFFFC50] =	vst v26  }
0x299: {  	v54 =	vmul.f32 v51, v6;
	v31 =	vadd.f32 v43, v15;
	v28 =	vadd.f32 v36, v62;
	[tilespmem:s16+$0xFFFFFC40] =	vst v25  }
0x29a: {  	v48 =	vmul.f32 v52, v11;
	v57 =	vmul.f32 v51, v4;
	v24 =	vadd.f32 v30, v42;
	[tilespmem:s16+$0xFFFFFC70] =	vst v29  }
0x29b: {  	v58 =	vmul.f32 v52, v1;
	v59 =	vadd.f32 v54, v5;
	v49 =	vadd.f32 v31, v44;
	[tilespmem:s16+$0xFFFFFC60] =	vst v28  }
0x29c: {  	v55 =	vmul.f32 v52, v2;
	v27 =	vadd.f32 v50, v7;
	v25 =	vadd.f32 v53, v48;
	[tilespmem:s16+$0xFFFFFC00] =	vst v24  }
0x29d: {  	s17 =	sshll.u32 s15, $0xE;
	s30 =	sshll.u32 s15, $0xB;
	s15 =	sadd.s32 $0x1, s15;
	v60 =	vmul.f32 v52, v0;
	v62 =	vadd.f32 v57, v3;
	v26 =	vadd.f32 v59, v58;
	[tilespmem:s16+$0x3D0] =	vst v49  }
0x29e: {  	p0 =	sne.s32 s15, $0x4;
	v47 =	vmul.f32 v52, v14;
	v29 =	vadd.f32 v45, v12;
	v61 =	vadd.f32 v27, v55;
	[tilespmem:s16+$0x3B0] =	vst v25  }
.Ltmp1:
0x29f: {  	v63 =	vadd.f32 v62, v60;
	[tilespmem:s16+$0x390] =	vst v26;
	(pc) =	sbr.rel @p0 .LBB2_2-.Ltmp1, $4  }
0x2a0: {  	v56 =	vadd.f32 v29, v47;
	[tilespmem:s16+$0x3A0] =	vst v61  }
0x2a1: {  	s14 =	sadd.s32 $0x80, s14;
	s12 =	sadd.s32 $0x80, s12;
	s17 =	sand.u32 $0x3FFFC000, s17;
	[tilespmem:s16+$0x380] =	vst v63  }
0x2a2: {  	s13 =	sadd.s32 $0x4000, s13;
	s31 =	sadd.s32 s30, s6;
	s17 =	sor.u32 $0x600, s17;
	[tilespmem:s16+$0x3C0] =	vst v56  }
0x2a3: {  	[hbm4b:s31+s3] =	stream.linear.scatter [tilespmem:s17], [sflag:$0x2], $0x4000, $0x38;
	[tilespmem:$0x10600] =	vst v63  }
0x2a4: {  	_ =	swait.ge [sflag:s10], $0x4000  }
0x2a5: {  	[sflag:s10] =	ssyncset.done $0x0  }
0x2a6: {  	[sflag:s10] =	ssyncadd.s32 $0xFFFFC000  }
0x2a7: {  	_ =	swait.ge [sflag:s10], $0x4000  }
0x2a8: {  	[sflag:s10] =	ssyncset.done $0x0  }
0x2a9: {  	s11 =	sadd.s32 $0x1, s11;
	[sflag:s10] =	ssyncadd.s32 $0xFFFFC000  }
0x2aa: {  	p0 =	sne.s32 s11, s7;
	_ =	swait.ge [sflag:s10], $0x4000  }
.Ltmp2:
0x2ab: {  	[sflag:s10] =	ssyncset.done $0x0;
	(pc) =	sbr.rel @p0 .LBB2_1-.Ltmp2, $4  }
0x2ac: {  	[sflag:s10] =	ssyncadd.s32 $0xFFFFC000  }
0x2ad: {  	_ =	swait.ge [sflag:s10], $0x4000  }
0x2ae: {  	[sflag:s10] =	ssyncset.done $0x0  }
0x2af: {  	[sflag:s10] =	ssyncadd.s32 $0xFFFFC000  }
0x2b0: {  	_ =	sfence.sel $0x180000  }
0x2b1: {  	[bflag:$0x0] =	sbarrier.arrive $0xFFFF  }
0x2b2: {  	p0 =	sne.s32 s2, $0x0;
	_ =	strace $0x90000047  }
0x2b3: {  	s0 =	sadd.s32 @!p0 $0x100000, s0;
	[bflag:$0x2] =	sbarrier.arrive $0xFFFF  }
0x2b4: {  	[sflag:s0] =	ssyncadd.tile.s32 @!p0 $0x1;
	_ =	shalt  }
.Lfunc_end2:
_tile_overlayer_lowered:
.L_overlay_start_2:
0x2b5: {  	(tag) =	ssettag $0x2  }
0x2b6: {  	s0 =	rddreg [dreg:$0x0];
	s2 =	stileid.u32  }
0x2b7: {  	s1 =	rddreg [dreg:$0x1];
	p0 =	sne.s32 s2, $0x0  }
0x2b8: {  	s3 =	rddreg [dreg:$0x2];
	[bflag:$0x3] =	sbarrier.arrive $0xFFFF;
	s2 =	simm.s32 @!p0 $0x1C03  }
0x2b9: {  	[timem:s3], [sflag:s2] =	dma.local @!p0 [hbm:s0], s1  }
0x2ba: {  	s0 =	simm.s32 @!p0 $0x3  }
0x2bb: {  	_ =	swait.ge @!p0 [sflag:s0], s1  }
0x2bc: {  	s1 =	ssub.s32 @!p0 $0x0, s1;
	[sflag:s0] =	ssyncset.done @!p0 $0x0  }
0x2bd: {  	[sflag:s0] =	ssyncadd.s32 @!p0 s1  }
0x2be: {  	[bflag:$0x3] =	sbarrier.arrive $0xFFFF  }
0x2bf: {  	_ =	shalt  }

</sc_bundles>
